<compile_context>
chip_gen: v7x
topology: tpu7x:2x2x1
jax: 0.10.2.dev20260603
libtpu: 0.0.44.dev20260713+nightly
codegen_flags: <defaults>
</compile_context>

<pallas_src>
import functools

import jax
import jax.numpy as jnp
from jax import lax
from jax.experimental import pallas as pl
from jax.experimental.pallas import tpu as pltpu
from jax.experimental.pallas import tpu_sc as plsc

_NB = 2048
_NB2 = 2 * _NB
_U = 12.0
_SCALE = _NB / (2.0 * _U)
_N = 8 * 512 * 512
_NC = 2
_NS = 16
_NW = _NC * _NS
_PER = _N // _NW
_CHUNK = 8192
_NCH = _PER // _CHUNK
_LANES = 16
_HWORDS = _LANES * _NB2


def _sc_body(x_hbm, lb_hbm, out_hbm, hist, xbuf, lbuf, stage, sem0, sem1):
    wid = lax.axis_index("s") * _NC + lax.axis_index("c")
    base = wid * _PER
    sems = (sem0, sem1)

    def issue(g):
        slot = g % 2
        off = base + g * _CHUNK
        hx = pltpu.async_copy(x_hbm.at[pl.ds(off, _CHUNK)], xbuf.at[slot],
                              sems[slot])
        hl = pltpu.async_copy(lb_hbm.at[pl.ds(off, _CHUNK)], lbuf.at[slot],
                              sems[slot])
        return (hx, hl)

    pending = issue(0)

    zeros16 = jnp.zeros((_LANES,), jnp.float32)

    @plsc.parallel_loop(0, _HWORDS, step=_LANES, unroll=8)
    def _zero(j):
        hist[pl.ds(j, _LANES)] = zeros16

    lane_off = lax.iota(jnp.int32, _LANES) * _NB2
    ones16 = jnp.ones((_LANES,), jnp.float32)
    a0 = 2.0 * _SCALE
    b0 = (_U - 1.0) * _SCALE
    b1 = (_U + 1.0) * _SCALE
    base0 = lane_off + (_NB - 1)
    base1 = lane_off + (_NB2 - 1)
    vmaxf = float(_NB) - 0.5

    for g in range(_NCH):
        nxt = issue(g + 1) if g + 1 < _NCH else None
        pending[0].wait()
        pending[1].wait()
        slot = g % 2

        @plsc.parallel_loop(0, _CHUNK, step=_LANES, unroll=8)
        def _accum(i):
            x = xbuf[slot, pl.ds(i, _LANES)]
            lb = lbuf[slot, pl.ds(i, _LANES)]
            pos = lb > 0
            a = jnp.where(pos, -a0, a0)
            b = jnp.where(pos, b1, b0)
            v = a * x + b
            v = jnp.minimum(jnp.maximum(v, 0.0), vmaxf)
            bi = v.astype(jnp.int32)
            base = jnp.where(pos, base1, base0)
            idx = base - bi
            plsc.addupdate_scatter(hist, [idx], ones16)
        if nxt is not None:
            pending = nxt

    @plsc.parallel_loop(0, _NB2, step=_LANES, unroll=2)
    def _reduce(j):
        acc = hist[pl.ds(j, _LANES)]
        for l in range(1, _LANES):
            acc = acc + hist[pl.ds(l * _NB2 + j, _LANES)]
        stage[pl.ds(j, _LANES)] = acc
    pltpu.sync_copy(stage, out_hbm.at[wid])


_sc_hist = functools.partial(
    pl.kernel,
    out_type=jax.ShapeDtypeStruct((_NW, _NB2), jnp.float32),
    mesh=plsc.VectorSubcoreMesh(core_axis_name="c", subcore_axis_name="s"),
    scratch_types=[
        pltpu.VMEM((_HWORDS,), jnp.float32),
        pltpu.VMEM((2, _CHUNK), jnp.float32),
        pltpu.VMEM((2, _CHUNK), jnp.int32),
        pltpu.VMEM((_NB2,), jnp.float32),
        pltpu.SemaphoreType.DMA,
        pltpu.SemaphoreType.DMA,
    ],
    compiler_params=pltpu.CompilerParams(needs_layout_passes=False),
)(_sc_body)


def _tc_finish(h_ref, o_ref):
    h = h_ref[...]
    cnt = jnp.sum(h, axis=0)
    c0 = cnt[0]
    c1 = cnt[1]

    i128r = lax.broadcasted_iota(jnp.int32, (128, 128), 0)
    i128c = lax.broadcasted_iota(jnp.int32, (128, 128), 1)
    umat = (i128r <= i128c).astype(jnp.float32)
    i16r = lax.broadcasted_iota(jnp.int32, (16, 16), 0)
    i16c = lax.broadcasted_iota(jnp.int32, (16, 16), 1)
    lmat = (i16c < i16r).astype(jnp.float32)

    def incl_cumsum(c):
        srow = lax.dot_general(c, umat, (((1,), (0,)), ((), ())),
                               precision=lax.Precision.HIGHEST,
                               preferred_element_type=jnp.float32)
        rowsum = jnp.sum(c, axis=1, keepdims=True)
        offs = lax.dot_general(lmat, rowsum, (((1,), (0,)), ((), ())),
                               precision=lax.Precision.HIGHEST,
                               preferred_element_type=jnp.float32)
        return srow + offs

    s0 = incl_cumsum(c0)
    s1 = incl_cumsum(c1)
    t = s0 + s1
    n0 = jnp.sum(c0)
    n1 = jnp.sum(c1)

    def jacc(nc, sc, so):
        return jnp.where(t == 0.0, 0.0,
                         1.0 - (nc - sc) / jnp.maximum(nc + so, 1.0))

    j0 = jacc(n0, s0, s1)
    j1 = jacc(n1, s1, s0)

    k = (lax.broadcasted_iota(jnp.int32, (16, 128), 0) * 128
         + lax.broadcasted_iota(jnp.int32, (16, 128), 1)).astype(jnp.float32)
    du = 2.0 * _U / _NB
    ucent = _U - (k + 0.5) * du
    ebar = 1.0 / (1.0 + jnp.exp(-ucent))
    ebar_next = 1.0 / (1.0 + jnp.exp(-(ucent - du)))
    w = ebar - jnp.where(k == float(_NB - 1), 0.0, ebar_next)

    loss = 0.5 * (jnp.sum(w * j0) + jnp.sum(w * j1))
    o_ref[...] = jnp.broadcast_to(loss, (1, 1))


def kernel(logits, label):
    xf = logits.reshape(-1)
    lb = label.astype(jnp.int32).reshape(-1)
    part = _sc_hist(xf, lb)
    part4 = part.reshape(_NW, 2, 16, 128)
    out = pl.pallas_call(
        _tc_finish,
        out_shape=jax.ShapeDtypeStruct((1, 1), jnp.float32),
    )(part4)
    return out[0, 0]

# --- scband reference (transcript-rebuilt; emitter-appended) ---
"""Pipeline reference for scband-lovasz-softmax-v1-32744830664867 (READ-ONLY COPY).

The authoritative reference and input builder live on the scoring server;
editing this copy changes nothing except your own understanding.
"""

import jax, jax.numpy as jnp
import numpy as np

LB_IGNORE = -100


def setup_inputs(seed: int = 0) -> dict:
    key = jax.random.key(seed)
    k1, k2 = jax.random.split(key)
    logits = jax.random.normal(k1, (8, 1, 512, 512), dtype=jnp.float32)
    label = jax.random.randint(k2, (8, 512, 512), 0, 2, dtype=jnp.int64)
    return {"logits": logits, "label": label}


def reference(logits, label):
    # logitsvv = 1 - logits; cat along channel dim -> 2 classes
    logitsvv = 1.0 - logits
    lg = jnp.concatenate((logitsvv, logits), axis=1)
    n, c, h, w = lg.shape
    lg = jnp.transpose(lg, (1, 0, 2, 3)).reshape(c, -1).astype(jnp.float32)
    lb = label.reshape(-1)
    # ignore-index filtering: by construction labels are in {0,1}, so no pixel
    # equals LB_IGNORE and idx selects all columns (shape-static for jit).
    probs = jax.nn.softmax(lg, axis=0)
    # scatter_(0, label, 1) -> one-hot over class dim, detached
    lb_one_hot = jax.lax.stop_gradient(
        jax.nn.one_hot(lb, c, dtype=probs.dtype).T)  # [c, N]
    errs = jnp.abs(lb_one_hot - probs)
    # descending sort; use a single argsort so values and order are consistent
    errs_order = jnp.argsort(-errs, axis=1)
    errs_sort = jnp.take_along_axis(errs, errs_order, axis=1)
    lb_one_hot_sort = jnp.take_along_axis(lb_one_hot, errs_order, axis=1)
    # Lovasz gradient of Jaccard (no_grad block in torch)
    n_pos = jnp.sum(lb_one_hot_sort, axis=1, keepdims=True)
    inter = n_pos - jnp.cumsum(lb_one_hot_sort, axis=1)
    union = n_pos + jnp.cumsum(1.0 - lb_one_hot_sort, axis=1)
    jacc = 1.0 - inter / union
    n_samples = errs.shape[1]
    if n_samples > 1:
        jacc = jnp.concatenate([jacc[:, :1], jacc[:, 1:] - jacc[:, :-1]], axis=1)
    jacc = jax.lax.stop_gradient(jacc)
    losses = jnp.einsum('ab,ab->a', errs_sort, jacc)
    return jnp.mean(losses)

if __name__ == "__main__":
    import jax
    _d = setup_inputs()
    print(jax.jit(kernel)(*tuple(_d.values())))

</pallas_src>

<mosaic_0001>
#map = affine_map<(d0, d1) -> (0)>
#map1 = affine_map<(d0, d1) -> (0, 0)>
module attributes {stable_mosaic.version = 14 : i64} {
  func.func @_sc_body(%arg0: i32, %arg1: i32, %arg2: memref<2097152xf32, #tpu.memory_space<hbm>>, %arg3: memref<2097152xi32, #tpu.memory_space<hbm>>, %arg4: memref<32x4096xf32, #tpu.memory_space<hbm>>, %arg5: memref<65536xf32, #tpu.memory_space<vmem>>, %arg6: memref<2x8192xf32, #tpu.memory_space<vmem>>, %arg7: memref<2x8192xi32, #tpu.memory_space<vmem>>, %arg8: memref<4096xf32, #tpu.memory_space<vmem>>, %arg9: memref<!tpu.dma_semaphore, #tpu.memory_space<semaphore_mem>>, %arg10: memref<!tpu.dma_semaphore, #tpu.memory_space<semaphore_mem>>) attributes {dimension_semantics = [#tpu.dimension_semantics<core_parallel>, #tpu.dimension_semantics<subcore_parallel>], iteration_bounds = array<i64: 2, 16>, scalar_prefetch = 0 : i64, scratch_operands = 6 : i64, tpu.core_type = #tpu.core_type<sc_vector_subcore>, window_params = [{transform_indices = #map}, {transform_indices = #map}, {transform_indices = #map1}]} {
    %mul3A = arith.constant 2 : i32
    %mul3A_0 = arith.muli %arg1, %mul3A : i32
    %add3A = arith.addi %mul3A_0, %arg0 : i32
    %mul3A_1 = arith.constant 65536 : i32
    %mul3A_2 = arith.muli %add3A, %mul3A_1 : i32
    %add3A_3 = arith.constant 0 : i32
    %add3A_4 = arith.addi %mul3A_2, %add3A_3 : i32
    %dma_start3A = arith.constant 0 : i32
    %dma_start3A_5 = arith.constant 0 : i32
    %dma_start3A_6 = tpu.memref_slice %arg6[%dma_start3A, %dma_start3A_5] : memref<2x8192xf32, #tpu.memory_space<vmem>> -> memref<1x8192xf32, #tpu.memory_space<vmem>>
    %dma_start3A_7 = tpu.memref_squeeze %dma_start3A_6 : memref<1x8192xf32, #tpu.memory_space<vmem>> -> memref<8192xf32, #tpu.memory_space<vmem>>
    %dma_start3A_8 = tpu.memref_slice %arg2[%add3A_4] : memref<2097152xf32, #tpu.memory_space<hbm>> -> memref<8192xf32, #tpu.memory_space<hbm>>
    %dma_start3A_9 = arith.constant 0 : i32
    %dma_start3A_10 = tpu.memref_slice %arg6[%dma_start3A, %dma_start3A_9] : memref<2x8192xf32, #tpu.memory_space<vmem>> -> memref<1x8192xf32, #tpu.memory_space<vmem>>
    %dma_start3A_11 = tpu.memref_squeeze %dma_start3A_10 : memref<1x8192xf32, #tpu.memory_space<vmem>> -> memref<8192xf32, #tpu.memory_space<vmem>>
    %dma_start3A_12 = tpu.memref_slice %arg2[%add3A_4] : memref<2097152xf32, #tpu.memory_space<hbm>> -> memref<8192xf32, #tpu.memory_space<hbm>>
    tpu.enqueue_dma source(%dma_start3A_12 : memref<8192xf32, #tpu.memory_space<hbm>>) target(%dma_start3A_11 : memref<8192xf32, #tpu.memory_space<vmem>>) target_semaphore(%arg9 : memref<!tpu.dma_semaphore, #tpu.memory_space<semaphore_mem>>)
    %dma_start3A_13 = arith.constant 0 : i32
    %dma_start3A_14 = arith.constant 0 : i32
    %dma_start3A_15 = tpu.memref_slice %arg7[%dma_start3A_13, %dma_start3A_14] : memref<2x8192xi32, #tpu.memory_space<vmem>> -> memref<1x8192xi32, #tpu.memory_space<vmem>>
    %dma_start3A_16 = tpu.memref_squeeze %dma_start3A_15 : memref<1x8192xi32, #tpu.memory_space<vmem>> -> memref<8192xi32, #tpu.memory_space<vmem>>
    %dma_start3A_17 = tpu.memref_slice %arg3[%add3A_4] : memref<2097152xi32, #tpu.memory_space<hbm>> -> memref<8192xi32, #tpu.memory_space<hbm>>
    %dma_start3A_18 = arith.constant 0 : i32
    %dma_start3A_19 = tpu.memref_slice %arg7[%dma_start3A_13, %dma_start3A_18] : memref<2x8192xi32, #tpu.memory_space<vmem>> -> memref<1x8192xi32, #tpu.memory_space<vmem>>
    %dma_start3A_20 = tpu.memref_squeeze %dma_start3A_19 : memref<1x8192xi32, #tpu.memory_space<vmem>> -> memref<8192xi32, #tpu.memory_space<vmem>>
    %dma_start3A_21 = tpu.memref_slice %arg3[%add3A_4] : memref<2097152xi32, #tpu.memory_space<hbm>> -> memref<8192xi32, #tpu.memory_space<hbm>>
    tpu.enqueue_dma source(%dma_start3A_21 : memref<8192xi32, #tpu.memory_space<hbm>>) target(%dma_start3A_20 : memref<8192xi32, #tpu.memory_space<vmem>>) target_semaphore(%arg9 : memref<!tpu.dma_semaphore, #tpu.memory_space<semaphore_mem>>)
    %broadcast_in_dim3A = arith.constant 0.000000e+00 : f32
    %broadcast_in_dim3A_22 = vector.broadcast %broadcast_in_dim3A : f32 to vector<16xf32>
    %parallel_loop3A = arith.constant 0 : i32
    %parallel_loop3A_23 = arith.constant 65536 : i32
    %parallel_loop3A_24 = arith.constant 16 : i32
    scf.for %parallel_loop3A_346 = %parallel_loop3A to %parallel_loop3A_23 step %parallel_loop3A_24  : i32 {
      %parallel_loop3A_347 = arith.index_cast %parallel_loop3A_346 : i32 to index
      %parallel_loop3A_348 = tpu.vector_load %arg5[%parallel_loop3A_347] {strides = array<i32>} : memref<65536xf32, #tpu.memory_space<vmem>>, vector<16xf32>,
      tpu.vector_store %arg5[%parallel_loop3A_347], %broadcast_in_dim3A_22 {strides = array<i32>} : memref<65536xf32, #tpu.memory_space<vmem>>, vector<16xf32>,
    } {sc.loop_unroll_factor = 8 : i64, sc.parallel_access}
    %iota3A = tpu.iota {dimensions = array<i32: 0>} : vector<16xi32>
    %mul3A_25 = arith.constant 4096 : i32
    %mul3A_26 = vector.broadcast %mul3A_25 : i32 to vector<16xi32>
    %mul3A_27 = arith.muli %iota3A, %mul3A_26 : vector<16xi32>
    %broadcast_in_dim3A_28 = arith.constant 1.000000e+00 : f32
    %broadcast_in_dim3A_29 = vector.broadcast %broadcast_in_dim3A_28 : f32 to vector<16xf32>
    %add3A_30 = arith.constant 2047 : i32
    %add3A_31 = vector.broadcast %add3A_30 : i32 to vector<16xi32>
    %add3A_32 = arith.addi %mul3A_27, %add3A_31 : vector<16xi32>
    %add3A_33 = arith.constant 4095 : i32
    %add3A_34 = vector.broadcast %add3A_33 : i32 to vector<16xi32>
    %add3A_35 = arith.addi %mul3A_27, %add3A_34 : vector<16xi32>
    %add3A_36 = arith.constant 8192 : i32
    %add3A_37 = arith.addi %mul3A_2, %add3A_36 : i32
    %dma_start3A_38 = arith.constant 1 : i32
    %dma_start3A_39 = arith.constant 0 : i32
    %dma_start3A_40 = tpu.memref_slice %arg6[%dma_start3A_38, %dma_start3A_39] : memref<2x8192xf32, #tpu.memory_space<vmem>> -> memref<1x8192xf32, #tpu.memory_space<vmem>>
    %dma_start3A_41 = tpu.memref_squeeze %dma_start3A_40 : memref<1x8192xf32, #tpu.memory_space<vmem>> -> memref<8192xf32, #tpu.memory_space<vmem>>
    %dma_start3A_42 = tpu.memref_slice %arg2[%add3A_37] : memref<2097152xf32, #tpu.memory_space<hbm>> -> memref<8192xf32, #tpu.memory_space<hbm>>
    %dma_start3A_43 = arith.constant 0 : i32
    %dma_start3A_44 = tpu.memref_slice %arg6[%dma_start3A_38, %dma_start3A_43] : memref<2x8192xf32, #tpu.memory_space<vmem>> -> memref<1x8192xf32, #tpu.memory_space<vmem>>
    %dma_start3A_45 = tpu.memref_squeeze %dma_start3A_44 : memref<1x8192xf32, #tpu.memory_space<vmem>> -> memref<8192xf32, #tpu.memory_space<vmem>>
    %dma_start3A_46 = tpu.memref_slice %arg2[%add3A_37] : memref<2097152xf32, #tpu.memory_space<hbm>> -> memref<8192xf32, #tpu.memory_space<hbm>>
    tpu.enqueue_dma source(%dma_start3A_46 : memref<8192xf32, #tpu.memory_space<hbm>>) target(%dma_start3A_45 : memref<8192xf32, #tpu.memory_space<vmem>>) target_semaphore(%arg10 : memref<!tpu.dma_semaphore, #tpu.memory_space<semaphore_mem>>)
    %dma_start3A_47 = arith.constant 1 : i32
    %dma_start3A_48 = arith.constant 0 : i32
    %dma_start3A_49 = tpu.memref_slice %arg7[%dma_start3A_47, %dma_start3A_48] : memref<2x8192xi32, #tpu.memory_space<vmem>> -> memref<1x8192xi32, #tpu.memory_space<vmem>>
    %dma_start3A_50 = tpu.memref_squeeze %dma_start3A_49 : memref<1x8192xi32, #tpu.memory_space<vmem>> -> memref<8192xi32, #tpu.memory_space<vmem>>
    %dma_start3A_51 = tpu.memref_slice %arg3[%add3A_37] : memref<2097152xi32, #tpu.memory_space<hbm>> -> memref<8192xi32, #tpu.memory_space<hbm>>
    %dma_start3A_52 = arith.constant 0 : i32
    %dma_start3A_53 = tpu.memref_slice %arg7[%dma_start3A_47, %dma_start3A_52] : memref<2x8192xi32, #tpu.memory_space<vmem>> -> memref<1x8192xi32, #tpu.memory_space<vmem>>
    %dma_start3A_54 = tpu.memref_squeeze %dma_start3A_53 : memref<1x8192xi32, #tpu.memory_space<vmem>> -> memref<8192xi32, #tpu.memory_space<vmem>>
    %dma_start3A_55 = tpu.memref_slice %arg3[%add3A_37] : memref<2097152xi32, #tpu.memory_space<hbm>> -> memref<8192xi32, #tpu.memory_space<hbm>>
    tpu.enqueue_dma source(%dma_start3A_55 : memref<8192xi32, #tpu.memory_space<hbm>>) target(%dma_start3A_54 : memref<8192xi32, #tpu.memory_space<vmem>>) target_semaphore(%arg10 : memref<!tpu.dma_semaphore, #tpu.memory_space<semaphore_mem>>)
    %dma_wait3A = arith.constant 0 : i32
    %dma_wait3A_56 = arith.constant 0 : i32
    %dma_wait3A_57 = tpu.memref_slice %arg6[%dma_wait3A, %dma_wait3A_56] : memref<2x8192xf32, #tpu.memory_space<vmem>> -> memref<1x8192xf32, #tpu.memory_space<vmem>>
    %dma_wait3A_58 = tpu.memref_squeeze %dma_wait3A_57 : memref<1x8192xf32, #tpu.memory_space<vmem>> -> memref<8192xf32, #tpu.memory_space<vmem>>
    %dma_wait3A_59 = tpu.memref_slice %arg2[%add3A_4] : memref<2097152xf32, #tpu.memory_space<hbm>> -> memref<8192xf32, #tpu.memory_space<hbm>>
    %dma_wait3A_60 = arith.constant 0 : i32
    %dma_wait3A_61 = tpu.memref_slice %arg6[%dma_wait3A, %dma_wait3A_60] : memref<2x8192xf32, #tpu.memory_space<vmem>> -> memref<1x8192xf32, #tpu.memory_space<vmem>>
    %dma_wait3A_62 = tpu.memref_squeeze %dma_wait3A_61 : memref<1x8192xf32, #tpu.memory_space<vmem>> -> memref<8192xf32, #tpu.memory_space<vmem>>
    %dma_wait3A_63 = tpu.memref_slice %arg2[%add3A_4] : memref<2097152xf32, #tpu.memory_space<hbm>> -> memref<8192xf32, #tpu.memory_space<hbm>>
    tpu.wait_dma2 semaphore(%arg9 : memref<!tpu.dma_semaphore, #tpu.memory_space<semaphore_mem>>) src(%dma_wait3A_63 : memref<8192xf32, #tpu.memory_space<hbm>>) dst(%dma_wait3A_62 : memref<8192xf32, #tpu.memory_space<vmem>>)
    %dma_wait3A_64 = arith.constant 0 : i32
    %dma_wait3A_65 = arith.constant 0 : i32
    %dma_wait3A_66 = tpu.memref_slice %arg7[%dma_wait3A_64, %dma_wait3A_65] : memref<2x8192xi32, #tpu.memory_space<vmem>> -> memref<1x8192xi32, #tpu.memory_space<vmem>>
    %dma_wait3A_67 = tpu.memref_squeeze %dma_wait3A_66 : memref<1x8192xi32, #tpu.memory_space<vmem>> -> memref<8192xi32, #tpu.memory_space<vmem>>
    %dma_wait3A_68 = tpu.memref_slice %arg3[%add3A_4] : memref<2097152xi32, #tpu.memory_space<hbm>> -> memref<8192xi32, #tpu.memory_space<hbm>>
    %dma_wait3A_69 = arith.constant 0 : i32
    %dma_wait3A_70 = tpu.memref_slice %arg7[%dma_wait3A_64, %dma_wait3A_69] : memref<2x8192xi32, #tpu.memory_space<vmem>> -> memref<1x8192xi32, #tpu.memory_space<vmem>>
    %dma_wait3A_71 = tpu.memref_squeeze %dma_wait3A_70 : memref<1x8192xi32, #tpu.memory_space<vmem>> -> memref<8192xi32, #tpu.memory_space<vmem>>
    %dma_wait3A_72 = tpu.memref_slice %arg3[%add3A_4] : memref<2097152xi32, #tpu.memory_space<hbm>> -> memref<8192xi32, #tpu.memory_space<hbm>>
    tpu.wait_dma2 semaphore(%arg9 : memref<!tpu.dma_semaphore, #tpu.memory_space<semaphore_mem>>) src(%dma_wait3A_72 : memref<8192xi32, #tpu.memory_space<hbm>>) dst(%dma_wait3A_71 : memref<8192xi32, #tpu.memory_space<vmem>>)
    %parallel_loop3A_73 = arith.constant 0 : i32
    %parallel_loop3A_74 = arith.constant 8192 : i32
    %parallel_loop3A_75 = arith.constant 16 : i32
    scf.for %parallel_loop3A_346 = %parallel_loop3A_73 to %parallel_loop3A_74 step %parallel_loop3A_75  : i32 {
      %parallel_loop3A_347 = arith.constant 0 : i32
      %parallel_loop3A_348 = arith.index_cast %parallel_loop3A_347 : i32 to index
      %parallel_loop3A_349 = arith.index_cast %parallel_loop3A_346 : i32 to index
      %parallel_loop3A_350 = tpu.vector_load %arg6[%parallel_loop3A_348, %parallel_loop3A_349] {strides = array<i32>} : memref<2x8192xf32, #tpu.memory_space<vmem>>, vector<16xf32>,
      %parallel_loop3A_351 = arith.constant 0 : i32
      %parallel_loop3A_352 = arith.index_cast %parallel_loop3A_351 : i32 to index
      %parallel_loop3A_353 = arith.index_cast %parallel_loop3A_346 : i32 to index
      %parallel_loop3A_354 = tpu.vector_load %arg7[%parallel_loop3A_352, %parallel_loop3A_353] {strides = array<i32>} : memref<2x8192xi32, #tpu.memory_space<vmem>>, vector<16xi32>,
      %parallel_loop3A_355 = arith.constant 0 : i32
      %parallel_loop3A_356 = vector.broadcast %parallel_loop3A_355 : i32 to vector<16xi32>
      %parallel_loop3A_357 = arith.cmpi sgt, %parallel_loop3A_354, %parallel_loop3A_356 : vector<16xi32>
      %parallel_loop3A_358 = arith.constant -170.666672 : f32
      %parallel_loop3A_359 = arith.constant 170.666672 : f32
      %parallel_loop3A_360 = vector.broadcast %parallel_loop3A_358 : f32 to vector<16xf32>
      %parallel_loop3A_361 = vector.broadcast %parallel_loop3A_359 : f32 to vector<16xf32>
      %parallel_loop3A_362 = arith.select %parallel_loop3A_357, %parallel_loop3A_360, %parallel_loop3A_361 : vector<16xi1>, vector<16xf32>
      %parallel_loop3A_363 = arith.constant 1109.33337 : f32
      %parallel_loop3A_364 = arith.constant 938.666687 : f32
      %parallel_loop3A_365 = vector.broadcast %parallel_loop3A_363 : f32 to vector<16xf32>
      %parallel_loop3A_366 = vector.broadcast %parallel_loop3A_364 : f32 to vector<16xf32>
      %parallel_loop3A_367 = arith.select %parallel_loop3A_357, %parallel_loop3A_365, %parallel_loop3A_366 : vector<16xi1>, vector<16xf32>
      %parallel_loop3A_368 = arith.mulf %parallel_loop3A_362, %parallel_loop3A_350 : vector<16xf32>
      %parallel_loop3A_369 = arith.addf %parallel_loop3A_368, %parallel_loop3A_367 : vector<16xf32>
      %parallel_loop3A_370 = arith.constant 0.000000e+00 : f32
      %parallel_loop3A_371 = vector.broadcast %parallel_loop3A_370 : f32 to vector<16xf32>
      %parallel_loop3A_372 = arith.maximumf %parallel_loop3A_369, %parallel_loop3A_371 : vector<16xf32>
      %parallel_loop3A_373 = arith.constant 2.047500e+03 : f32
      %parallel_loop3A_374 = vector.broadcast %parallel_loop3A_373 : f32 to vector<16xf32>
      %parallel_loop3A_375 = arith.minimumf %parallel_loop3A_372, %parallel_loop3A_374 : vector<16xf32>
      %parallel_loop3A_376 = arith.fptosi %parallel_loop3A_375 : vector<16xf32> to vector<16xi32>
      %parallel_loop3A_377 = arith.select %parallel_loop3A_357, %add3A_35, %add3A_32 : vector<16xi1>, vector<16xi32>
      %parallel_loop3A_378 = arith.subi %parallel_loop3A_377, %parallel_loop3A_376 : vector<16xi32>
      tpu.vector_store_idx %arg5[%parallel_loop3A_378], %broadcast_in_dim3A_29 {add = true} : memref<65536xf32, #tpu.memory_space<vmem>>[vector<16xi32>], vector<16xf32>,
    } {sc.loop_unroll_factor = 8 : i64, sc.parallel_access}
    %add3A_76 = arith.constant 16384 : i32
    %add3A_77 = arith.addi %mul3A_2, %add3A_76 : i32
    %dma_start3A_78 = arith.constant 0 : i32
    %dma_start3A_79 = arith.constant 0 : i32
    %dma_start3A_80 = tpu.memref_slice %arg6[%dma_start3A_78, %dma_start3A_79] : memref<2x8192xf32, #tpu.memory_space<vmem>> -> memref<1x8192xf32, #tpu.memory_space<vmem>>
    %dma_start3A_81 = tpu.memref_squeeze %dma_start3A_80 : memref<1x8192xf32, #tpu.memory_space<vmem>> -> memref<8192xf32, #tpu.memory_space<vmem>>
    %dma_start3A_82 = tpu.memref_slice %arg2[%add3A_77] : memref<2097152xf32, #tpu.memory_space<hbm>> -> memref<8192xf32, #tpu.memory_space<hbm>>
    %dma_start3A_83 = arith.constant 0 : i32
    %dma_start3A_84 = tpu.memref_slice %arg6[%dma_start3A_78, %dma_start3A_83] : memref<2x8192xf32, #tpu.memory_space<vmem>> -> memref<1x8192xf32, #tpu.memory_space<vmem>>
    %dma_start3A_85 = tpu.memref_squeeze %dma_start3A_84 : memref<1x8192xf32, #tpu.memory_space<vmem>> -> memref<8192xf32, #tpu.memory_space<vmem>>
    %dma_start3A_86 = tpu.memref_slice %arg2[%add3A_77] : memref<2097152xf32, #tpu.memory_space<hbm>> -> memref<8192xf32, #tpu.memory_space<hbm>>
    tpu.enqueue_dma source(%dma_start3A_86 : memref<8192xf32, #tpu.memory_space<hbm>>) target(%dma_start3A_85 : memref<8192xf32, #tpu.memory_space<vmem>>) target_semaphore(%arg9 : memref<!tpu.dma_semaphore, #tpu.memory_space<semaphore_mem>>)
    %dma_start3A_87 = arith.constant 0 : i32
    %dma_start3A_88 = arith.constant 0 : i32
    %dma_start3A_89 = tpu.memref_slice %arg7[%dma_start3A_87, %dma_start3A_88] : memref<2x8192xi32, #tpu.memory_space<vmem>> -> memref<1x8192xi32, #tpu.memory_space<vmem>>
    %dma_start3A_90 = tpu.memref_squeeze %dma_start3A_89 : memref<1x8192xi32, #tpu.memory_space<vmem>> -> memref<8192xi32, #tpu.memory_space<vmem>>
    %dma_start3A_91 = tpu.memref_slice %arg3[%add3A_77] : memref<2097152xi32, #tpu.memory_space<hbm>> -> memref<8192xi32, #tpu.memory_space<hbm>>
    %dma_start3A_92 = arith.constant 0 : i32
    %dma_start3A_93 = tpu.memref_slice %arg7[%dma_start3A_87, %dma_start3A_92] : memref<2x8192xi32, #tpu.memory_space<vmem>> -> memref<1x8192xi32, #tpu.memory_space<vmem>>
    %dma_start3A_94 = tpu.memref_squeeze %dma_start3A_93 : memref<1x8192xi32, #tpu.memory_space<vmem>> -> memref<8192xi32, #tpu.memory_space<vmem>>
    %dma_start3A_95 = tpu.memref_slice %arg3[%add3A_77] : memref<2097152xi32, #tpu.memory_space<hbm>> -> memref<8192xi32, #tpu.memory_space<hbm>>
    tpu.enqueue_dma source(%dma_start3A_95 : memref<8192xi32, #tpu.memory_space<hbm>>) target(%dma_start3A_94 : memref<8192xi32, #tpu.memory_space<vmem>>) target_semaphore(%arg9 : memref<!tpu.dma_semaphore, #tpu.memory_space<semaphore_mem>>)
    %dma_wait3A_96 = arith.constant 1 : i32
    %dma_wait3A_97 = arith.constant 0 : i32
    %dma_wait3A_98 = tpu.memref_slice %arg6[%dma_wait3A_96, %dma_wait3A_97] : memref<2x8192xf32, #tpu.memory_space<vmem>> -> memref<1x8192xf32, #tpu.memory_space<vmem>>
    %dma_wait3A_99 = tpu.memref_squeeze %dma_wait3A_98 : memref<1x8192xf32, #tpu.memory_space<vmem>> -> memref<8192xf32, #tpu.memory_space<vmem>>
    %dma_wait3A_100 = tpu.memref_slice %arg2[%add3A_37] : memref<2097152xf32, #tpu.memory_space<hbm>> -> memref<8192xf32, #tpu.memory_space<hbm>>
    %dma_wait3A_101 = arith.constant 0 : i32
    %dma_wait3A_102 = tpu.memref_slice %arg6[%dma_wait3A_96, %dma_wait3A_101] : memref<2x8192xf32, #tpu.memory_space<vmem>> -> memref<1x8192xf32, #tpu.memory_space<vmem>>
    %dma_wait3A_103 = tpu.memref_squeeze %dma_wait3A_102 : memref<1x8192xf32, #tpu.memory_space<vmem>> -> memref<8192xf32, #tpu.memory_space<vmem>>
    %dma_wait3A_104 = tpu.memref_slice %arg2[%add3A_37] : memref<2097152xf32, #tpu.memory_space<hbm>> -> memref<8192xf32, #tpu.memory_space<hbm>>
    tpu.wait_dma2 semaphore(%arg10 : memref<!tpu.dma_semaphore, #tpu.memory_space<semaphore_mem>>) src(%dma_wait3A_104 : memref<8192xf32, #tpu.memory_space<hbm>>) dst(%dma_wait3A_103 : memref<8192xf32, #tpu.memory_space<vmem>>)
    %dma_wait3A_105 = arith.constant 1 : i32
    %dma_wait3A_106 = arith.constant 0 : i32
    %dma_wait3A_107 = tpu.memref_slice %arg7[%dma_wait3A_105, %dma_wait3A_106] : memref<2x8192xi32, #tpu.memory_space<vmem>> -> memref<1x8192xi32, #tpu.memory_space<vmem>>
    %dma_wait3A_108 = tpu.memref_squeeze %dma_wait3A_107 : memref<1x8192xi32, #tpu.memory_space<vmem>> -> memref<8192xi32, #tpu.memory_space<vmem>>
    %dma_wait3A_109 = tpu.memref_slice %arg3[%add3A_37] : memref<2097152xi32, #tpu.memory_space<hbm>> -> memref<8192xi32, #tpu.memory_space<hbm>>
    %dma_wait3A_110 = arith.constant 0 : i32
    %dma_wait3A_111 = tpu.memref_slice %arg7[%dma_wait3A_105, %dma_wait3A_110] : memref<2x8192xi32, #tpu.memory_space<vmem>> -> memref<1x8192xi32, #tpu.memory_space<vmem>>
    %dma_wait3A_112 = tpu.memref_squeeze %dma_wait3A_111 : memref<1x8192xi32, #tpu.memory_space<vmem>> -> memref<8192xi32, #tpu.memory_space<vmem>>
    %dma_wait3A_113 = tpu.memref_slice %arg3[%add3A_37] : memref<2097152xi32, #tpu.memory_space<hbm>> -> memref<8192xi32, #tpu.memory_space<hbm>>
    tpu.wait_dma2 semaphore(%arg10 : memref<!tpu.dma_semaphore, #tpu.memory_space<semaphore_mem>>) src(%dma_wait3A_113 : memref<8192xi32, #tpu.memory_space<hbm>>) dst(%dma_wait3A_112 : memref<8192xi32, #tpu.memory_space<vmem>>)
    %parallel_loop3A_114 = arith.constant 0 : i32
    %parallel_loop3A_115 = arith.constant 8192 : i32
    %parallel_loop3A_116 = arith.constant 16 : i32
    scf.for %parallel_loop3A_346 = %parallel_loop3A_114 to %parallel_loop3A_115 step %parallel_loop3A_116  : i32 {
      %parallel_loop3A_347 = arith.constant 1 : i32
      %parallel_loop3A_348 = arith.index_cast %parallel_loop3A_347 : i32 to index
      %parallel_loop3A_349 = arith.index_cast %parallel_loop3A_346 : i32 to index
      %parallel_loop3A_350 = tpu.vector_load %arg6[%parallel_loop3A_348, %parallel_loop3A_349] {strides = array<i32>} : memref<2x8192xf32, #tpu.memory_space<vmem>>, vector<16xf32>,
      %parallel_loop3A_351 = arith.constant 1 : i32
      %parallel_loop3A_352 = arith.index_cast %parallel_loop3A_351 : i32 to index
      %parallel_loop3A_353 = arith.index_cast %parallel_loop3A_346 : i32 to index
      %parallel_loop3A_354 = tpu.vector_load %arg7[%parallel_loop3A_352, %parallel_loop3A_353] {strides = array<i32>} : memref<2x8192xi32, #tpu.memory_space<vmem>>, vector<16xi32>,
      %parallel_loop3A_355 = arith.constant 0 : i32
      %parallel_loop3A_356 = vector.broadcast %parallel_loop3A_355 : i32 to vector<16xi32>
      %parallel_loop3A_357 = arith.cmpi sgt, %parallel_loop3A_354, %parallel_loop3A_356 : vector<16xi32>
      %parallel_loop3A_358 = arith.constant -170.666672 : f32
      %parallel_loop3A_359 = arith.constant 170.666672 : f32
      %parallel_loop3A_360 = vector.broadcast %parallel_loop3A_358 : f32 to vector<16xf32>
      %parallel_loop3A_361 = vector.broadcast %parallel_loop3A_359 : f32 to vector<16xf32>
      %parallel_loop3A_362 = arith.select %parallel_loop3A_357, %parallel_loop3A_360, %parallel_loop3A_361 : vector<16xi1>, vector<16xf32>
      %parallel_loop3A_363 = arith.constant 1109.33337 : f32
      %parallel_loop3A_364 = arith.constant 938.666687 : f32
      %parallel_loop3A_365 = vector.broadcast %parallel_loop3A_363 : f32 to vector<16xf32>
      %parallel_loop3A_366 = vector.broadcast %parallel_loop3A_364 : f32 to vector<16xf32>
      %parallel_loop3A_367 = arith.select %parallel_loop3A_357, %parallel_loop3A_365, %parallel_loop3A_366 : vector<16xi1>, vector<16xf32>
      %parallel_loop3A_368 = arith.mulf %parallel_loop3A_362, %parallel_loop3A_350 : vector<16xf32>
      %parallel_loop3A_369 = arith.addf %parallel_loop3A_368, %parallel_loop3A_367 : vector<16xf32>
      %parallel_loop3A_370 = arith.constant 0.000000e+00 : f32
      %parallel_loop3A_371 = vector.broadcast %parallel_loop3A_370 : f32 to vector<16xf32>
      %parallel_loop3A_372 = arith.maximumf %parallel_loop3A_369, %parallel_loop3A_371 : vector<16xf32>
      %parallel_loop3A_373 = arith.constant 2.047500e+03 : f32
      %parallel_loop3A_374 = vector.broadcast %parallel_loop3A_373 : f32 to vector<16xf32>
      %parallel_loop3A_375 = arith.minimumf %parallel_loop3A_372, %parallel_loop3A_374 : vector<16xf32>
      %parallel_loop3A_376 = arith.fptosi %parallel_loop3A_375 : vector<16xf32> to vector<16xi32>
      %parallel_loop3A_377 = arith.select %parallel_loop3A_357, %add3A_35, %add3A_32 : vector<16xi1>, vector<16xi32>
      %parallel_loop3A_378 = arith.subi %parallel_loop3A_377, %parallel_loop3A_376 : vector<16xi32>
      tpu.vector_store_idx %arg5[%parallel_loop3A_378], %broadcast_in_dim3A_29 {add = true} : memref<65536xf32, #tpu.memory_space<vmem>>[vector<16xi32>], vector<16xf32>,
    } {sc.loop_unroll_factor = 8 : i64, sc.parallel_access}
    %add3A_117 = arith.constant 24576 : i32
    %add3A_118 = arith.addi %mul3A_2, %add3A_117 : i32
    %dma_start3A_119 = arith.constant 1 : i32
    %dma_start3A_120 = arith.constant 0 : i32
    %dma_start3A_121 = tpu.memref_slice %arg6[%dma_start3A_119, %dma_start3A_120] : memref<2x8192xf32, #tpu.memory_space<vmem>> -> memref<1x8192xf32, #tpu.memory_space<vmem>>
    %dma_start3A_122 = tpu.memref_squeeze %dma_start3A_121 : memref<1x8192xf32, #tpu.memory_space<vmem>> -> memref<8192xf32, #tpu.memory_space<vmem>>
    %dma_start3A_123 = tpu.memref_slice %arg2[%add3A_118] : memref<2097152xf32, #tpu.memory_space<hbm>> -> memref<8192xf32, #tpu.memory_space<hbm>>
    %dma_start3A_124 = arith.constant 0 : i32
    %dma_start3A_125 = tpu.memref_slice %arg6[%dma_start3A_119, %dma_start3A_124] : memref<2x8192xf32, #tpu.memory_space<vmem>> -> memref<1x8192xf32, #tpu.memory_space<vmem>>
    %dma_start3A_126 = tpu.memref_squeeze %dma_start3A_125 : memref<1x8192xf32, #tpu.memory_space<vmem>> -> memref<8192xf32, #tpu.memory_space<vmem>>
    %dma_start3A_127 = tpu.memref_slice %arg2[%add3A_118] : memref<2097152xf32, #tpu.memory_space<hbm>> -> memref<8192xf32, #tpu.memory_space<hbm>>
    tpu.enqueue_dma source(%dma_start3A_127 : memref<8192xf32, #tpu.memory_space<hbm>>) target(%dma_start3A_126 : memref<8192xf32, #tpu.memory_space<vmem>>) target_semaphore(%arg10 : memref<!tpu.dma_semaphore, #tpu.memory_space<semaphore_mem>>)
    %dma_start3A_128 = arith.constant 1 : i32
    %dma_start3A_129 = arith.constant 0 : i32
    %dma_start3A_130 = tpu.memref_slice %arg7[%dma_start3A_128, %dma_start3A_129] : memref<2x8192xi32, #tpu.memory_space<vmem>> -> memref<1x8192xi32, #tpu.memory_space<vmem>>
    %dma_start3A_131 = tpu.memref_squeeze %dma_start3A_130 : memref<1x8192xi32, #tpu.memory_space<vmem>> -> memref<8192xi32, #tpu.memory_space<vmem>>
    %dma_start3A_132 = tpu.memref_slice %arg3[%add3A_118] : memref<2097152xi32, #tpu.memory_space<hbm>> -> memref<8192xi32, #tpu.memory_space<hbm>>
    %dma_start3A_133 = arith.constant 0 : i32
    %dma_start3A_134 = tpu.memref_slice %arg7[%dma_start3A_128, %dma_start3A_133] : memref<2x8192xi32, #tpu.memory_space<vmem>> -> memref<1x8192xi32, #tpu.memory_space<vmem>>
    %dma_start3A_135 = tpu.memref_squeeze %dma_start3A_134 : memref<1x8192xi32, #tpu.memory_space<vmem>> -> memref<8192xi32, #tpu.memory_space<vmem>>
    %dma_start3A_136 = tpu.memref_slice %arg3[%add3A_118] : memref<2097152xi32, #tpu.memory_space<hbm>> -> memref<8192xi32, #tpu.memory_space<hbm>>
    tpu.enqueue_dma source(%dma_start3A_136 : memref<8192xi32, #tpu.memory_space<hbm>>) target(%dma_start3A_135 : memref<8192xi32, #tpu.memory_space<vmem>>) target_semaphore(%arg10 : memref<!tpu.dma_semaphore, #tpu.memory_space<semaphore_mem>>)
    %dma_wait3A_137 = arith.constant 0 : i32
    %dma_wait3A_138 = arith.constant 0 : i32
    %dma_wait3A_139 = tpu.memref_slice %arg6[%dma_wait3A_137, %dma_wait3A_138] : memref<2x8192xf32, #tpu.memory_space<vmem>> -> memref<1x8192xf32, #tpu.memory_space<vmem>>
    %dma_wait3A_140 = tpu.memref_squeeze %dma_wait3A_139 : memref<1x8192xf32, #tpu.memory_space<vmem>> -> memref<8192xf32, #tpu.memory_space<vmem>>
    %dma_wait3A_141 = tpu.memref_slice %arg2[%add3A_77] : memref<2097152xf32, #tpu.memory_space<hbm>> -> memref<8192xf32, #tpu.memory_space<hbm>>
    %dma_wait3A_142 = arith.constant 0 : i32
    %dma_wait3A_143 = tpu.memref_slice %arg6[%dma_wait3A_137, %dma_wait3A_142] : memref<2x8192xf32, #tpu.memory_space<vmem>> -> memref<1x8192xf32, #tpu.memory_space<vmem>>
    %dma_wait3A_144 = tpu.memref_squeeze %dma_wait3A_143 : memref<1x8192xf32, #tpu.memory_space<vmem>> -> memref<8192xf32, #tpu.memory_space<vmem>>
    %dma_wait3A_145 = tpu.memref_slice %arg2[%add3A_77] : memref<2097152xf32, #tpu.memory_space<hbm>> -> memref<8192xf32, #tpu.memory_space<hbm>>
    tpu.wait_dma2 semaphore(%arg9 : memref<!tpu.dma_semaphore, #tpu.memory_space<semaphore_mem>>) src(%dma_wait3A_145 : memref<8192xf32, #tpu.memory_space<hbm>>) dst(%dma_wait3A_144 : memref<8192xf32, #tpu.memory_space<vmem>>)
    %dma_wait3A_146 = arith.constant 0 : i32
    %dma_wait3A_147 = arith.constant 0 : i32
    %dma_wait3A_148 = tpu.memref_slice %arg7[%dma_wait3A_146, %dma_wait3A_147] : memref<2x8192xi32, #tpu.memory_space<vmem>> -> memref<1x8192xi32, #tpu.memory_space<vmem>>
    %dma_wait3A_149 = tpu.memref_squeeze %dma_wait3A_148 : memref<1x8192xi32, #tpu.memory_space<vmem>> -> memref<8192xi32, #tpu.memory_space<vmem>>
    %dma_wait3A_150 = tpu.memref_slice %arg3[%add3A_77] : memref<2097152xi32, #tpu.memory_space<hbm>> -> memref<8192xi32, #tpu.memory_space<hbm>>
    %dma_wait3A_151 = arith.constant 0 : i32
    %dma_wait3A_152 = tpu.memref_slice %arg7[%dma_wait3A_146, %dma_wait3A_151] : memref<2x8192xi32, #tpu.memory_space<vmem>> -> memref<1x8192xi32, #tpu.memory_space<vmem>>
    %dma_wait3A_153 = tpu.memref_squeeze %dma_wait3A_152 : memref<1x8192xi32, #tpu.memory_space<vmem>> -> memref<8192xi32, #tpu.memory_space<vmem>>
    %dma_wait3A_154 = tpu.memref_slice %arg3[%add3A_77] : memref<2097152xi32, #tpu.memory_space<hbm>> -> memref<8192xi32, #tpu.memory_space<hbm>>
    tpu.wait_dma2 semaphore(%arg9 : memref<!tpu.dma_semaphore, #tpu.memory_space<semaphore_mem>>) src(%dma_wait3A_154 : memref<8192xi32, #tpu.memory_space<hbm>>) dst(%dma_wait3A_153 : memref<8192xi32, #tpu.memory_space<vmem>>)
    %parallel_loop3A_155 = arith.constant 0 : i32
    %parallel_loop3A_156 = arith.constant 8192 : i32
    %parallel_loop3A_157 = arith.constant 16 : i32
    scf.for %parallel_loop3A_346 = %parallel_loop3A_155 to %parallel_loop3A_156 step %parallel_loop3A_157  : i32 {
      %parallel_loop3A_347 = arith.constant 0 : i32
      %parallel_loop3A_348 = arith.index_cast %parallel_loop3A_347 : i32 to index
      %parallel_loop3A_349 = arith.index_cast %parallel_loop3A_346 : i32 to index
      %parallel_loop3A_350 = tpu.vector_load %arg6[%parallel_loop3A_348, %parallel_loop3A_349] {strides = array<i32>} : memref<2x8192xf32, #tpu.memory_space<vmem>>, vector<16xf32>,
      %parallel_loop3A_351 = arith.constant 0 : i32
      %parallel_loop3A_352 = arith.index_cast %parallel_loop3A_351 : i32 to index
      %parallel_loop3A_353 = arith.index_cast %parallel_loop3A_346 : i32 to index
      %parallel_loop3A_354 = tpu.vector_load %arg7[%parallel_loop3A_352, %parallel_loop3A_353] {strides = array<i32>} : memref<2x8192xi32, #tpu.memory_space<vmem>>, vector<16xi32>,
      %parallel_loop3A_355 = arith.constant 0 : i32
      %parallel_loop3A_356 = vector.broadcast %parallel_loop3A_355 : i32 to vector<16xi32>
      %parallel_loop3A_357 = arith.cmpi sgt, %parallel_loop3A_354, %parallel_loop3A_356 : vector<16xi32>
      %parallel_loop3A_358 = arith.constant -170.666672 : f32
      %parallel_loop3A_359 = arith.constant 170.666672 : f32
      %parallel_loop3A_360 = vector.broadcast %parallel_loop3A_358 : f32 to vector<16xf32>
      %parallel_loop3A_361 = vector.broadcast %parallel_loop3A_359 : f32 to vector<16xf32>
      %parallel_loop3A_362 = arith.select %parallel_loop3A_357, %parallel_loop3A_360, %parallel_loop3A_361 : vector<16xi1>, vector<16xf32>
      %parallel_loop3A_363 = arith.constant 1109.33337 : f32
      %parallel_loop3A_364 = arith.constant 938.666687 : f32
      %parallel_loop3A_365 = vector.broadcast %parallel_loop3A_363 : f32 to vector<16xf32>
      %parallel_loop3A_366 = vector.broadcast %parallel_loop3A_364 : f32 to vector<16xf32>
      %parallel_loop3A_367 = arith.select %parallel_loop3A_357, %parallel_loop3A_365, %parallel_loop3A_366 : vector<16xi1>, vector<16xf32>
      %parallel_loop3A_368 = arith.mulf %parallel_loop3A_362, %parallel_loop3A_350 : vector<16xf32>
      %parallel_loop3A_369 = arith.addf %parallel_loop3A_368, %parallel_loop3A_367 : vector<16xf32>
      %parallel_loop3A_370 = arith.constant 0.000000e+00 : f32
      %parallel_loop3A_371 = vector.broadcast %parallel_loop3A_370 : f32 to vector<16xf32>
      %parallel_loop3A_372 = arith.maximumf %parallel_loop3A_369, %parallel_loop3A_371 : vector<16xf32>
      %parallel_loop3A_373 = arith.constant 2.047500e+03 : f32
      %parallel_loop3A_374 = vector.broadcast %parallel_loop3A_373 : f32 to vector<16xf32>
      %parallel_loop3A_375 = arith.minimumf %parallel_loop3A_372, %parallel_loop3A_374 : vector<16xf32>
      %parallel_loop3A_376 = arith.fptosi %parallel_loop3A_375 : vector<16xf32> to vector<16xi32>
      %parallel_loop3A_377 = arith.select %parallel_loop3A_357, %add3A_35, %add3A_32 : vector<16xi1>, vector<16xi32>
      %parallel_loop3A_378 = arith.subi %parallel_loop3A_377, %parallel_loop3A_376 : vector<16xi32>
      tpu.vector_store_idx %arg5[%parallel_loop3A_378], %broadcast_in_dim3A_29 {add = true} : memref<65536xf32, #tpu.memory_space<vmem>>[vector<16xi32>], vector<16xf32>,
    } {sc.loop_unroll_factor = 8 : i64, sc.parallel_access}
    %add3A_158 = arith.constant 32768 : i32
    %add3A_159 = arith.addi %mul3A_2, %add3A_158 : i32
    %dma_start3A_160 = arith.constant 0 : i32
    %dma_start3A_161 = arith.constant 0 : i32
    %dma_start3A_162 = tpu.memref_slice %arg6[%dma_start3A_160, %dma_start3A_161] : memref<2x8192xf32, #tpu.memory_space<vmem>> -> memref<1x8192xf32, #tpu.memory_space<vmem>>
    %dma_start3A_163 = tpu.memref_squeeze %dma_start3A_162 : memref<1x8192xf32, #tpu.memory_space<vmem>> -> memref<8192xf32, #tpu.memory_space<vmem>>
    %dma_start3A_164 = tpu.memref_slice %arg2[%add3A_159] : memref<2097152xf32, #tpu.memory_space<hbm>> -> memref<8192xf32, #tpu.memory_space<hbm>>
    %dma_start3A_165 = arith.constant 0 : i32
    %dma_start3A_166 = tpu.memref_slice %arg6[%dma_start3A_160, %dma_start3A_165] : memref<2x8192xf32, #tpu.memory_space<vmem>> -> memref<1x8192xf32, #tpu.memory_space<vmem>>
    %dma_start3A_167 = tpu.memref_squeeze %dma_start3A_166 : memref<1x8192xf32, #tpu.memory_space<vmem>> -> memref<8192xf32, #tpu.memory_space<vmem>>
    %dma_start3A_168 = tpu.memref_slice %arg2[%add3A_159] : memref<2097152xf32, #tpu.memory_space<hbm>> -> memref<8192xf32, #tpu.memory_space<hbm>>
    tpu.enqueue_dma source(%dma_start3A_168 : memref<8192xf32, #tpu.memory_space<hbm>>) target(%dma_start3A_167 : memref<8192xf32, #tpu.memory_space<vmem>>) target_semaphore(%arg9 : memref<!tpu.dma_semaphore, #tpu.memory_space<semaphore_mem>>)
    %dma_start3A_169 = arith.constant 0 : i32
    %dma_start3A_170 = arith.constant 0 : i32
    %dma_start3A_171 = tpu.memref_slice %arg7[%dma_start3A_169, %dma_start3A_170] : memref<2x8192xi32, #tpu.memory_space<vmem>> -> memref<1x8192xi32, #tpu.memory_space<vmem>>
    %dma_start3A_172 = tpu.memref_squeeze %dma_start3A_171 : memref<1x8192xi32, #tpu.memory_space<vmem>> -> memref<8192xi32, #tpu.memory_space<vmem>>
    %dma_start3A_173 = tpu.memref_slice %arg3[%add3A_159] : memref<2097152xi32, #tpu.memory_space<hbm>> -> memref<8192xi32, #tpu.memory_space<hbm>>
    %dma_start3A_174 = arith.constant 0 : i32
    %dma_start3A_175 = tpu.memref_slice %arg7[%dma_start3A_169, %dma_start3A_174] : memref<2x8192xi32, #tpu.memory_space<vmem>> -> memref<1x8192xi32, #tpu.memory_space<vmem>>
    %dma_start3A_176 = tpu.memref_squeeze %dma_start3A_175 : memref<1x8192xi32, #tpu.memory_space<vmem>> -> memref<8192xi32, #tpu.memory_space<vmem>>
    %dma_start3A_177 = tpu.memref_slice %arg3[%add3A_159] : memref<2097152xi32, #tpu.memory_space<hbm>> -> memref<8192xi32, #tpu.memory_space<hbm>>
    tpu.enqueue_dma source(%dma_start3A_177 : memref<8192xi32, #tpu.memory_space<hbm>>) target(%dma_start3A_176 : memref<8192xi32, #tpu.memory_space<vmem>>) target_semaphore(%arg9 : memref<!tpu.dma_semaphore, #tpu.memory_space<semaphore_mem>>)
    %dma_wait3A_178 = arith.constant 1 : i32
    %dma_wait3A_179 = arith.constant 0 : i32
    %dma_wait3A_180 = tpu.memref_slice %arg6[%dma_wait3A_178, %dma_wait3A_179] : memref<2x8192xf32, #tpu.memory_space<vmem>> -> memref<1x8192xf32, #tpu.memory_space<vmem>>
    %dma_wait3A_181 = tpu.memref_squeeze %dma_wait3A_180 : memref<1x8192xf32, #tpu.memory_space<vmem>> -> memref<8192xf32, #tpu.memory_space<vmem>>
    %dma_wait3A_182 = tpu.memref_slice %arg2[%add3A_118] : memref<2097152xf32, #tpu.memory_space<hbm>> -> memref<8192xf32, #tpu.memory_space<hbm>>
    %dma_wait3A_183 = arith.constant 0 : i32
    %dma_wait3A_184 = tpu.memref_slice %arg6[%dma_wait3A_178, %dma_wait3A_183] : memref<2x8192xf32, #tpu.memory_space<vmem>> -> memref<1x8192xf32, #tpu.memory_space<vmem>>
    %dma_wait3A_185 = tpu.memref_squeeze %dma_wait3A_184 : memref<1x8192xf32, #tpu.memory_space<vmem>> -> memref<8192xf32, #tpu.memory_space<vmem>>
    %dma_wait3A_186 = tpu.memref_slice %arg2[%add3A_118] : memref<2097152xf32, #tpu.memory_space<hbm>> -> memref<8192xf32, #tpu.memory_space<hbm>>
    tpu.wait_dma2 semaphore(%arg10 : memref<!tpu.dma_semaphore, #tpu.memory_space<semaphore_mem>>) src(%dma_wait3A_186 : memref<8192xf32, #tpu.memory_space<hbm>>) dst(%dma_wait3A_185 : memref<8192xf32, #tpu.memory_space<vmem>>)
    %dma_wait3A_187 = arith.constant 1 : i32
    %dma_wait3A_188 = arith.constant 0 : i32
    %dma_wait3A_189 = tpu.memref_slice %arg7[%dma_wait3A_187, %dma_wait3A_188] : memref<2x8192xi32, #tpu.memory_space<vmem>> -> memref<1x8192xi32, #tpu.memory_space<vmem>>
    %dma_wait3A_190 = tpu.memref_squeeze %dma_wait3A_189 : memref<1x8192xi32, #tpu.memory_space<vmem>> -> memref<8192xi32, #tpu.memory_space<vmem>>
    %dma_wait3A_191 = tpu.memref_slice %arg3[%add3A_118] : memref<2097152xi32, #tpu.memory_space<hbm>> -> memref<8192xi32, #tpu.memory_space<hbm>>
    %dma_wait3A_192 = arith.constant 0 : i32
    %dma_wait3A_193 = tpu.memref_slice %arg7[%dma_wait3A_187, %dma_wait3A_192] : memref<2x8192xi32, #tpu.memory_space<vmem>> -> memref<1x8192xi32, #tpu.memory_space<vmem>>
    %dma_wait3A_194 = tpu.memref_squeeze %dma_wait3A_193 : memref<1x8192xi32, #tpu.memory_space<vmem>> -> memref<8192xi32, #tpu.memory_space<vmem>>
    %dma_wait3A_195 = tpu.memref_slice %arg3[%add3A_118] : memref<2097152xi32, #tpu.memory_space<hbm>> -> memref<8192xi32, #tpu.memory_space<hbm>>
    tpu.wait_dma2 semaphore(%arg10 : memref<!tpu.dma_semaphore, #tpu.memory_space<semaphore_mem>>) src(%dma_wait3A_195 : memref<8192xi32, #tpu.memory_space<hbm>>) dst(%dma_wait3A_194 : memref<8192xi32, #tpu.memory_space<vmem>>)
    %parallel_loop3A_196 = arith.constant 0 : i32
    %parallel_loop3A_197 = arith.constant 8192 : i32
    %parallel_loop3A_198 = arith.constant 16 : i32
    scf.for %parallel_loop3A_346 = %parallel_loop3A_196 to %parallel_loop3A_197 step %parallel_loop3A_198  : i32 {
      %parallel_loop3A_347 = arith.constant 1 : i32
      %parallel_loop3A_348 = arith.index_cast %parallel_loop3A_347 : i32 to index
      %parallel_loop3A_349 = arith.index_cast %parallel_loop3A_346 : i32 to index
      %parallel_loop3A_350 = tpu.vector_load %arg6[%parallel_loop3A_348, %parallel_loop3A_349] {strides = array<i32>} : memref<2x8192xf32, #tpu.memory_space<vmem>>, vector<16xf32>,
      %parallel_loop3A_351 = arith.constant 1 : i32
      %parallel_loop3A_352 = arith.index_cast %parallel_loop3A_351 : i32 to index
      %parallel_loop3A_353 = arith.index_cast %parallel_loop3A_346 : i32 to index
      %parallel_loop3A_354 = tpu.vector_load %arg7[%parallel_loop3A_352, %parallel_loop3A_353] {strides = array<i32>} : memref<2x8192xi32, #tpu.memory_space<vmem>>, vector<16xi32>,
      %parallel_loop3A_355 = arith.constant 0 : i32
      %parallel_loop3A_356 = vector.broadcast %parallel_loop3A_355 : i32 to vector<16xi32>
      %parallel_loop3A_357 = arith.cmpi sgt, %parallel_loop3A_354, %parallel_loop3A_356 : vector<16xi32>
      %parallel_loop3A_358 = arith.constant -170.666672 : f32
      %parallel_loop3A_359 = arith.constant 170.666672 : f32
      %parallel_loop3A_360 = vector.broadcast %parallel_loop3A_358 : f32 to vector<16xf32>
      %parallel_loop3A_361 = vector.broadcast %parallel_loop3A_359 : f32 to vector<16xf32>
      %parallel_loop3A_362 = arith.select %parallel_loop3A_357, %parallel_loop3A_360, %parallel_loop3A_361 : vector<16xi1>, vector<16xf32>
      %parallel_loop3A_363 = arith.constant 1109.33337 : f32
      %parallel_loop3A_364 = arith.constant 938.666687 : f32
      %parallel_loop3A_365 = vector.broadcast %parallel_loop3A_363 : f32 to vector<16xf32>
      %parallel_loop3A_366 = vector.broadcast %parallel_loop3A_364 : f32 to vector<16xf32>
      %parallel_loop3A_367 = arith.select %parallel_loop3A_357, %parallel_loop3A_365, %parallel_loop3A_366 : vector<16xi1>, vector<16xf32>
      %parallel_loop3A_368 = arith.mulf %parallel_loop3A_362, %parallel_loop3A_350 : vector<16xf32>
      %parallel_loop3A_369 = arith.addf %parallel_loop3A_368, %parallel_loop3A_367 : vector<16xf32>
      %parallel_loop3A_370 = arith.constant 0.000000e+00 : f32
      %parallel_loop3A_371 = vector.broadcast %parallel_loop3A_370 : f32 to vector<16xf32>
      %parallel_loop3A_372 = arith.maximumf %parallel_loop3A_369, %parallel_loop3A_371 : vector<16xf32>
      %parallel_loop3A_373 = arith.constant 2.047500e+03 : f32
      %parallel_loop3A_374 = vector.broadcast %parallel_loop3A_373 : f32 to vector<16xf32>
      %parallel_loop3A_375 = arith.minimumf %parallel_loop3A_372, %parallel_loop3A_374 : vector<16xf32>
      %parallel_loop3A_376 = arith.fptosi %parallel_loop3A_375 : vector<16xf32> to vector<16xi32>
      %parallel_loop3A_377 = arith.select %parallel_loop3A_357, %add3A_35, %add3A_32 : vector<16xi1>, vector<16xi32>
      %parallel_loop3A_378 = arith.subi %parallel_loop3A_377, %parallel_loop3A_376 : vector<16xi32>
      tpu.vector_store_idx %arg5[%parallel_loop3A_378], %broadcast_in_dim3A_29 {add = true} : memref<65536xf32, #tpu.memory_space<vmem>>[vector<16xi32>], vector<16xf32>,
    } {sc.loop_unroll_factor = 8 : i64, sc.parallel_access}
    %add3A_199 = arith.constant 40960 : i32
    %add3A_200 = arith.addi %mul3A_2, %add3A_199 : i32
    %dma_start3A_201 = arith.constant 1 : i32
    %dma_start3A_202 = arith.constant 0 : i32
    %dma_start3A_203 = tpu.memref_slice %arg6[%dma_start3A_201, %dma_start3A_202] : memref<2x8192xf32, #tpu.memory_space<vmem>> -> memref<1x8192xf32, #tpu.memory_space<vmem>>
    %dma_start3A_204 = tpu.memref_squeeze %dma_start3A_203 : memref<1x8192xf32, #tpu.memory_space<vmem>> -> memref<8192xf32, #tpu.memory_space<vmem>>
    %dma_start3A_205 = tpu.memref_slice %arg2[%add3A_200] : memref<2097152xf32, #tpu.memory_space<hbm>> -> memref<8192xf32, #tpu.memory_space<hbm>>
    %dma_start3A_206 = arith.constant 0 : i32
    %dma_start3A_207 = tpu.memref_slice %arg6[%dma_start3A_201, %dma_start3A_206] : memref<2x8192xf32, #tpu.memory_space<vmem>> -> memref<1x8192xf32, #tpu.memory_space<vmem>>
    %dma_start3A_208 = tpu.memref_squeeze %dma_start3A_207 : memref<1x8192xf32, #tpu.memory_space<vmem>> -> memref<8192xf32, #tpu.memory_space<vmem>>
    %dma_start3A_209 = tpu.memref_slice %arg2[%add3A_200] : memref<2097152xf32, #tpu.memory_space<hbm>> -> memref<8192xf32, #tpu.memory_space<hbm>>
    tpu.enqueue_dma source(%dma_start3A_209 : memref<8192xf32, #tpu.memory_space<hbm>>) target(%dma_start3A_208 : memref<8192xf32, #tpu.memory_space<vmem>>) target_semaphore(%arg10 : memref<!tpu.dma_semaphore, #tpu.memory_space<semaphore_mem>>)
    %dma_start3A_210 = arith.constant 1 : i32
    %dma_start3A_211 = arith.constant 0 : i32
    %dma_start3A_212 = tpu.memref_slice %arg7[%dma_start3A_210, %dma_start3A_211] : memref<2x8192xi32, #tpu.memory_space<vmem>> -> memref<1x8192xi32, #tpu.memory_space<vmem>>
    %dma_start3A_213 = tpu.memref_squeeze %dma_start3A_212 : memref<1x8192xi32, #tpu.memory_space<vmem>> -> memref<8192xi32, #tpu.memory_space<vmem>>
    %dma_start3A_214 = tpu.memref_slice %arg3[%add3A_200] : memref<2097152xi32, #tpu.memory_space<hbm>> -> memref<8192xi32, #tpu.memory_space<hbm>>
    %dma_start3A_215 = arith.constant 0 : i32
    %dma_start3A_216 = tpu.memref_slice %arg7[%dma_start3A_210, %dma_start3A_215] : memref<2x8192xi32, #tpu.memory_space<vmem>> -> memref<1x8192xi32, #tpu.memory_space<vmem>>
    %dma_start3A_217 = tpu.memref_squeeze %dma_start3A_216 : memref<1x8192xi32, #tpu.memory_space<vmem>> -> memref<8192xi32, #tpu.memory_space<vmem>>
    %dma_start3A_218 = tpu.memref_slice %arg3[%add3A_200] : memref<2097152xi32, #tpu.memory_space<hbm>> -> memref<8192xi32, #tpu.memory_space<hbm>>
    tpu.enqueue_dma source(%dma_start3A_218 : memref<8192xi32, #tpu.memory_space<hbm>>) target(%dma_start3A_217 : memref<8192xi32, #tpu.memory_space<vmem>>) target_semaphore(%arg10 : memref<!tpu.dma_semaphore, #tpu.memory_space<semaphore_mem>>)
    %dma_wait3A_219 = arith.constant 0 : i32
    %dma_wait3A_220 = arith.constant 0 : i32
    %dma_wait3A_221 = tpu.memref_slice %arg6[%dma_wait3A_219, %dma_wait3A_220] : memref<2x8192xf32, #tpu.memory_space<vmem>> -> memref<1x8192xf32, #tpu.memory_space<vmem>>
    %dma_wait3A_222 = tpu.memref_squeeze %dma_wait3A_221 : memref<1x8192xf32, #tpu.memory_space<vmem>> -> memref<8192xf32, #tpu.memory_space<vmem>>
    %dma_wait3A_223 = tpu.memref_slice %arg2[%add3A_159] : memref<2097152xf32, #tpu.memory_space<hbm>> -> memref<8192xf32, #tpu.memory_space<hbm>>
    %dma_wait3A_224 = arith.constant 0 : i32
    %dma_wait3A_225 = tpu.memref_slice %arg6[%dma_wait3A_219, %dma_wait3A_224] : memref<2x8192xf32, #tpu.memory_space<vmem>> -> memref<1x8192xf32, #tpu.memory_space<vmem>>
    %dma_wait3A_226 = tpu.memref_squeeze %dma_wait3A_225 : memref<1x8192xf32, #tpu.memory_space<vmem>> -> memref<8192xf32, #tpu.memory_space<vmem>>
    %dma_wait3A_227 = tpu.memref_slice %arg2[%add3A_159] : memref<2097152xf32, #tpu.memory_space<hbm>> -> memref<8192xf32, #tpu.memory_space<hbm>>
    tpu.wait_dma2 semaphore(%arg9 : memref<!tpu.dma_semaphore, #tpu.memory_space<semaphore_mem>>) src(%dma_wait3A_227 : memref<8192xf32, #tpu.memory_space<hbm>>) dst(%dma_wait3A_226 : memref<8192xf32, #tpu.memory_space<vmem>>)
    %dma_wait3A_228 = arith.constant 0 : i32
    %dma_wait3A_229 = arith.constant 0 : i32
    %dma_wait3A_230 = tpu.memref_slice %arg7[%dma_wait3A_228, %dma_wait3A_229] : memref<2x8192xi32, #tpu.memory_space<vmem>> -> memref<1x8192xi32, #tpu.memory_space<vmem>>
    %dma_wait3A_231 = tpu.memref_squeeze %dma_wait3A_230 : memref<1x8192xi32, #tpu.memory_space<vmem>> -> memref<8192xi32, #tpu.memory_space<vmem>>
    %dma_wait3A_232 = tpu.memref_slice %arg3[%add3A_159] : memref<2097152xi32, #tpu.memory_space<hbm>> -> memref<8192xi32, #tpu.memory_space<hbm>>
    %dma_wait3A_233 = arith.constant 0 : i32
    %dma_wait3A_234 = tpu.memref_slice %arg7[%dma_wait3A_228, %dma_wait3A_233] : memref<2x8192xi32, #tpu.memory_space<vmem>> -> memref<1x8192xi32, #tpu.memory_space<vmem>>
    %dma_wait3A_235 = tpu.memref_squeeze %dma_wait3A_234 : memref<1x8192xi32, #tpu.memory_space<vmem>> -> memref<8192xi32, #tpu.memory_space<vmem>>
    %dma_wait3A_236 = tpu.memref_slice %arg3[%add3A_159] : memref<2097152xi32, #tpu.memory_space<hbm>> -> memref<8192xi32, #tpu.memory_space<hbm>>
    tpu.wait_dma2 semaphore(%arg9 : memref<!tpu.dma_semaphore, #tpu.memory_space<semaphore_mem>>) src(%dma_wait3A_236 : memref<8192xi32, #tpu.memory_space<hbm>>) dst(%dma_wait3A_235 : memref<8192xi32, #tpu.memory_space<vmem>>)
    %parallel_loop3A_237 = arith.constant 0 : i32
    %parallel_loop3A_238 = arith.constant 8192 : i32
    %parallel_loop3A_239 = arith.constant 16 : i32
    scf.for %parallel_loop3A_346 = %parallel_loop3A_237 to %parallel_loop3A_238 step %parallel_loop3A_239  : i32 {
      %parallel_loop3A_347 = arith.constant 0 : i32
      %parallel_loop3A_348 = arith.index_cast %parallel_loop3A_347 : i32 to index
      %parallel_loop3A_349 = arith.index_cast %parallel_loop3A_346 : i32 to index
      %parallel_loop3A_350 = tpu.vector_load %arg6[%parallel_loop3A_348, %parallel_loop3A_349] {strides = array<i32>} : memref<2x8192xf32, #tpu.memory_space<vmem>>, vector<16xf32>,
      %parallel_loop3A_351 = arith.constant 0 : i32
      %parallel_loop3A_352 = arith.index_cast %parallel_loop3A_351 : i32 to index
      %parallel_loop3A_353 = arith.index_cast %parallel_loop3A_346 : i32 to index
      %parallel_loop3A_354 = tpu.vector_load %arg7[%parallel_loop3A_352, %parallel_loop3A_353] {strides = array<i32>} : memref<2x8192xi32, #tpu.memory_space<vmem>>, vector<16xi32>,
      %parallel_loop3A_355 = arith.constant 0 : i32
      %parallel_loop3A_356 = vector.broadcast %parallel_loop3A_355 : i32 to vector<16xi32>
      %parallel_loop3A_357 = arith.cmpi sgt, %parallel_loop3A_354, %parallel_loop3A_356 : vector<16xi32>
      %parallel_loop3A_358 = arith.constant -170.666672 : f32
      %parallel_loop3A_359 = arith.constant 170.666672 : f32
      %parallel_loop3A_360 = vector.broadcast %parallel_loop3A_358 : f32 to vector<16xf32>
      %parallel_loop3A_361 = vector.broadcast %parallel_loop3A_359 : f32 to vector<16xf32>
      %parallel_loop3A_362 = arith.select %parallel_loop3A_357, %parallel_loop3A_360, %parallel_loop3A_361 : vector<16xi1>, vector<16xf32>
      %parallel_loop3A_363 = arith.constant 1109.33337 : f32
      %parallel_loop3A_364 = arith.constant 938.666687 : f32
      %parallel_loop3A_365 = vector.broadcast %parallel_loop3A_363 : f32 to vector<16xf32>
      %parallel_loop3A_366 = vector.broadcast %parallel_loop3A_364 : f32 to vector<16xf32>
      %parallel_loop3A_367 = arith.select %parallel_loop3A_357, %parallel_loop3A_365, %parallel_loop3A_366 : vector<16xi1>, vector<16xf32>
      %parallel_loop3A_368 = arith.mulf %parallel_loop3A_362, %parallel_loop3A_350 : vector<16xf32>
      %parallel_loop3A_369 = arith.addf %parallel_loop3A_368, %parallel_loop3A_367 : vector<16xf32>
      %parallel_loop3A_370 = arith.constant 0.000000e+00 : f32
      %parallel_loop3A_371 = vector.broadcast %parallel_loop3A_370 : f32 to vector<16xf32>
      %parallel_loop3A_372 = arith.maximumf %parallel_loop3A_369, %parallel_loop3A_371 : vector<16xf32>
      %parallel_loop3A_373 = arith.constant 2.047500e+03 : f32
      %parallel_loop3A_374 = vector.broadcast %parallel_loop3A_373 : f32 to vector<16xf32>
      %parallel_loop3A_375 = arith.minimumf %parallel_loop3A_372, %parallel_loop3A_374 : vector<16xf32>
      %parallel_loop3A_376 = arith.fptosi %parallel_loop3A_375 : vector<16xf32> to vector<16xi32>
      %parallel_loop3A_377 = arith.select %parallel_loop3A_357, %add3A_35, %add3A_32 : vector<16xi1>, vector<16xi32>
      %parallel_loop3A_378 = arith.subi %parallel_loop3A_377, %parallel_loop3A_376 : vector<16xi32>
      tpu.vector_store_idx %arg5[%parallel_loop3A_378], %broadcast_in_dim3A_29 {add = true} : memref<65536xf32, #tpu.memory_space<vmem>>[vector<16xi32>], vector<16xf32>,
    } {sc.loop_unroll_factor = 8 : i64, sc.parallel_access}
    %add3A_240 = arith.constant 49152 : i32
    %add3A_241 = arith.addi %mul3A_2, %add3A_240 : i32
    %dma_start3A_242 = arith.constant 0 : i32
    %dma_start3A_243 = arith.constant 0 : i32
    %dma_start3A_244 = tpu.memref_slice %arg6[%dma_start3A_242, %dma_start3A_243] : memref<2x8192xf32, #tpu.memory_space<vmem>> -> memref<1x8192xf32, #tpu.memory_space<vmem>>
    %dma_start3A_245 = tpu.memref_squeeze %dma_start3A_244 : memref<1x8192xf32, #tpu.memory_space<vmem>> -> memref<8192xf32, #tpu.memory_space<vmem>>
    %dma_start3A_246 = tpu.memref_slice %arg2[%add3A_241] : memref<2097152xf32, #tpu.memory_space<hbm>> -> memref<8192xf32, #tpu.memory_space<hbm>>
    %dma_start3A_247 = arith.constant 0 : i32
    %dma_start3A_248 = tpu.memref_slice %arg6[%dma_start3A_242, %dma_start3A_247] : memref<2x8192xf32, #tpu.memory_space<vmem>> -> memref<1x8192xf32, #tpu.memory_space<vmem>>
    %dma_start3A_249 = tpu.memref_squeeze %dma_start3A_248 : memref<1x8192xf32, #tpu.memory_space<vmem>> -> memref<8192xf32, #tpu.memory_space<vmem>>
    %dma_start3A_250 = tpu.memref_slice %arg2[%add3A_241] : memref<2097152xf32, #tpu.memory_space<hbm>> -> memref<8192xf32, #tpu.memory_space<hbm>>
    tpu.enqueue_dma source(%dma_start3A_250 : memref<8192xf32, #tpu.memory_space<hbm>>) target(%dma_start3A_249 : memref<8192xf32, #tpu.memory_space<vmem>>) target_semaphore(%arg9 : memref<!tpu.dma_semaphore, #tpu.memory_space<semaphore_mem>>)
    %dma_start3A_251 = arith.constant 0 : i32
    %dma_start3A_252 = arith.constant 0 : i32
    %dma_start3A_253 = tpu.memref_slice %arg7[%dma_start3A_251, %dma_start3A_252] : memref<2x8192xi32, #tpu.memory_space<vmem>> -> memref<1x8192xi32, #tpu.memory_space<vmem>>
    %dma_start3A_254 = tpu.memref_squeeze %dma_start3A_253 : memref<1x8192xi32, #tpu.memory_space<vmem>> -> memref<8192xi32, #tpu.memory_space<vmem>>
    %dma_start3A_255 = tpu.memref_slice %arg3[%add3A_241] : memref<2097152xi32, #tpu.memory_space<hbm>> -> memref<8192xi32, #tpu.memory_space<hbm>>
    %dma_start3A_256 = arith.constant 0 : i32
    %dma_start3A_257 = tpu.memref_slice %arg7[%dma_start3A_251, %dma_start3A_256] : memref<2x8192xi32, #tpu.memory_space<vmem>> -> memref<1x8192xi32, #tpu.memory_space<vmem>>
    %dma_start3A_258 = tpu.memref_squeeze %dma_start3A_257 : memref<1x8192xi32, #tpu.memory_space<vmem>> -> memref<8192xi32, #tpu.memory_space<vmem>>
    %dma_start3A_259 = tpu.memref_slice %arg3[%add3A_241] : memref<2097152xi32, #tpu.memory_space<hbm>> -> memref<8192xi32, #tpu.memory_space<hbm>>
    tpu.enqueue_dma source(%dma_start3A_259 : memref<8192xi32, #tpu.memory_space<hbm>>) target(%dma_start3A_258 : memref<8192xi32, #tpu.memory_space<vmem>>) target_semaphore(%arg9 : memref<!tpu.dma_semaphore, #tpu.memory_space<semaphore_mem>>)
    %dma_wait3A_260 = arith.constant 1 : i32
    %dma_wait3A_261 = arith.constant 0 : i32
    %dma_wait3A_262 = tpu.memref_slice %arg6[%dma_wait3A_260, %dma_wait3A_261] : memref<2x8192xf32, #tpu.memory_space<vmem>> -> memref<1x8192xf32, #tpu.memory_space<vmem>>
    %dma_wait3A_263 = tpu.memref_squeeze %dma_wait3A_262 : memref<1x8192xf32, #tpu.memory_space<vmem>> -> memref<8192xf32, #tpu.memory_space<vmem>>
    %dma_wait3A_264 = tpu.memref_slice %arg2[%add3A_200] : memref<2097152xf32, #tpu.memory_space<hbm>> -> memref<8192xf32, #tpu.memory_space<hbm>>
    %dma_wait3A_265 = arith.constant 0 : i32
    %dma_wait3A_266 = tpu.memref_slice %arg6[%dma_wait3A_260, %dma_wait3A_265] : memref<2x8192xf32, #tpu.memory_space<vmem>> -> memref<1x8192xf32, #tpu.memory_space<vmem>>
    %dma_wait3A_267 = tpu.memref_squeeze %dma_wait3A_266 : memref<1x8192xf32, #tpu.memory_space<vmem>> -> memref<8192xf32, #tpu.memory_space<vmem>>
    %dma_wait3A_268 = tpu.memref_slice %arg2[%add3A_200] : memref<2097152xf32, #tpu.memory_space<hbm>> -> memref<8192xf32, #tpu.memory_space<hbm>>
    tpu.wait_dma2 semaphore(%arg10 : memref<!tpu.dma_semaphore, #tpu.memory_space<semaphore_mem>>) src(%dma_wait3A_268 : memref<8192xf32, #tpu.memory_space<hbm>>) dst(%dma_wait3A_267 : memref<8192xf32, #tpu.memory_space<vmem>>)
    %dma_wait3A_269 = arith.constant 1 : i32
    %dma_wait3A_270 = arith.constant 0 : i32
    %dma_wait3A_271 = tpu.memref_slice %arg7[%dma_wait3A_269, %dma_wait3A_270] : memref<2x8192xi32, #tpu.memory_space<vmem>> -> memref<1x8192xi32, #tpu.memory_space<vmem>>
    %dma_wait3A_272 = tpu.memref_squeeze %dma_wait3A_271 : memref<1x8192xi32, #tpu.memory_space<vmem>> -> memref<8192xi32, #tpu.memory_space<vmem>>
    %dma_wait3A_273 = tpu.memref_slice %arg3[%add3A_200] : memref<2097152xi32, #tpu.memory_space<hbm>> -> memref<8192xi32, #tpu.memory_space<hbm>>
    %dma_wait3A_274 = arith.constant 0 : i32
    %dma_wait3A_275 = tpu.memref_slice %arg7[%dma_wait3A_269, %dma_wait3A_274] : memref<2x8192xi32, #tpu.memory_space<vmem>> -> memref<1x8192xi32, #tpu.memory_space<vmem>>
    %dma_wait3A_276 = tpu.memref_squeeze %dma_wait3A_275 : memref<1x8192xi32, #tpu.memory_space<vmem>> -> memref<8192xi32, #tpu.memory_space<vmem>>
    %dma_wait3A_277 = tpu.memref_slice %arg3[%add3A_200] : memref<2097152xi32, #tpu.memory_space<hbm>> -> memref<8192xi32, #tpu.memory_space<hbm>>
    tpu.wait_dma2 semaphore(%arg10 : memref<!tpu.dma_semaphore, #tpu.memory_space<semaphore_mem>>) src(%dma_wait3A_277 : memref<8192xi32, #tpu.memory_space<hbm>>) dst(%dma_wait3A_276 : memref<8192xi32, #tpu.memory_space<vmem>>)
    %parallel_loop3A_278 = arith.constant 0 : i32
    %parallel_loop3A_279 = arith.constant 8192 : i32
    %parallel_loop3A_280 = arith.constant 16 : i32
    scf.for %parallel_loop3A_346 = %parallel_loop3A_278 to %parallel_loop3A_279 step %parallel_loop3A_280  : i32 {
      %parallel_loop3A_347 = arith.constant 1 : i32
      %parallel_loop3A_348 = arith.index_cast %parallel_loop3A_347 : i32 to index
      %parallel_loop3A_349 = arith.index_cast %parallel_loop3A_346 : i32 to index
      %parallel_loop3A_350 = tpu.vector_load %arg6[%parallel_loop3A_348, %parallel_loop3A_349] {strides = array<i32>} : memref<2x8192xf32, #tpu.memory_space<vmem>>, vector<16xf32>,
      %parallel_loop3A_351 = arith.constant 1 : i32
      %parallel_loop3A_352 = arith.index_cast %parallel_loop3A_351 : i32 to index
      %parallel_loop3A_353 = arith.index_cast %parallel_loop3A_346 : i32 to index
      %parallel_loop3A_354 = tpu.vector_load %arg7[%parallel_loop3A_352, %parallel_loop3A_353] {strides = array<i32>} : memref<2x8192xi32, #tpu.memory_space<vmem>>, vector<16xi32>,
      %parallel_loop3A_355 = arith.constant 0 : i32
      %parallel_loop3A_356 = vector.broadcast %parallel_loop3A_355 : i32 to vector<16xi32>
      %parallel_loop3A_357 = arith.cmpi sgt, %parallel_loop3A_354, %parallel_loop3A_356 : vector<16xi32>
      %parallel_loop3A_358 = arith.constant -170.666672 : f32
      %parallel_loop3A_359 = arith.constant 170.666672 : f32
      %parallel_loop3A_360 = vector.broadcast %parallel_loop3A_358 : f32 to vector<16xf32>
      %parallel_loop3A_361 = vector.broadcast %parallel_loop3A_359 : f32 to vector<16xf32>
      %parallel_loop3A_362 = arith.select %parallel_loop3A_357, %parallel_loop3A_360, %parallel_loop3A_361 : vector<16xi1>, vector<16xf32>
      %parallel_loop3A_363 = arith.constant 1109.33337 : f32
      %parallel_loop3A_364 = arith.constant 938.666687 : f32
      %parallel_loop3A_365 = vector.broadcast %parallel_loop3A_363 : f32 to vector<16xf32>
      %parallel_loop3A_366 = vector.broadcast %parallel_loop3A_364 : f32 to vector<16xf32>
      %parallel_loop3A_367 = arith.select %parallel_loop3A_357, %parallel_loop3A_365, %parallel_loop3A_366 : vector<16xi1>, vector<16xf32>
      %parallel_loop3A_368 = arith.mulf %parallel_loop3A_362, %parallel_loop3A_350 : vector<16xf32>
      %parallel_loop3A_369 = arith.addf %parallel_loop3A_368, %parallel_loop3A_367 : vector<16xf32>
      %parallel_loop3A_370 = arith.constant 0.000000e+00 : f32
      %parallel_loop3A_371 = vector.broadcast %parallel_loop3A_370 : f32 to vector<16xf32>
      %parallel_loop3A_372 = arith.maximumf %parallel_loop3A_369, %parallel_loop3A_371 : vector<16xf32>
      %parallel_loop3A_373 = arith.constant 2.047500e+03 : f32
      %parallel_loop3A_374 = vector.broadcast %parallel_loop3A_373 : f32 to vector<16xf32>
      %parallel_loop3A_375 = arith.minimumf %parallel_loop3A_372, %parallel_loop3A_374 : vector<16xf32>
      %parallel_loop3A_376 = arith.fptosi %parallel_loop3A_375 : vector<16xf32> to vector<16xi32>
      %parallel_loop3A_377 = arith.select %parallel_loop3A_357, %add3A_35, %add3A_32 : vector<16xi1>, vector<16xi32>
      %parallel_loop3A_378 = arith.subi %parallel_loop3A_377, %parallel_loop3A_376 : vector<16xi32>
      tpu.vector_store_idx %arg5[%parallel_loop3A_378], %broadcast_in_dim3A_29 {add = true} : memref<65536xf32, #tpu.memory_space<vmem>>[vector<16xi32>], vector<16xf32>,
    } {sc.loop_unroll_factor = 8 : i64, sc.parallel_access}
    %add3A_281 = arith.constant 57344 : i32
    %add3A_282 = arith.addi %mul3A_2, %add3A_281 : i32
    %dma_start3A_283 = arith.constant 1 : i32
    %dma_start3A_284 = arith.constant 0 : i32
    %dma_start3A_285 = tpu.memref_slice %arg6[%dma_start3A_283, %dma_start3A_284] : memref<2x8192xf32, #tpu.memory_space<vmem>> -> memref<1x8192xf32, #tpu.memory_space<vmem>>
    %dma_start3A_286 = tpu.memref_squeeze %dma_start3A_285 : memref<1x8192xf32, #tpu.memory_space<vmem>> -> memref<8192xf32, #tpu.memory_space<vmem>>
    %dma_start3A_287 = tpu.memref_slice %arg2[%add3A_282] : memref<2097152xf32, #tpu.memory_space<hbm>> -> memref<8192xf32, #tpu.memory_space<hbm>>
    %dma_start3A_288 = arith.constant 0 : i32
    %dma_start3A_289 = tpu.memref_slice %arg6[%dma_start3A_283, %dma_start3A_288] : memref<2x8192xf32, #tpu.memory_space<vmem>> -> memref<1x8192xf32, #tpu.memory_space<vmem>>
    %dma_start3A_290 = tpu.memref_squeeze %dma_start3A_289 : memref<1x8192xf32, #tpu.memory_space<vmem>> -> memref<8192xf32, #tpu.memory_space<vmem>>
    %dma_start3A_291 = tpu.memref_slice %arg2[%add3A_282] : memref<2097152xf32, #tpu.memory_space<hbm>> -> memref<8192xf32, #tpu.memory_space<hbm>>
    tpu.enqueue_dma source(%dma_start3A_291 : memref<8192xf32, #tpu.memory_space<hbm>>) target(%dma_start3A_290 : memref<8192xf32, #tpu.memory_space<vmem>>) target_semaphore(%arg10 : memref<!tpu.dma_semaphore, #tpu.memory_space<semaphore_mem>>)
    %dma_start3A_292 = arith.constant 1 : i32
    %dma_start3A_293 = arith.constant 0 : i32
    %dma_start3A_294 = tpu.memref_slice %arg7[%dma_start3A_292, %dma_start3A_293] : memref<2x8192xi32, #tpu.memory_space<vmem>> -> memref<1x8192xi32, #tpu.memory_space<vmem>>
    %dma_start3A_295 = tpu.memref_squeeze %dma_start3A_294 : memref<1x8192xi32, #tpu.memory_space<vmem>> -> memref<8192xi32, #tpu.memory_space<vmem>>
    %dma_start3A_296 = tpu.memref_slice %arg3[%add3A_282] : memref<2097152xi32, #tpu.memory_space<hbm>> -> memref<8192xi32, #tpu.memory_space<hbm>>
    %dma_start3A_297 = arith.constant 0 : i32
    %dma_start3A_298 = tpu.memref_slice %arg7[%dma_start3A_292, %dma_start3A_297] : memref<2x8192xi32, #tpu.memory_space<vmem>> -> memref<1x8192xi32, #tpu.memory_space<vmem>>
    %dma_start3A_299 = tpu.memref_squeeze %dma_start3A_298 : memref<1x8192xi32, #tpu.memory_space<vmem>> -> memref<8192xi32, #tpu.memory_space<vmem>>
    %dma_start3A_300 = tpu.memref_slice %arg3[%add3A_282] : memref<2097152xi32, #tpu.memory_space<hbm>> -> memref<8192xi32, #tpu.memory_space<hbm>>
    tpu.enqueue_dma source(%dma_start3A_300 : memref<8192xi32, #tpu.memory_space<hbm>>) target(%dma_start3A_299 : memref<8192xi32, #tpu.memory_space<vmem>>) target_semaphore(%arg10 : memref<!tpu.dma_semaphore, #tpu.memory_space<semaphore_mem>>)
    %dma_wait3A_301 = arith.constant 0 : i32
    %dma_wait3A_302 = arith.constant 0 : i32
    %dma_wait3A_303 = tpu.memref_slice %arg6[%dma_wait3A_301, %dma_wait3A_302] : memref<2x8192xf32, #tpu.memory_space<vmem>> -> memref<1x8192xf32, #tpu.memory_space<vmem>>
    %dma_wait3A_304 = tpu.memref_squeeze %dma_wait3A_303 : memref<1x8192xf32, #tpu.memory_space<vmem>> -> memref<8192xf32, #tpu.memory_space<vmem>>
    %dma_wait3A_305 = tpu.memref_slice %arg2[%add3A_241] : memref<2097152xf32, #tpu.memory_space<hbm>> -> memref<8192xf32, #tpu.memory_space<hbm>>
    %dma_wait3A_306 = arith.constant 0 : i32
    %dma_wait3A_307 = tpu.memref_slice %arg6[%dma_wait3A_301, %dma_wait3A_306] : memref<2x8192xf32, #tpu.memory_space<vmem>> -> memref<1x8192xf32, #tpu.memory_space<vmem>>
    %dma_wait3A_308 = tpu.memref_squeeze %dma_wait3A_307 : memref<1x8192xf32, #tpu.memory_space<vmem>> -> memref<8192xf32, #tpu.memory_space<vmem>>
    %dma_wait3A_309 = tpu.memref_slice %arg2[%add3A_241] : memref<2097152xf32, #tpu.memory_space<hbm>> -> memref<8192xf32, #tpu.memory_space<hbm>>
    tpu.wait_dma2 semaphore(%arg9 : memref<!tpu.dma_semaphore, #tpu.memory_space<semaphore_mem>>) src(%dma_wait3A_309 : memref<8192xf32, #tpu.memory_space<hbm>>) dst(%dma_wait3A_308 : memref<8192xf32, #tpu.memory_space<vmem>>)
    %dma_wait3A_310 = arith.constant 0 : i32
    %dma_wait3A_311 = arith.constant 0 : i32
    %dma_wait3A_312 = tpu.memref_slice %arg7[%dma_wait3A_310, %dma_wait3A_311] : memref<2x8192xi32, #tpu.memory_space<vmem>> -> memref<1x8192xi32, #tpu.memory_space<vmem>>
    %dma_wait3A_313 = tpu.memref_squeeze %dma_wait3A_312 : memref<1x8192xi32, #tpu.memory_space<vmem>> -> memref<8192xi32, #tpu.memory_space<vmem>>
    %dma_wait3A_314 = tpu.memref_slice %arg3[%add3A_241] : memref<2097152xi32, #tpu.memory_space<hbm>> -> memref<8192xi32, #tpu.memory_space<hbm>>
    %dma_wait3A_315 = arith.constant 0 : i32
    %dma_wait3A_316 = tpu.memref_slice %arg7[%dma_wait3A_310, %dma_wait3A_315] : memref<2x8192xi32, #tpu.memory_space<vmem>> -> memref<1x8192xi32, #tpu.memory_space<vmem>>
    %dma_wait3A_317 = tpu.memref_squeeze %dma_wait3A_316 : memref<1x8192xi32, #tpu.memory_space<vmem>> -> memref<8192xi32, #tpu.memory_space<vmem>>
    %dma_wait3A_318 = tpu.memref_slice %arg3[%add3A_241] : memref<2097152xi32, #tpu.memory_space<hbm>> -> memref<8192xi32, #tpu.memory_space<hbm>>
    tpu.wait_dma2 semaphore(%arg9 : memref<!tpu.dma_semaphore, #tpu.memory_space<semaphore_mem>>) src(%dma_wait3A_318 : memref<8192xi32, #tpu.memory_space<hbm>>) dst(%dma_wait3A_317 : memref<8192xi32, #tpu.memory_space<vmem>>)
    %parallel_loop3A_319 = arith.constant 0 : i32
    %parallel_loop3A_320 = arith.constant 8192 : i32
    %parallel_loop3A_321 = arith.constant 16 : i32
    scf.for %parallel_loop3A_346 = %parallel_loop3A_319 to %parallel_loop3A_320 step %parallel_loop3A_321  : i32 {
      %parallel_loop3A_347 = arith.constant 0 : i32
      %parallel_loop3A_348 = arith.index_cast %parallel_loop3A_347 : i32 to index
      %parallel_loop3A_349 = arith.index_cast %parallel_loop3A_346 : i32 to index
      %parallel_loop3A_350 = tpu.vector_load %arg6[%parallel_loop3A_348, %parallel_loop3A_349] {strides = array<i32>} : memref<2x8192xf32, #tpu.memory_space<vmem>>, vector<16xf32>,
      %parallel_loop3A_351 = arith.constant 0 : i32
      %parallel_loop3A_352 = arith.index_cast %parallel_loop3A_351 : i32 to index
      %parallel_loop3A_353 = arith.index_cast %parallel_loop3A_346 : i32 to index
      %parallel_loop3A_354 = tpu.vector_load %arg7[%parallel_loop3A_352, %parallel_loop3A_353] {strides = array<i32>} : memref<2x8192xi32, #tpu.memory_space<vmem>>, vector<16xi32>,
      %parallel_loop3A_355 = arith.constant 0 : i32
      %parallel_loop3A_356 = vector.broadcast %parallel_loop3A_355 : i32 to vector<16xi32>
      %parallel_loop3A_357 = arith.cmpi sgt, %parallel_loop3A_354, %parallel_loop3A_356 : vector<16xi32>
      %parallel_loop3A_358 = arith.constant -170.666672 : f32
      %parallel_loop3A_359 = arith.constant 170.666672 : f32
      %parallel_loop3A_360 = vector.broadcast %parallel_loop3A_358 : f32 to vector<16xf32>
      %parallel_loop3A_361 = vector.broadcast %parallel_loop3A_359 : f32 to vector<16xf32>
      %parallel_loop3A_362 = arith.select %parallel_loop3A_357, %parallel_loop3A_360, %parallel_loop3A_361 : vector<16xi1>, vector<16xf32>
      %parallel_loop3A_363 = arith.constant 1109.33337 : f32
      %parallel_loop3A_364 = arith.constant 938.666687 : f32
      %parallel_loop3A_365 = vector.broadcast %parallel_loop3A_363 : f32 to vector<16xf32>
      %parallel_loop3A_366 = vector.broadcast %parallel_loop3A_364 : f32 to vector<16xf32>
      %parallel_loop3A_367 = arith.select %parallel_loop3A_357, %parallel_loop3A_365, %parallel_loop3A_366 : vector<16xi1>, vector<16xf32>
      %parallel_loop3A_368 = arith.mulf %parallel_loop3A_362, %parallel_loop3A_350 : vector<16xf32>
      %parallel_loop3A_369 = arith.addf %parallel_loop3A_368, %parallel_loop3A_367 : vector<16xf32>
      %parallel_loop3A_370 = arith.constant 0.000000e+00 : f32
      %parallel_loop3A_371 = vector.broadcast %parallel_loop3A_370 : f32 to vector<16xf32>
      %parallel_loop3A_372 = arith.maximumf %parallel_loop3A_369, %parallel_loop3A_371 : vector<16xf32>
      %parallel_loop3A_373 = arith.constant 2.047500e+03 : f32
      %parallel_loop3A_374 = vector.broadcast %parallel_loop3A_373 : f32 to vector<16xf32>
      %parallel_loop3A_375 = arith.minimumf %parallel_loop3A_372, %parallel_loop3A_374 : vector<16xf32>
      %parallel_loop3A_376 = arith.fptosi %parallel_loop3A_375 : vector<16xf32> to vector<16xi32>
      %parallel_loop3A_377 = arith.select %parallel_loop3A_357, %add3A_35, %add3A_32 : vector<16xi1>, vector<16xi32>
      %parallel_loop3A_378 = arith.subi %parallel_loop3A_377, %parallel_loop3A_376 : vector<16xi32>
      tpu.vector_store_idx %arg5[%parallel_loop3A_378], %broadcast_in_dim3A_29 {add = true} : memref<65536xf32, #tpu.memory_space<vmem>>[vector<16xi32>], vector<16xf32>,
    } {sc.loop_unroll_factor = 8 : i64, sc.parallel_access}
    %dma_wait3A_322 = arith.constant 1 : i32
    %dma_wait3A_323 = arith.constant 0 : i32
    %dma_wait3A_324 = tpu.memref_slice %arg6[%dma_wait3A_322, %dma_wait3A_323] : memref<2x8192xf32, #tpu.memory_space<vmem>> -> memref<1x8192xf32, #tpu.memory_space<vmem>>
    %dma_wait3A_325 = tpu.memref_squeeze %dma_wait3A_324 : memref<1x8192xf32, #tpu.memory_space<vmem>> -> memref<8192xf32, #tpu.memory_space<vmem>>
    %dma_wait3A_326 = tpu.memref_slice %arg2[%add3A_282] : memref<2097152xf32, #tpu.memory_space<hbm>> -> memref<8192xf32, #tpu.memory_space<hbm>>
    %dma_wait3A_327 = arith.constant 0 : i32
    %dma_wait3A_328 = tpu.memref_slice %arg6[%dma_wait3A_322, %dma_wait3A_327] : memref<2x8192xf32, #tpu.memory_space<vmem>> -> memref<1x8192xf32, #tpu.memory_space<vmem>>
    %dma_wait3A_329 = tpu.memref_squeeze %dma_wait3A_328 : memref<1x8192xf32, #tpu.memory_space<vmem>> -> memref<8192xf32, #tpu.memory_space<vmem>>
    %dma_wait3A_330 = tpu.memref_slice %arg2[%add3A_282] : memref<2097152xf32, #tpu.memory_space<hbm>> -> memref<8192xf32, #tpu.memory_space<hbm>>
    tpu.wait_dma2 semaphore(%arg10 : memref<!tpu.dma_semaphore, #tpu.memory_space<semaphore_mem>>) src(%dma_wait3A_330 : memref<8192xf32, #tpu.memory_space<hbm>>) dst(%dma_wait3A_329 : memref<8192xf32, #tpu.memory_space<vmem>>)
    %dma_wait3A_331 = arith.constant 1 : i32
    %dma_wait3A_332 = arith.constant 0 : i32
    %dma_wait3A_333 = tpu.memref_slice %arg7[%dma_wait3A_331, %dma_wait3A_332] : memref<2x8192xi32, #tpu.memory_space<vmem>> -> memref<1x8192xi32, #tpu.memory_space<vmem>>
    %dma_wait3A_334 = tpu.memref_squeeze %dma_wait3A_333 : memref<1x8192xi32, #tpu.memory_space<vmem>> -> memref<8192xi32, #tpu.memory_space<vmem>>
    %dma_wait3A_335 = tpu.memref_slice %arg3[%add3A_282] : memref<2097152xi32, #tpu.memory_space<hbm>> -> memref<8192xi32, #tpu.memory_space<hbm>>
    %dma_wait3A_336 = arith.constant 0 : i32
    %dma_wait3A_337 = tpu.memref_slice %arg7[%dma_wait3A_331, %dma_wait3A_336] : memref<2x8192xi32, #tpu.memory_space<vmem>> -> memref<1x8192xi32, #tpu.memory_space<vmem>>
    %dma_wait3A_338 = tpu.memref_squeeze %dma_wait3A_337 : memref<1x8192xi32, #tpu.memory_space<vmem>> -> memref<8192xi32, #tpu.memory_space<vmem>>
    %dma_wait3A_339 = tpu.memref_slice %arg3[%add3A_282] : memref<2097152xi32, #tpu.memory_space<hbm>> -> memref<8192xi32, #tpu.memory_space<hbm>>
    tpu.wait_dma2 semaphore(%arg10 : memref<!tpu.dma_semaphore, #tpu.memory_space<semaphore_mem>>) src(%dma_wait3A_339 : memref<8192xi32, #tpu.memory_space<hbm>>) dst(%dma_wait3A_338 : memref<8192xi32, #tpu.memory_space<vmem>>)
    %parallel_loop3A_340 = arith.constant 0 : i32
    %parallel_loop3A_341 = arith.constant 8192 : i32
    %parallel_loop3A_342 = arith.constant 16 : i32
    scf.for %parallel_loop3A_346 = %parallel_loop3A_340 to %parallel_loop3A_341 step %parallel_loop3A_342  : i32 {
      %parallel_loop3A_347 = arith.constant 1 : i32
      %parallel_loop3A_348 = arith.index_cast %parallel_loop3A_347 : i32 to index
      %parallel_loop3A_349 = arith.index_cast %parallel_loop3A_346 : i32 to index
      %parallel_loop3A_350 = tpu.vector_load %arg6[%parallel_loop3A_348, %parallel_loop3A_349] {strides = array<i32>} : memref<2x8192xf32, #tpu.memory_space<vmem>>, vector<16xf32>,
      %parallel_loop3A_351 = arith.constant 1 : i32
      %parallel_loop3A_352 = arith.index_cast %parallel_loop3A_351 : i32 to index
      %parallel_loop3A_353 = arith.index_cast %parallel_loop3A_346 : i32 to index
      %parallel_loop3A_354 = tpu.vector_load %arg7[%parallel_loop3A_352, %parallel_loop3A_353] {strides = array<i32>} : memref<2x8192xi32, #tpu.memory_space<vmem>>, vector<16xi32>,
      %parallel_loop3A_355 = arith.constant 0 : i32
      %parallel_loop3A_356 = vector.broadcast %parallel_loop3A_355 : i32 to vector<16xi32>
      %parallel_loop3A_357 = arith.cmpi sgt, %parallel_loop3A_354, %parallel_loop3A_356 : vector<16xi32>
      %parallel_loop3A_358 = arith.constant -170.666672 : f32
      %parallel_loop3A_359 = arith.constant 170.666672 : f32
      %parallel_loop3A_360 = vector.broadcast %parallel_loop3A_358 : f32 to vector<16xf32>
      %parallel_loop3A_361 = vector.broadcast %parallel_loop3A_359 : f32 to vector<16xf32>
      %parallel_loop3A_362 = arith.select %parallel_loop3A_357, %parallel_loop3A_360, %parallel_loop3A_361 : vector<16xi1>, vector<16xf32>
      %parallel_loop3A_363 = arith.constant 1109.33337 : f32
      %parallel_loop3A_364 = arith.constant 938.666687 : f32
      %parallel_loop3A_365 = vector.broadcast %parallel_loop3A_363 : f32 to vector<16xf32>
      %parallel_loop3A_366 = vector.broadcast %parallel_loop3A_364 : f32 to vector<16xf32>
      %parallel_loop3A_367 = arith.select %parallel_loop3A_357, %parallel_loop3A_365, %parallel_loop3A_366 : vector<16xi1>, vector<16xf32>
      %parallel_loop3A_368 = arith.mulf %parallel_loop3A_362, %parallel_loop3A_350 : vector<16xf32>
      %parallel_loop3A_369 = arith.addf %parallel_loop3A_368, %parallel_loop3A_367 : vector<16xf32>
      %parallel_loop3A_370 = arith.constant 0.000000e+00 : f32
      %parallel_loop3A_371 = vector.broadcast %parallel_loop3A_370 : f32 to vector<16xf32>
      %parallel_loop3A_372 = arith.maximumf %parallel_loop3A_369, %parallel_loop3A_371 : vector<16xf32>
      %parallel_loop3A_373 = arith.constant 2.047500e+03 : f32
      %parallel_loop3A_374 = vector.broadcast %parallel_loop3A_373 : f32 to vector<16xf32>
      %parallel_loop3A_375 = arith.minimumf %parallel_loop3A_372, %parallel_loop3A_374 : vector<16xf32>
      %parallel_loop3A_376 = arith.fptosi %parallel_loop3A_375 : vector<16xf32> to vector<16xi32>
      %parallel_loop3A_377 = arith.select %parallel_loop3A_357, %add3A_35, %add3A_32 : vector<16xi1>, vector<16xi32>
      %parallel_loop3A_378 = arith.subi %parallel_loop3A_377, %parallel_loop3A_376 : vector<16xi32>
      tpu.vector_store_idx %arg5[%parallel_loop3A_378], %broadcast_in_dim3A_29 {add = true} : memref<65536xf32, #tpu.memory_space<vmem>>[vector<16xi32>], vector<16xf32>,
    } {sc.loop_unroll_factor = 8 : i64, sc.parallel_access}
    %parallel_loop3A_343 = arith.constant 0 : i32
    %parallel_loop3A_344 = arith.constant 4096 : i32
    %parallel_loop3A_345 = arith.constant 16 : i32
    scf.for %parallel_loop3A_346 = %parallel_loop3A_343 to %parallel_loop3A_344 step %parallel_loop3A_345  : i32 {
      %parallel_loop3A_347 = arith.index_cast %parallel_loop3A_346 : i32 to index
      %parallel_loop3A_348 = tpu.vector_load %arg5[%parallel_loop3A_347] {strides = array<i32>} : memref<65536xf32, #tpu.memory_space<vmem>>, vector<16xf32>,
      %parallel_loop3A_349 = arith.constant 4096 : i32
      %parallel_loop3A_350 = arith.addi %parallel_loop3A_349, %parallel_loop3A_346 : i32
      %parallel_loop3A_351 = arith.index_cast %parallel_loop3A_350 : i32 to index
      %parallel_loop3A_352 = tpu.vector_load %arg5[%parallel_loop3A_351] {strides = array<i32>} : memref<65536xf32, #tpu.memory_space<vmem>>, vector<16xf32>,
      %parallel_loop3A_353 = arith.addf %parallel_loop3A_348, %parallel_loop3A_352 : vector<16xf32>
      %parallel_loop3A_354 = arith.constant 8192 : i32
      %parallel_loop3A_355 = arith.addi %parallel_loop3A_354, %parallel_loop3A_346 : i32
      %parallel_loop3A_356 = arith.index_cast %parallel_loop3A_355 : i32 to index
      %parallel_loop3A_357 = tpu.vector_load %arg5[%parallel_loop3A_356] {strides = array<i32>} : memref<65536xf32, #tpu.memory_space<vmem>>, vector<16xf32>,
      %parallel_loop3A_358 = arith.addf %parallel_loop3A_353, %parallel_loop3A_357 : vector<16xf32>
      %parallel_loop3A_359 = arith.constant 12288 : i32
      %parallel_loop3A_360 = arith.addi %parallel_loop3A_359, %parallel_loop3A_346 : i32
      %parallel_loop3A_361 = arith.index_cast %parallel_loop3A_360 : i32 to index
      %parallel_loop3A_362 = tpu.vector_load %arg5[%parallel_loop3A_361] {strides = array<i32>} : memref<65536xf32, #tpu.memory_space<vmem>>, vector<16xf32>,
      %parallel_loop3A_363 = arith.addf %parallel_loop3A_358, %parallel_loop3A_362 : vector<16xf32>
      %parallel_loop3A_364 = arith.constant 16384 : i32
      %parallel_loop3A_365 = arith.addi %parallel_loop3A_364, %parallel_loop3A_346 : i32
      %parallel_loop3A_366 = arith.index_cast %parallel_loop3A_365 : i32 to index
      %parallel_loop3A_367 = tpu.vector_load %arg5[%parallel_loop3A_366] {strides = array<i32>} : memref<65536xf32, #tpu.memory_space<vmem>>, vector<16xf32>,
      %parallel_loop3A_368 = arith.addf %parallel_loop3A_363, %parallel_loop3A_367 : vector<16xf32>
      %parallel_loop3A_369 = arith.constant 20480 : i32
      %parallel_loop3A_370 = arith.addi %parallel_loop3A_369, %parallel_loop3A_346 : i32
      %parallel_loop3A_371 = arith.index_cast %parallel_loop3A_370 : i32 to index
      %parallel_loop3A_372 = tpu.vector_load %arg5[%parallel_loop3A_371] {strides = array<i32>} : memref<65536xf32, #tpu.memory_space<vmem>>, vector<16xf32>,
      %parallel_loop3A_373 = arith.addf %parallel_loop3A_368, %parallel_loop3A_372 : vector<16xf32>
      %parallel_loop3A_374 = arith.constant 24576 : i32
      %parallel_loop3A_375 = arith.addi %parallel_loop3A_374, %parallel_loop3A_346 : i32
      %parallel_loop3A_376 = arith.index_cast %parallel_loop3A_375 : i32 to index
      %parallel_loop3A_377 = tpu.vector_load %arg5[%parallel_loop3A_376] {strides = array<i32>} : memref<65536xf32, #tpu.memory_space<vmem>>, vector<16xf32>,
      %parallel_loop3A_378 = arith.addf %parallel_loop3A_373, %parallel_loop3A_377 : vector<16xf32>
      %parallel_loop3A_379 = arith.constant 28672 : i32
      %parallel_loop3A_380 = arith.addi %parallel_loop3A_379, %parallel_loop3A_346 : i32
      %parallel_loop3A_381 = arith.index_cast %parallel_loop3A_380 : i32 to index
      %parallel_loop3A_382 = tpu.vector_load %arg5[%parallel_loop3A_381] {strides = array<i32>} : memref<65536xf32, #tpu.memory_space<vmem>>, vector<16xf32>,
      %parallel_loop3A_383 = arith.addf %parallel_loop3A_378, %parallel_loop3A_382 : vector<16xf32>
      %parallel_loop3A_384 = arith.constant 32768 : i32
      %parallel_loop3A_385 = arith.addi %parallel_loop3A_384, %parallel_loop3A_346 : i32
      %parallel_loop3A_386 = arith.index_cast %parallel_loop3A_385 : i32 to index
      %parallel_loop3A_387 = tpu.vector_load %arg5[%parallel_loop3A_386] {strides = array<i32>} : memref<65536xf32, #tpu.memory_space<vmem>>, vector<16xf32>,
      %parallel_loop3A_388 = arith.addf %parallel_loop3A_383, %parallel_loop3A_387 : vector<16xf32>
      %parallel_loop3A_389 = arith.constant 36864 : i32
      %parallel_loop3A_390 = arith.addi %parallel_loop3A_389, %parallel_loop3A_346 : i32
      %parallel_loop3A_391 = arith.index_cast %parallel_loop3A_390 : i32 to index
      %parallel_loop3A_392 = tpu.vector_load %arg5[%parallel_loop3A_391] {strides = array<i32>} : memref<65536xf32, #tpu.memory_space<vmem>>, vector<16xf32>,
      %parallel_loop3A_393 = arith.addf %parallel_loop3A_388, %parallel_loop3A_392 : vector<16xf32>
      %parallel_loop3A_394 = arith.constant 40960 : i32
      %parallel_loop3A_395 = arith.addi %parallel_loop3A_394, %parallel_loop3A_346 : i32
      %parallel_loop3A_396 = arith.index_cast %parallel_loop3A_395 : i32 to index
      %parallel_loop3A_397 = tpu.vector_load %arg5[%parallel_loop3A_396] {strides = array<i32>} : memref<65536xf32, #tpu.memory_space<vmem>>, vector<16xf32>,
      %parallel_loop3A_398 = arith.addf %parallel_loop3A_393, %parallel_loop3A_397 : vector<16xf32>
      %parallel_loop3A_399 = arith.constant 45056 : i32
      %parallel_loop3A_400 = arith.addi %parallel_loop3A_399, %parallel_loop3A_346 : i32
      %parallel_loop3A_401 = arith.index_cast %parallel_loop3A_400 : i32 to index
      %parallel_loop3A_402 = tpu.vector_load %arg5[%parallel_loop3A_401] {strides = array<i32>} : memref<65536xf32, #tpu.memory_space<vmem>>, vector<16xf32>,
      %parallel_loop3A_403 = arith.addf %parallel_loop3A_398, %parallel_loop3A_402 : vector<16xf32>
      %parallel_loop3A_404 = arith.constant 49152 : i32
      %parallel_loop3A_405 = arith.addi %parallel_loop3A_404, %parallel_loop3A_346 : i32
      %parallel_loop3A_406 = arith.index_cast %parallel_loop3A_405 : i32 to index
      %parallel_loop3A_407 = tpu.vector_load %arg5[%parallel_loop3A_406] {strides = array<i32>} : memref<65536xf32, #tpu.memory_space<vmem>>, vector<16xf32>,
      %parallel_loop3A_408 = arith.addf %parallel_loop3A_403, %parallel_loop3A_407 : vector<16xf32>
      %parallel_loop3A_409 = arith.constant 53248 : i32
      %parallel_loop3A_410 = arith.addi %parallel_loop3A_409, %parallel_loop3A_346 : i32
      %parallel_loop3A_411 = arith.index_cast %parallel_loop3A_410 : i32 to index
      %parallel_loop3A_412 = tpu.vector_load %arg5[%parallel_loop3A_411] {strides = array<i32>} : memref<65536xf32, #tpu.memory_space<vmem>>, vector<16xf32>,
      %parallel_loop3A_413 = arith.addf %parallel_loop3A_408, %parallel_loop3A_412 : vector<16xf32>
      %parallel_loop3A_414 = arith.constant 57344 : i32
      %parallel_loop3A_415 = arith.addi %parallel_loop3A_414, %parallel_loop3A_346 : i32
      %parallel_loop3A_416 = arith.index_cast %parallel_loop3A_415 : i32 to index
      %parallel_loop3A_417 = tpu.vector_load %arg5[%parallel_loop3A_416] {strides = array<i32>} : memref<65536xf32, #tpu.memory_space<vmem>>, vector<16xf32>,
      %parallel_loop3A_418 = arith.addf %parallel_loop3A_413, %parallel_loop3A_417 : vector<16xf32>
      %parallel_loop3A_419 = arith.constant 61440 : i32
      %parallel_loop3A_420 = arith.addi %parallel_loop3A_419, %parallel_loop3A_346 : i32
      %parallel_loop3A_421 = arith.index_cast %parallel_loop3A_420 : i32 to index
      %parallel_loop3A_422 = tpu.vector_load %arg5[%parallel_loop3A_421] {strides = array<i32>} : memref<65536xf32, #tpu.memory_space<vmem>>, vector<16xf32>,
      %parallel_loop3A_423 = arith.addf %parallel_loop3A_418, %parallel_loop3A_422 : vector<16xf32>
      %parallel_loop3A_424 = arith.index_cast %parallel_loop3A_346 : i32 to index
      %parallel_loop3A_425 = tpu.vector_load %arg8[%parallel_loop3A_424] {strides = array<i32>} : memref<4096xf32, #tpu.memory_space<vmem>>, vector<16xf32>,
      tpu.vector_store %arg8[%parallel_loop3A_424], %parallel_loop3A_423 {strides = array<i32>} : memref<4096xf32, #tpu.memory_space<vmem>>, vector<16xf32>,
    } {sc.loop_unroll_factor = 2 : i64, sc.parallel_access}
    "tpu.region"() ({
      %run_scoped3A = tpu.sem_alloc : memref<!tpu.dma_semaphore, #tpu.memory_space<semaphore_mem>>
      %dma_start3A_346 = arith.constant 0 : i32
      %dma_start3A_347 = tpu.memref_slice %arg4[%add3A, %dma_start3A_346] : memref<32x4096xf32, #tpu.memory_space<hbm>> -> memref<1x4096xf32, #tpu.memory_space<hbm>>
      %dma_start3A_348 = tpu.memref_squeeze %dma_start3A_347 : memref<1x4096xf32, #tpu.memory_space<hbm>> -> memref<4096xf32, #tpu.memory_space<hbm>>
      %dma_start3A_349 = arith.constant 0 : i32
      %dma_start3A_350 = tpu.memref_slice %arg4[%add3A, %dma_start3A_349] : memref<32x4096xf32, #tpu.memory_space<hbm>> -> memref<1x4096xf32, #tpu.memory_space<hbm>>
      %dma_start3A_351 = tpu.memref_squeeze %dma_start3A_350 : memref<1x4096xf32, #tpu.memory_space<hbm>> -> memref<4096xf32, #tpu.memory_space<hbm>>
      tpu.enqueue_dma source(%arg8 : memref<4096xf32, #tpu.memory_space<vmem>>) target(%dma_start3A_351 : memref<4096xf32, #tpu.memory_space<hbm>>) target_semaphore(%run_scoped3A : memref<!tpu.dma_semaphore, #tpu.memory_space<semaphore_mem>>)
      %dma_wait3A_352 = arith.constant 0 : i32
      %dma_wait3A_353 = tpu.memref_slice %arg4[%add3A, %dma_wait3A_352] : memref<32x4096xf32, #tpu.memory_space<hbm>> -> memref<1x4096xf32, #tpu.memory_space<hbm>>
      %dma_wait3A_354 = tpu.memref_squeeze %dma_wait3A_353 : memref<1x4096xf32, #tpu.memory_space<hbm>> -> memref<4096xf32, #tpu.memory_space<hbm>>
      %dma_wait3A_355 = arith.constant 0 : i32
      %dma_wait3A_356 = tpu.memref_slice %arg4[%add3A, %dma_wait3A_355] : memref<32x4096xf32, #tpu.memory_space<hbm>> -> memref<1x4096xf32, #tpu.memory_space<hbm>>
      %dma_wait3A_357 = tpu.memref_squeeze %dma_wait3A_356 : memref<1x4096xf32, #tpu.memory_space<hbm>> -> memref<4096xf32, #tpu.memory_space<hbm>>
      tpu.wait_dma2 semaphore(%run_scoped3A : memref<!tpu.dma_semaphore, #tpu.memory_space<semaphore_mem>>) src(%arg8 : memref<4096xf32, #tpu.memory_space<vmem>>) dst(%dma_wait3A_357 : memref<4096xf32, #tpu.memory_space<hbm>>)
      tpu.yield
    }) : () -> ()
    return
  }
}

module attributes {stable_mosaic.version = 14 : i64} {
  func.func @_tc_finish(%arg0: memref<32x2x16x128xf32, #tpu.memory_space<vmem>>, %arg1: memref<1x1xf32, #tpu.memory_space<vmem>>) attributes {dimension_semantics = [], scalar_prefetch = 0 : i64, scratch_operands = 0 : i64, tpu.core_type = #tpu.core_type<tc>} {
    %get3A = arith.constant 0 : index
    %get3A_0 = arith.constant 0 : index
    %get3A_1 = arith.constant 0 : index
    %get3A_2 = arith.constant 0 : index
    %get3A_3 = vector.load %arg0[%get3A, %get3A_0, %get3A_1, %get3A_2] : memref<32x2x16x128xf32, #tpu.memory_space<vmem>>, vector<32x2x16x128xf32>
    %reduce_sum3A = arith.constant dense<0.000000e+00> : vector<2x16x128xf32>
    %reduce_sum3A_4 = vector.multi_reduction <add>, %get3A_3, %reduce_sum3A [0] : vector<32x2x16x128xf32> to vector<2x16x128xf32>
    %slice3A = vector.extract_strided_slice %reduce_sum3A_4 {offsets = [0, 0, 0], sizes = [1, 16, 128], strides = [1, 1, 1]} : vector<2x16x128xf32> to vector<1x16x128xf32>
    %squeeze3A = vector.shape_cast %slice3A : vector<1x16x128xf32> to vector<16x128xf32>
    %slice3A_5 = vector.extract_strided_slice %reduce_sum3A_4 {offsets = [1, 0, 0], sizes = [1, 16, 128], strides = [1, 1, 1]} : vector<2x16x128xf32> to vector<1x16x128xf32>
    %squeeze3A_6 = vector.shape_cast %slice3A_5 : vector<1x16x128xf32> to vector<16x128xf32>
    %iota3A = tpu.iota {dimensions = array<i32: 0>} : vector<128x128xi32>
    %iota3A_7 = tpu.iota {dimensions = array<i32: 1>} : vector<128x128xi32>
    %le3A = arith.cmpi sle, %iota3A, %iota3A_7 : vector<128x128xi32>
    %convert_element_type3A = arith.extui %le3A : vector<128x128xi1> to vector<128x128xi32>
    %convert_element_type3A_8 = arith.sitofp %convert_element_type3A : vector<128x128xi32> to vector<128x128xf32>
    %iota3A_9 = tpu.iota {dimensions = array<i32: 0>} : vector<16x16xi32>
    %iota3A_10 = tpu.iota {dimensions = array<i32: 1>} : vector<16x16xi32>
    %lt3A = arith.cmpi slt, %iota3A_10, %iota3A_9 : vector<16x16xi32>
    %convert_element_type3A_11 = arith.extui %lt3A : vector<16x16xi1> to vector<16x16xi32>
    %convert_element_type3A_12 = arith.sitofp %convert_element_type3A_11 : vector<16x16xi32> to vector<16x16xf32>
    %dot_general3A = arith.constant dense<0.000000e+00> : vector<16x128xf32>
    %dot_general3A_13 = tpu.matmul %squeeze3A, %convert_element_type3A_8, %dot_general3A {dimension_numbers = #tpu.dot_dimension_numbers<[1], [0], [0], [1], [0, 0, 1, 1], [], []>, precision = #tpu.contract_precision<fp32>, transpose_lhs_hint = false} : vector<16x128xf32>, vector<128x128xf32>, vector<16x128xf32> -> vector<16x128xf32>
    %reduce_sum3A_14 = arith.constant dense<0.000000e+00> : vector<16xf32>
    %reduce_sum3A_15 = vector.multi_reduction <add>, %squeeze3A, %reduce_sum3A_14 [1] : vector<16x128xf32> to vector<16xf32>
    %broadcast_in_dim3A = vector.shape_cast %reduce_sum3A_15 : vector<16xf32> to vector<16x1xf32>
    %dot_general3A_16 = arith.constant dense<0.000000e+00> : vector<16x1xf32>
    %dot_general3A_17 = tpu.matmul %convert_element_type3A_12, %broadcast_in_dim3A, %dot_general3A_16 {dimension_numbers = #tpu.dot_dimension_numbers<[1], [0], [0], [1], [0, 0, 1, 1], [], []>, precision = #tpu.contract_precision<fp32>, transpose_lhs_hint = false} : vector<16x16xf32>, vector<16x1xf32>, vector<16x1xf32> -> vector<16x1xf32>
    %add3A = vector.broadcast %dot_general3A_17 : vector<16x1xf32> to vector<16x128xf32>
    %add3A_18 = arith.addf %dot_general3A_13, %add3A : vector<16x128xf32>
    %dot_general3A_19 = arith.constant dense<0.000000e+00> : vector<16x128xf32>
    %dot_general3A_20 = tpu.matmul %squeeze3A_6, %convert_element_type3A_8, %dot_general3A_19 {dimension_numbers = #tpu.dot_dimension_numbers<[1], [0], [0], [1], [0, 0, 1, 1], [], []>, precision = #tpu.contract_precision<fp32>, transpose_lhs_hint = false} : vector<16x128xf32>, vector<128x128xf32>, vector<16x128xf32> -> vector<16x128xf32>
    %reduce_sum3A_21 = arith.constant dense<0.000000e+00> : vector<16xf32>
    %reduce_sum3A_22 = vector.multi_reduction <add>, %squeeze3A_6, %reduce_sum3A_21 [1] : vector<16x128xf32> to vector<16xf32>
    %broadcast_in_dim3A_23 = vector.shape_cast %reduce_sum3A_22 : vector<16xf32> to vector<16x1xf32>
    %dot_general3A_24 = arith.constant dense<0.000000e+00> : vector<16x1xf32>
    %dot_general3A_25 = tpu.matmul %convert_element_type3A_12, %broadcast_in_dim3A_23, %dot_general3A_24 {dimension_numbers = #tpu.dot_dimension_numbers<[1], [0], [0], [1], [0, 0, 1, 1], [], []>, precision = #tpu.contract_precision<fp32>, transpose_lhs_hint = false} : vector<16x16xf32>, vector<16x1xf32>, vector<16x1xf32> -> vector<16x1xf32>
    %add3A_26 = vector.broadcast %dot_general3A_25 : vector<16x1xf32> to vector<16x128xf32>
    %add3A_27 = arith.addf %dot_general3A_20, %add3A_26 : vector<16x128xf32>
    %add3A_28 = arith.addf %add3A_18, %add3A_27 : vector<16x128xf32>
    %reduce_sum3A_29 = vector.shape_cast %squeeze3A : vector<16x128xf32> to vector<1x16x128xf32>
    %reduce_sum3A_30 = arith.constant dense<0.000000e+00> : vector<1xf32>
    %reduce_sum3A_31 = vector.multi_reduction <add>, %reduce_sum3A_29, %reduce_sum3A_30 [1, 2] : vector<1x16x128xf32> to vector<1xf32>
    %reduce_sum3A_32 = vector.shape_cast %reduce_sum3A_31 : vector<1xf32> to vector<1x1x1xf32>
    %reduce_sum3A_33 = vector.extract %reduce_sum3A_32[0, 0, 0] : f32 from vector<1x1x1xf32>
    %reduce_sum3A_34 = vector.shape_cast %squeeze3A_6 : vector<16x128xf32> to vector<1x16x128xf32>
    %reduce_sum3A_35 = arith.constant dense<0.000000e+00> : vector<1xf32>
    %reduce_sum3A_36 = vector.multi_reduction <add>, %reduce_sum3A_34, %reduce_sum3A_35 [1, 2] : vector<1x16x128xf32> to vector<1xf32>
    %reduce_sum3A_37 = vector.shape_cast %reduce_sum3A_36 : vector<1xf32> to vector<1x1x1xf32>
    %reduce_sum3A_38 = vector.extract %reduce_sum3A_37[0, 0, 0] : f32 from vector<1x1x1xf32>
    %eq3A = arith.constant 0.000000e+00 : f32
    %eq3A_39 = vector.broadcast %eq3A : f32 to vector<16x128xf32>
    %eq3A_40 = arith.cmpf oeq, %add3A_28, %eq3A_39 : vector<16x128xf32>
    %sub3A = vector.broadcast %reduce_sum3A_33 : f32 to vector<16x128xf32>
    %sub3A_41 = arith.subf %sub3A, %add3A_18 : vector<16x128xf32>
    %add3A_42 = vector.broadcast %reduce_sum3A_33 : f32 to vector<16x128xf32>
    %add3A_43 = arith.addf %add3A_42, %add3A_27 : vector<16x128xf32>
    %max3A = arith.constant 1.000000e+00 : f32
    %max3A_44 = vector.broadcast %max3A : f32 to vector<16x128xf32>
    %max3A_45 = arith.maximumf %add3A_43, %max3A_44 : vector<16x128xf32>
    %div3A = arith.divf %sub3A_41, %max3A_45 : vector<16x128xf32>
    %sub3A_46 = arith.constant 1.000000e+00 : f32
    %sub3A_47 = vector.broadcast %sub3A_46 : f32 to vector<16x128xf32>
    %sub3A_48 = arith.subf %sub3A_47, %div3A : vector<16x128xf32>
    %jit3A = arith.constant 0.000000e+00 : f32
    %broadcast_in_dim3A_49 = vector.broadcast %jit3A : f32 to vector<16x128xf32>
    %select_n3A = arith.select %eq3A_40, %broadcast_in_dim3A_49, %sub3A_48 : vector<16x128xi1>, vector<16x128xf32>
    %eq3A_50 = arith.constant 0.000000e+00 : f32
    %eq3A_51 = vector.broadcast %eq3A_50 : f32 to vector<16x128xf32>
    %eq3A_52 = arith.cmpf oeq, %add3A_28, %eq3A_51 : vector<16x128xf32>
    %sub3A_53 = vector.broadcast %reduce_sum3A_38 : f32 to vector<16x128xf32>
    %sub3A_54 = arith.subf %sub3A_53, %add3A_27 : vector<16x128xf32>
    %add3A_55 = vector.broadcast %reduce_sum3A_38 : f32 to vector<16x128xf32>
    %add3A_56 = arith.addf %add3A_55, %add3A_18 : vector<16x128xf32>
    %max3A_57 = arith.constant 1.000000e+00 : f32
    %max3A_58 = vector.broadcast %max3A_57 : f32 to vector<16x128xf32>
    %max3A_59 = arith.maximumf %add3A_56, %max3A_58 : vector<16x128xf32>
    %div3A_60 = arith.divf %sub3A_54, %max3A_59 : vector<16x128xf32>
    %sub3A_61 = arith.constant 1.000000e+00 : f32
    %sub3A_62 = vector.broadcast %sub3A_61 : f32 to vector<16x128xf32>
    %sub3A_63 = arith.subf %sub3A_62, %div3A_60 : vector<16x128xf32>
    %jit3A_64 = arith.constant 0.000000e+00 : f32
    %broadcast_in_dim3A_65 = vector.broadcast %jit3A_64 : f32 to vector<16x128xf32>
    %select_n3A_66 = arith.select %eq3A_52, %broadcast_in_dim3A_65, %sub3A_63 : vector<16x128xi1>, vector<16x128xf32>
    %iota3A_67 = tpu.iota {dimensions = array<i32: 0>} : vector<16x128xi32>
    %mul3A = arith.constant 128 : i32
    %mul3A_68 = vector.broadcast %mul3A : i32 to vector<16x128xi32>
    %mul3A_69 = arith.muli %iota3A_67, %mul3A_68 : vector<16x128xi32>
    %iota3A_70 = tpu.iota {dimensions = array<i32: 1>} : vector<16x128xi32>
    %add3A_71 = arith.addi %mul3A_69, %iota3A_70 : vector<16x128xi32>
    %convert_element_type3A_72 = arith.sitofp %add3A_71 : vector<16x128xi32> to vector<16x128xf32>
    %add3A_73 = arith.constant 5.000000e-01 : f32
    %add3A_74 = vector.broadcast %add3A_73 : f32 to vector<16x128xf32>
    %add3A_75 = arith.addf %convert_element_type3A_72, %add3A_74 : vector<16x128xf32>
    %mul3A_76 = arith.constant 0.01171875 : f32
    %mul3A_77 = vector.broadcast %mul3A_76 : f32 to vector<16x128xf32>
    %mul3A_78 = arith.mulf %add3A_75, %mul3A_77 : vector<16x128xf32>
    %sub3A_79 = arith.constant 1.200000e+01 : f32
    %sub3A_80 = vector.broadcast %sub3A_79 : f32 to vector<16x128xf32>
    %sub3A_81 = arith.subf %sub3A_80, %mul3A_78 : vector<16x128xf32>
    %neg3A = arith.constant 0.000000e+00 : f32
    %neg3A_82 = vector.broadcast %neg3A : f32 to vector<16x128xf32>
    %neg3A_83 = arith.subf %neg3A_82, %sub3A_81 : vector<16x128xf32>
    %exp3A = math.exp %neg3A_83 : vector<16x128xf32>
    %add3A_84 = arith.constant 1.000000e+00 : f32
    %add3A_85 = vector.broadcast %add3A_84 : f32 to vector<16x128xf32>
    %add3A_86 = arith.addf %add3A_85, %exp3A : vector<16x128xf32>
    %div3A_87 = arith.constant 1.000000e+00 : f32
    %div3A_88 = vector.broadcast %div3A_87 : f32 to vector<16x128xf32>
    %div3A_89 = arith.divf %div3A_88, %add3A_86 : vector<16x128xf32>
    %sub3A_90 = arith.constant 0.01171875 : f32
    %sub3A_91 = vector.broadcast %sub3A_90 : f32 to vector<16x128xf32>
    %sub3A_92 = arith.subf %sub3A_81, %sub3A_91 : vector<16x128xf32>
    %neg3A_93 = arith.constant 0.000000e+00 : f32
    %neg3A_94 = vector.broadcast %neg3A_93 : f32 to vector<16x128xf32>
    %neg3A_95 = arith.subf %neg3A_94, %sub3A_92 : vector<16x128xf32>
    %exp3A_96 = math.exp %neg3A_95 : vector<16x128xf32>
    %add3A_97 = arith.constant 1.000000e+00 : f32
    %add3A_98 = vector.broadcast %add3A_97 : f32 to vector<16x128xf32>
    %add3A_99 = arith.addf %add3A_98, %exp3A_96 : vector<16x128xf32>
    %div3A_100 = arith.constant 1.000000e+00 : f32
    %div3A_101 = vector.broadcast %div3A_100 : f32 to vector<16x128xf32>
    %div3A_102 = arith.divf %div3A_101, %add3A_99 : vector<16x128xf32>
    %eq3A_103 = arith.constant 2.047000e+03 : f32
    %eq3A_104 = vector.broadcast %eq3A_103 : f32 to vector<16x128xf32>
    %eq3A_105 = arith.cmpf oeq, %convert_element_type3A_72, %eq3A_104 : vector<16x128xf32>
    %jit3A_106 = arith.constant 0.000000e+00 : f32
    %broadcast_in_dim3A_107 = vector.broadcast %jit3A_106 : f32 to vector<16x128xf32>
    %select_n3A_108 = arith.select %eq3A_105, %broadcast_in_dim3A_107, %div3A_102 : vector<16x128xi1>, vector<16x128xf32>
    %sub3A_109 = arith.subf %div3A_89, %select_n3A_108 : vector<16x128xf32>
    %mul3A_110 = arith.mulf %sub3A_109, %select_n3A : vector<16x128xf32>
    %reduce_sum3A_111 = vector.shape_cast %mul3A_110 : vector<16x128xf32> to vector<1x16x128xf32>
    %reduce_sum3A_112 = arith.constant dense<0.000000e+00> : vector<1xf32>
    %reduce_sum3A_113 = vector.multi_reduction <add>, %reduce_sum3A_111, %reduce_sum3A_112 [1, 2] : vector<1x16x128xf32> to vector<1xf32>
    %reduce_sum3A_114 = vector.shape_cast %reduce_sum3A_113 : vector<1xf32> to vector<1x1x1xf32>
    %reduce_sum3A_115 = vector.extract %reduce_sum3A_114[0, 0, 0] : f32 from vector<1x1x1xf32>
    %mul3A_116 = arith.mulf %sub3A_109, %select_n3A_66 : vector<16x128xf32>
    %reduce_sum3A_117 = vector.shape_cast %mul3A_116 : vector<16x128xf32> to vector<1x16x128xf32>
    %reduce_sum3A_118 = arith.constant dense<0.000000e+00> : vector<1xf32>
    %reduce_sum3A_119 = vector.multi_reduction <add>, %reduce_sum3A_117, %reduce_sum3A_118 [1, 2] : vector<1x16x128xf32> to vector<1xf32>
    %reduce_sum3A_120 = vector.shape_cast %reduce_sum3A_119 : vector<1xf32> to vector<1x1x1xf32>
    %reduce_sum3A_121 = vector.extract %reduce_sum3A_120[0, 0, 0] : f32 from vector<1x1x1xf32>
    %add3A_122 = arith.addf %reduce_sum3A_115, %reduce_sum3A_121 : f32
    %mul3A_123 = arith.constant 5.000000e-01 : f32
    %mul3A_124 = arith.mulf %mul3A_123, %add3A_122 : f32
    %broadcast_in_dim3A_125 = vector.broadcast %mul3A_124 : f32 to vector<1x1xf32>
    %swap3A = arith.constant 0 : index
    %swap3A_126 = arith.constant 0 : index
    %swap3A_127 = vector.load %arg1[%swap3A, %swap3A_126] : memref<1x1xf32, #tpu.memory_space<vmem>>, vector<1x1xf32>
    tpu.vector_store %arg1[%swap3A, %swap3A_126], %broadcast_in_dim3A_125 {strides = array<i32>} : memref<1x1xf32, #tpu.memory_space<vmem>>, vector<1x1xf32>,
    return
  }
}

</mosaic_0001>

<sc_bundles>
// kernel: kernel.4.cloned.1.call-start
scs
__scs_entry_jumppad:
0x0: {  	(pc) =	sbr.rel $0x88, $3  }
0x1: {  	(tag) =	ssettag $0x0;
	lr =	simm.s32 $0x1  }
0x2: {  	[smem:$0x3F9F] =	sst lr;
	_ =	strace $0xD0000000  }
0x3: {  	_ = 	snop  }
0x4: {  	_ = 	snop  }
0x5: {  	_ = 	snop  }
0x6: {  	_ = 	snop  }
0x7: {  	_ = 	snop  }
__scs_overlays_trampoline_lowered:
0x8: {  	[smem:$0x3FAE] =	sst s0  }
0x9: {  	[smem:$0x3FAF] =	sst s1  }
0xa: {  	[smem:$0x3FB0] =	sst s2  }
0xb: {  	[smem:$0x3FB1] =	sst s3  }
0xc: {  	[smem:$0x3FB2] =	sst s4  }
0xd: {  	[smem:$0x3FB3] =	sst s5  }
0xe: {  	[smem:$0x3FB4] =	sst s6  }
0xf: {  	[smem:$0x3FB5] =	sst s7  }
0x10: {  	[smem:$0x3FB6] =	sst s8  }
0x11: {  	[smem:$0x3FB7] =	sst s9;
	s0 =	simm.s32 @!p0 $0x0  }
0x12: {  	s1 =	sld [smem:$0x3F9D];
	s0 =	simm.s32 @p0 $0x1  }
0x13: {  	[smem:$0x3FB8] =	sst s0;
	s0 =	simm.s32 @!p1 $0x0  }
0x14: {  	s2 =	sld [smem:$0x3F9C];
	s0 =	simm.s32 @p1 $0x1  }
0x15: {  	[smem:$0x3FB9] =	sst s0;
	s0 =	simm.s32 @!p2 $0x0  }
0x16: {  	s3 =	sld [smem:$0x3FDB];
	s0 =	simm.s32 @p2 $0x1  }
0x17: {  	s4 =	simm.s32 $0x1BF5;
	[smem:$0x3FBB] =	sst s0  }
0x18: {  	s0 =	sld [smem:$0x3F9E];
	_ =	swait.ge [sflag:s4], $0x0  }
0x19: {  	s7 =	sld [smem:$0x3F9F]  }
0x1a: {  	s8 =	sadd.s32 $0xFFFFE003, lr  }
0x1b: {  	s9 =	sadd.s32 $0xFFFFFEF7, lr;
	s5 =	simm.s32 $0xFFFFFFFF;
	p2 =	slt.u32 s8, $0xFFFFF086  }
0x1c: {  	p1 =	slt.u32 s9, $0xF7A;
	s5 =	simm.s32 @!p2 $0x0  }
0x1d: {  	s5 =	simm.s32 @p1 $0x1;
	p0 =	seq.s32 s7, s2  }
0x1e: {  	s7 =	smul.u32 @!p0 $0xF7A, s2;
	p2 =	seq.s32 @!p0 s5, $0x0  }
0x1f: {  	s9 =	smul.u32 $0xF7A, s1;
	s8 =	simm.s32 @!p0 $0x1BF5;
	p2 =	por !p2, p0  }
0x20: {  	[sflag:s8] =	ssyncset.s32 @!p0 $0xFFFFF086;
	s6 =	sadd.s32 @!p0 s3, s7;
	s7 =	simm.s32 @!p0 $0x108  }
0x21: {  	s3 =	sadd.s32 s3, s9;
	s6 =	sadd.s32 @!p0 $0x88, s6;
	s7 =	simm.s32 @p2 $0x1082  }
0x22: {  	[simem:s7], [sflag:s8] =	dma.local @!p0 [hbm:s6], $0xF7A  }
0x23: {  	s9 =	sor.u32 $0xD0000000, s2;
	s6 =	simm.s32 $0x108;
	_ =	swait.ge @!p0 [sflag:s8], $0x0  }
0x24: {  	s3 =	sadd.s32 $0x88, s3;
	s6 =	simm.s32 @!p1 $0x1082;
	[sflag:s4] =	ssyncset.s32 $0xFFFFF086  }
0x25: {  	[simem:s6], [sflag:s4] =	dma.local [hbm:s3], $0xF7A  }
0x26: {  	[smem:$0x3F9F] =	sst s1;
	(tag) =	ssettag s2;
	_ =	strace s9  }
0x27: {  	s1 =	sld [smem:$0x3FAF]  }
0x28: {  	s2 =	sld [smem:$0x3FB0]  }
0x29: {  	s4 =	sld [smem:$0x3FB2]  }
0x2a: {  	p0 =	seq.s32 s5, $0x0;
	s5 =	sld [smem:$0x3FB3]  }
0x2b: {  	s6 =	sld [smem:$0x3FB4]  }
0x2c: {  	s7 =	sld [smem:$0x3FB5]  }
0x2d: {  	s3 =	simm.s32 $0x108;
	s8 =	sld [smem:$0x3FB6]  }
0x2e: {  	s3 =	simm.s32 @!p0 $0x1082;
	s9 =	sld [smem:$0x3FB7]  }
0x2f: {  	lr =	sadd.s32 s0, s3;
	s0 =	sld [smem:$0x3FAE]  }
0x30: {  	s3 =	sld [smem:$0x3FB1]  }
0x31: {  	[smem:$0x3FBA] =	sst s10  }
0x32: {  	s10 =	sld [smem:$0x3FB8];
	_ =	sdelay $0x3  }
0x33: {  	p0 =	seq.s32 s10, $0x1;
	s10 =	sld [smem:$0x3FBA];
	_ =	sdelay $0x3  }
0x34: {  	[smem:$0x3FBA] =	sst s10  }
0x35: {  	s10 =	sld [smem:$0x3FB9];
	_ =	sdelay $0x3  }
0x36: {  	p1 =	seq.s32 s10, $0x1;
	s10 =	sld [smem:$0x3FBA];
	_ =	sdelay $0x3  }
0x37: {  	[smem:$0x3FBA] =	sst s10  }
0x38: {  	s10 =	sld [smem:$0x3FBB]  }
0x39: {  	_ = 	snop;
	(pc) =	sbr.ind lr, $3  }
0x3a: {  	_ = 	snop  }
0x3b: {  	_ = 	snop  }
0x3c: {  	p2 =	seq.s32 s10, $0x1;
	s10 =	sld [smem:$0x3FBA]  }
0x3d: {  	_ =	shalt  }
0x3e: {  	_ =	shalt  }
0x3f: {  	_ =	shalt  }
0x40: {  	_ =	shalt  }
0x41: {  	_ =	shalt  }
0x42: {  	_ =	shalt  }
0x43: {  	_ =	shalt  }
0x44: {  	_ =	shalt  }
0x45: {  	_ =	shalt  }
0x46: {  	_ =	shalt  }
0x47: {  	_ =	shalt  }
0x48: {  	_ =	shalt  }
0x49: {  	_ =	shalt  }
0x4a: {  	_ =	shalt  }
0x4b: {  	_ =	shalt  }
0x4c: {  	_ =	shalt  }
0x4d: {  	_ =	shalt  }
0x4e: {  	_ =	shalt  }
0x4f: {  	_ =	shalt  }
0x50: {  	_ =	shalt  }
0x51: {  	_ =	shalt  }
0x52: {  	_ =	shalt  }
0x53: {  	_ =	shalt  }
0x54: {  	_ =	shalt  }
0x55: {  	_ =	shalt  }
0x56: {  	_ =	shalt  }
0x57: {  	_ =	shalt  }
0x58: {  	_ =	shalt  }
0x59: {  	_ =	shalt  }
0x5a: {  	_ =	shalt  }
0x5b: {  	_ =	shalt  }
0x5c: {  	_ =	shalt  }
0x5d: {  	_ =	shalt  }
0x5e: {  	_ =	shalt  }
0x5f: {  	_ =	shalt  }
0x60: {  	_ =	shalt  }
0x61: {  	_ =	shalt  }
0x62: {  	_ =	shalt  }
0x63: {  	_ =	shalt  }
0x64: {  	_ =	shalt  }
0x65: {  	_ =	shalt  }
0x66: {  	_ =	shalt  }
0x67: {  	_ =	shalt  }
0x68: {  	_ =	shalt  }
0x69: {  	_ =	shalt  }
0x6a: {  	_ =	shalt  }
0x6b: {  	_ =	shalt  }
0x6c: {  	_ =	shalt  }
0x6d: {  	_ =	shalt  }
0x6e: {  	_ =	shalt  }
0x6f: {  	_ =	shalt  }
0x70: {  	_ =	shalt  }
0x71: {  	_ =	shalt  }
0x72: {  	_ =	shalt  }
0x73: {  	_ =	shalt  }
0x74: {  	_ =	shalt  }
0x75: {  	_ =	shalt  }
0x76: {  	_ =	shalt  }
0x77: {  	_ =	shalt  }
0x78: {  	_ =	shalt  }
0x79: {  	_ =	shalt  }
0x7a: {  	_ =	shalt  }
0x7b: {  	_ =	shalt  }
0x7c: {  	_ =	shalt  }
0x7d: {  	_ =	shalt  }
0x7e: {  	_ =	shalt  }
0x7f: {  	_ =	shalt  }
0x80: {  	_ =	shalt  }
0x81: {  	_ =	shalt  }
0x82: {  	_ =	shalt  }
0x83: {  	_ =	shalt  }
0x84: {  	_ =	shalt  }
0x85: {  	_ =	shalt  }
0x86: {  	_ =	shalt  }
0x87: {  	_ =	shalt  }
.Lfunc_end0:
.L_simem_size_0:
called_computation_lowered:
.L_overlay_start_0:
0x88: {  	s2 =	sld [smem:$0x3FD9]  }
0x89: {  	s3 =	sld [smem:$0x3FFE];
	_ =	sdelay $0x1  }
0x8a: {  	s1 =	srdreg.scid  }
0x8b: {  	s0 =	sand.u32 $0x1, s1  }
0x8c: {  	s16 =	sshll.u32 s0, $0xA;
	s2 =	sadd.s32 s3, s2  }
0x8d: {  	s2 =	sadd.s32 s2, s16  }
0x8e: {  	[smem:$0x3FC6] =	sst s2  }
0x8f: {  	_ = 	snop  }
0x90: {  	(tm) =	ssettm $0x1  }
0x91: {  	s17 =	sld [smem:$0x3FFB];
	_ =	sdelay $0x3  }
0x92: {  	_ =	strace s17  }
0x93: {  	s2 =	sld [smem:$0x3FFC];
	_ =	sdelay $0x3  }
0x94: {  	_ =	strace s2  }
0x95: {  	s2 =	sld [smem:$0x3FFD];
	_ =	sdelay $0x3  }
0x96: {  	_ =	strace s2  }
0x97: {  	_ =	strace $0x8FFFFFFF  }
0x98: {  	s18 =	sld [smem:$0x3FDB];
	_ =	sdelay $0x1  }
0x99: {  	s19 =	simm.s32 $_scs_section_size  }
0x9a: {  	s4 =	simm.s32 $_size__tile_overlayer_lowered;
	s5 =	simm.s32 $_tile_overlayer_lowered  }
0x9b: {  	s22 =	simm.s32 $0x1BFF;
	s21 =	sshll.u32 s5, $0x1;
	s2 =	sadd.s32 s19, s18  }
0x9c: {  	s6 =	simm.s32 $0x0;
	s20 =	sshll.u32 s4, $0x1;
	s4 =	sadd.s32 s21, s2  }
0x9d: {  	[timem:s6], [sflag:s22] =	dma.local [hbm:s4], s20  }
0x9e: {  	_ =	swait.ge [sflag:s22], s20  }
0x9f: {  	s3 =	ssub.s32 $0x0, s20;
	[sflag:s22] =	ssyncset.done $0x0  }
0xa0: {  	[sflag:s22] =	ssyncadd.s32 s3;
	_ =	sdelay $0x1  }
0xa1: {  	s23 =	simm.s32 $0x1B8B  }
0xa2: {  	_ =	swait.ge [sflag:s23], $0x1  }
0xa3: {  	[sflag:s23] =	ssyncset.done $0x0  }
0xa4: {  	s25 =	simm.s32 $0x1B8E;
	s24 =	sld [smem:$0x3FFE];
	[sflag:s23] =	ssyncadd.s32 $0xFFFFFFFF  }
0xa5: {  	s26 =	simm.s32 $execute0_lowered;
	[smem:$0x3FD2] =	sst s25  }
0xa6: {  	s4 =	sshll.u32 s26, $0x1;
	_ =	strace $0x80000046;
	[dreg:$0x1] =	wrdreg $0xFFFFFFFF  }
0xa7: {  	s28 =	simm.s32 $_size_execute0_lowered;
	s2 =	sadd.s32 s2, s4;
	[dreg:$0x0] =	wrdreg $0x0  }
0xa8: {  	s4 =	sshll.u32 s28, $0x1;
	[dreg:$0x2] =	wrdreg s2  }
0xa9: {  	[dreg:$0x3] =	wrdreg s4  }
0xaa: {  	[dreg:$0x4] =	wrdreg $0xC0  }
0xab: {  	_ =	task [dreg:s6], $0x5FFFF  }
0xac: {  	[dreg:$0x1] =	wrdreg $0xFFFFFFFF  }
0xad: {  	[dreg:$0x0] =	wrdreg $0x60  }
0xae: {  	[dreg:$0x2] =	wrdreg s24  }
0xaf: {  	[dreg:$0x3] =	wrdreg $0x9  }
0xb0: {  	_ =	task.clear_ibuf [dreg:s6], $0x4FFFF;
	_ =	strace $0x90000046  }
0xb1: {  	s29 =	simm.s32 $0x9;
	_ =	strace $0x80000048  }
0xb2: {  	_ =	swait.ge [sflag:s29], $0x1  }
0xb3: {  	[sflag:s29] =	ssyncadd.s32 $0xFFFFFFFF  }
0xb4: {  	_ =	strace $0x90000048  }
0xb5: {  	_ =	sfence  }
0xb6: {  	s30 =	sld [smem:$0x0];
	_ =	sdelay $0x2  }
0xb7: {  	s31 =	sshll.u32 s1, $0xD;
	s1 =	sshrl.u32 s1, $0x2  }
0xb8: {  	s3 =	sand.u32 $0x4000, s31;
	s1 =	sadd.s32 s1, s30  }
0xb9: {  	s0 =	sor.u32 s3, s0;
	s1 =	sshll.u32 s1, $0x11  }
0xba: {  	s0 =	sor.u32 s1, s0  }
0xbb: {  	s0 =	sadd.s32 $0x8F2B, s0  }
0xbc: {  	[sflag:s0] =	ssyncadd.remote.s32 $0x1  }
0xbd: {  	_ =	sfence.sel $0xFFFF  }
0xbe: {  	[dreg:$0x0] =	wrdreg $0xFFFFFFFF;
	(pc) =	sbr.abs _section_cstart, $3  }
0xbf: {  	[dreg:$0x1] =	wrdreg $0xFFFFFFFF  }
0xc0: {  	_ =	task.clear_ibuf [dreg:s6], $0x2FFFF;
	_ =	strace $0x9FFFFFFF  }
0xc1: {  	(tm) =	ssettm $0x7FFFFFFF  }
tec
execute0_lowered:
.L_overlay_start_1:
0x0: {  	(tag) =	ssettag $0x1  }
0x1: {  	s0 =	rddreg [dreg:$0x0];
	s1 =	simm.s32 $0x0  }
0x2: {  	s5 =	stileid.u32;
	s3 =	srdreg.scid;
	s22 =	simm.s32 $0x2  }
0x3: {  	s23 =	simm.s32 $0x80;
	s24 =	simm.s32 $0x400;
	s25 =	simm.s32 $0x18000  }
0x4: {  	s26 =	simm.s32 $0x3;
	s28 =	simm.s32 $0x0;
	[smem:$0x7FF] =	sst s1  }
0x5: {  	s2 =	sadd.s32 $0x600, s0;
	s18 =	sadd.s32 $0x40600, s0;
	s4 =	sshll.u32 s5, $0xA  }
0x6: {  	s3 =	sand.u32 $0x1, s3;
	s5 =	sshll.u32 s5, $0x1;
	_ =	strace $0x80000047  }
0x7: {  	s4 =	sand.u32 $0x3000, s4;
	s6 =	ssub.s32 $0x2, s3;
	s16 =	sor.u32 s3, s5  }
0x8: {  	s0 =	sadd.s32 s4, s0;
	s29 =	sshrl.u32 s6, $0x1;
	s17 =	sshll.u32 s16, $0xD  }
0x9: {  	s21 =	sshll.u32 s16, $0x4;
	s20 =	ssub.s32 s6, s29;
	s3 =	sadd.s32 s2, s17  }
0xa: {  	s30 =	sor.u32 $0x400, s17;
	s4 =	sadd.s32 s18, s17;
	s8 =	sor.u32 $0x800, s17  }
0xb: {  	s10 =	sor.u32 $0xC00, s17;
	s12 =	sor.u32 $0x1000, s17;
	s14 =	sor.u32 $0x1400, s17  }
0xc: {  	s19 =	sor.u32 $0x1800, s17;
	s31 =	sor.u32 $0x1C00, s17;
	s21 =	sand.u32 $0x70, s21  }
0xd: {  	s5 =	sadd.s32 s2, s30;
	s6 =	sadd.s32 s18, s30;
	s7 =	sadd.s32 s2, s8  }
0xe: {  	s8 =	sadd.s32 s18, s8;
	s9 =	sadd.s32 s2, s10;
	s10 =	sadd.s32 s18, s10  }
0xf: {  	v0 =	vlaneseq.u32;
	s11 =	sadd.s32 s2, s12;
	s12 =	sadd.s32 s18, s12;
	s13 =	sadd.s32 s2, s14  }
0x10: {  	v4 =	vmul.u32 $0x1000, v0;
	s14 =	sadd.s32 s18, s14;
	s15 =	sadd.s32 s2, s19;
	s16 =	sadd.s32 s18, s19  }
0x11: {  	v1 =	vimm.f32 $1.706666720e+02;
	v2 =	vimm.f32 $9.386666870e+02;
	v5 =	vimm.f32 $1.000000000e+00;
	s17 =	sadd.s32 s2, s31;
	s18 =	sadd.s32 s18, s31;
	s0 =	sadd.s32 s21, s0  }
0x12: {  	v0 =	vimm.f32 $0.0e+00;
	v3 =	vor.u32 $0x7FF, v4;
	v4 =	vor.u32 $0xFFF, v4;
	s20 =	smax.u32 s20, $0x1;
	s21 =	simm.s32 $0x1;
	s19 =	sadd.s32 $0x80600, s0  }
.LBB2_1:
0x13: {  	s0 =	simm.s32 $0x10000  }
0x14: {  	s2 =	simm.s32 $0x10;
	s30 =	sadd.s32 $0x0, s3;
	s29 =	simm.s32 $0x10100  }
.LBB2_2:
0x15: {  	[tilespmem:s0], [sflag:$0x1] =	stream.linear.gather [hbm4b:s30+s1], $0x80, $0x38;
	[tilespmem:$0x19000] =	vst v63  }
0x16: {  	s30 =	smov.u32 s2;
	s0 =	smov.u32 s29;
	p0 =	sne.s32 s2, $0x3F0  }
.Ltmp0:
0x17: {  	s2 =	sadd.s32 $0x10, s2;
	(pc) =	sbr.rel @p0 .LBB2_2-.Ltmp0, $2  }
0x18: {  	_ =	sdelay $0x2  }
0x19: {  	s29 =	sadd.s32 $0x100, s29;
	s30 =	sadd.s32 s30, s3  }
0x1a: {  	[tilespmem:s0], [sflag:$0x1] =	stream.linear.gather [hbm4b:s30+s1], $0x80, $0x38;
	[tilespmem:$0x19000] =	vst v63  }
0x1b: {  	s0 =	simm.s32 $0x0;
	s2 =	simm.s32 $0x14000  }
.LBB2_4:
0x1c: {  	p0 =	sne.s32 s0, $0x3F0  }
.Ltmp1:
0x1d: {  	_ = 	snop;
	(pc) =	sbr.rel @p0 .LBB2_4-.Ltmp1, $4  }
0x1e: {  	_ = 	snop  }
0x1f: {  	s29 =	sadd.s32 s0, s4  }
0x20: {  	[tilespmem:s2], [sflag:$0x1] =	stream.linear.gather [hbm4b:s29+s1], $0x80, $0x38;
	[tilespmem:$0x19000] =	vst v63  }
0x21: {  	s0 =	sadd.s32 $0x10, s0;
	s2 =	sadd.s32 $0x100, s2  }
0x22: {  	s0 =	simm.s32 $0x40  }
0x23: {  	[tilespmem:s0+$0xFFFFFFC0] =	vst v0  }
0x24: {  	[tilespmem:s0+$0x30] =	vst v0  }
0x25: {  	[tilespmem:s0+$0x20] =	vst v0  }
0x26: {  	[tilespmem:s0+$0x10] =	vst v0  }
0x27: {  	[tilespmem:s0+$0x0] =	vst v0  }
0x28: {  	[tilespmem:s0+$0xFFFFFFF0] =	vst v0  }
0x29: {  	s2 =	simm.s32 $0x0;
	[tilespmem:s0+$0xFFFFFFE0] =	vst v0  }
.LBB2_6:
0x2a: {  	s2 =	sadd.s32 $0x80, s2;
	[tilespmem:s0+$0xFFFFFFD0] =	vst v0;
	s0 =	sadd.s32 $0x80, s0  }
0x2b: {  	[tilespmem:s0+$0xFFFFFFC0] =	vst v0;
	p0 =	slt.u32 s2, $0xFF80  }
0x2c: {  	[tilespmem:s0+$0x30] =	vst v0  }
.Ltmp2:
0x2d: {  	[tilespmem:s0+$0x20] =	vst v0;
	(pc) =	sbr.rel @p0 .LBB2_6-.Ltmp2, $4  }
0x2e: {  	[tilespmem:s0+$0x10] =	vst v0  }
0x2f: {  	[tilespmem:s0+$0x0] =	vst v0  }
0x30: {  	[tilespmem:s0+$0xFFFFFFF0] =	vst v0  }
0x31: {  	[tilespmem:s0+$0xFFFFFFE0] =	vst v0  }
0x32: {  	s2 =	simm.s32 $0x10080  }
0x33: {  	[tilespmem:s0+$0xFFFFFFD0] =	vst v0;
	s0 =	simm.s32 $0x10;
	s30 =	sadd.s32 $0x0, s5;
	s29 =	simm.s32 $0x10180  }
.LBB2_8:
0x34: {  	[tilespmem:s2], [sflag:$0x2] =	stream.linear.gather [hbm4b:s30+s1], $0x80, $0x38;
	[tilespmem:$0x19000] =	vst v63  }
0x35: {  	s30 =	smov.u32 s0;
	s2 =	smov.u32 s29;
	p0 =	sne.s32 s0, $0x3F0  }
.Ltmp3:
0x36: {  	s0 =	sadd.s32 $0x10, s0;
	(pc) =	sbr.rel @p0 .LBB2_8-.Ltmp3, $2  }
0x37: {  	_ =	sdelay $0x2  }
0x38: {  	s29 =	sadd.s32 $0x100, s29;
	s30 =	sadd.s32 s30, s5  }
0x39: {  	[tilespmem:s2], [sflag:$0x2] =	stream.linear.gather [hbm4b:s30+s1], $0x80, $0x38;
	[tilespmem:$0x19000] =	vst v63  }
0x3a: {  	s0 =	simm.s32 $0x14080  }
0x3b: {  	s2 =	simm.s32 $0x10;
	s30 =	sadd.s32 $0x0, s6;
	s29 =	simm.s32 $0x14180  }
.LBB2_10:
0x3c: {  	[tilespmem:s0], [sflag:$0x2] =	stream.linear.gather [hbm4b:s30+s1], $0x80, $0x38;
	[tilespmem:$0x19000] =	vst v63  }
0x3d: {  	s30 =	smov.u32 s2;
	s0 =	smov.u32 s29;
	p0 =	sne.s32 s2, $0x3F0  }
.Ltmp4:
0x3e: {  	s2 =	sadd.s32 $0x10, s2;
	(pc) =	sbr.rel @p0 .LBB2_10-.Ltmp4, $2  }
0x3f: {  	_ =	sdelay $0x2  }
0x40: {  	s29 =	sadd.s32 $0x100, s29;
	s30 =	sadd.s32 s30, s6  }
0x41: {  	[tilespmem:s0], [sflag:$0x2] =	stream.linear.gather [hbm4b:s30+s1], $0x80, $0x38;
	[tilespmem:$0x19000] =	vst v63  }
0x42: {  	_ =	swait.ge [sflag:s21], $0x2000  }
0x43: {  	[sflag:s21] =	ssyncset.done $0x0  }
0x44: {  	[sflag:s21] =	ssyncadd.s32 $0xFFFFE000  }
0x45: {  	_ =	swait.ge [sflag:s21], $0x2000  }
0x46: {  	[sflag:s21] =	ssyncset.done $0x0  }
0x47: {  	s31 =	simm.s32 $0x14040;
	[sflag:s21] =	ssyncadd.s32 $0xFFFFE000  }
0x48: {  	v6 =	vld [tilespmem:s31+$0x30]  }
0x49: {  	v7 =	vld [tilespmem:s31+$0xFFFFFFC0]  }
0x4a: {  	v9 =	vld [tilespmem:s31+$0xFFFFFFD0]  }
0x4b: {  	v10 =	vld [tilespmem:s31+$0xFFFFFFE0]  }
0x4c: {  	v11 =	vld [tilespmem:s31+$0xFFFFFFF0]  }
0x4d: {  	v14 =	vld [tilespmem:s31+$0x10]  }
0x4e: {  	s29 =	simm.s32 $0x10040  }
0x4f: {  	v8 =	vld [tilespmem:s29+$0x30]  }
0x50: {  	v16 =	vld [tilespmem:s29+$0xFFFFFFD0]  }
0x51: {  	v22 =	vld [tilespmem:s29+$0xFFFFFFC0];
	vm6 =	vgt.s32 v6, $0x0;
	vm0 =	vgt.s32 v7, $0x0;
	vm3 =	vgt.s32 v9, $0x0  }
0x52: {  	v7 =	vld [tilespmem:s31+$0x0];
	vm5 =	vgt.s32 v10, $0x0;
	vm4 =	vgt.s32 v11, $0x0;
	vm1 =	vgt.s32 v14, $0x0  }
0x53: {  	v9 =	vld [tilespmem:s31+$0x20];
	v6 =	vsel vm6, $0xC32AAAAB, v1;
	v12 =	vsel vm0, $0xC32AAAAB, v1;
	v13 =	vsel vm0, $0x448AAAAB, v2  }
0x54: {  	v11 =	vld [tilespmem:s29+$0xFFFFFFF0];
	v15 =	vsel vm6, $0x448AAAAB, v2;
	v17 =	vsel vm3, $0xC32AAAAB, v1;
	v10 =	vsel vm3, $0x448AAAAB, v2  }
0x55: {  	v18 =	vsel vm5, $0xC32AAAAB, v1;
	v19 =	vsel vm4, $0xC32AAAAB, v1;
	v8 =	vmul.f32 v6, v8  }
0x56: {  	v21 =	vsel vm1, $0xC32AAAAB, v1;
	v23 =	vsel vm5, $0x448AAAAB, v2;
	v12 =	vmul.f32 v12, v22  }
0x57: {  	v14 =	vld [tilespmem:s29+$0x10];
	v24 =	vsel vm4, $0x448AAAAB, v2;
	v6 =	vsel vm0, v4, v3;
	v8 =	vadd.f32 v8, v15  }
0x58: {  	v15 =	vld [tilespmem:s29+$0xFFFFFFE0];
	v12 =	vadd.f32 v12, v13;
	vm0 =	vgt.s32 v7, $0x0;
	vm2 =	vgt.s32 v9, $0x0  }
0x59: {  	v9 =	vmul.f32 v17, v16;
	v16 =	vld [tilespmem:s29+$0x20];
	v11 =	vmul.f32 v19, v11;
	v19 =	vsel vm1, $0x448AAAAB, v2  }
0x5a: {  	v7 =	vmax.f32 v8, $0.0e+00;
	v8 =	vld [tilespmem:s29+$0x0];
	v20 =	vsel vm0, $0xC32AAAAB, v1;
	v17 =	vsel vm2, $0xC32AAAAB, v1  }
0x5b: {  	v12 =	vmax.f32 v12, $0.0e+00;
	v7 =	vmin.f32 v7, $2.047500000e+03;
	v9 =	vadd.f32 v9, v10  }
0x5c: {  	v10 =	vmul.f32 v21, v14;
	v14 =	vsel vm2, $0x448AAAAB, v2;
	v7 =	vtrunc.f32 v7  }
0x5d: {  	v11 =	vadd.f32 v11, v24;
	v7 =	vcvt.f32.s32 v7;
	v15 =	vmul.f32 v18, v15  }
0x5e: {  	v18 =	vsel vm6, v4, v3;
	v9 =	vmax.f32 v9, $0.0e+00;
	v16 =	vmul.f32 v17, v16  }
0x5f: {  	v11 =	vmax.f32 v11, $0.0e+00;
	v8 =	vmul.f32 v20, v8;
	v15 =	vadd.f32 v15, v23  }
0x60: {  	v18 =	vsub.s32 v18, v7;
	v7 =	vsel vm0, $0x448AAAAB, v2;
	v14 =	vadd.f32 v16, v14  }
0x61: {  	v7 =	vadd.f32 v8, v7;
	v8 =	vadd.f32 v10, v19;
	v10 =	vmax.f32 v15, $0.0e+00  }
0x62: {  	v9 =	vmin.f32 v9, $2.047500000e+03;
	v13 =	vmax.f32 v14, $0.0e+00;
	v10 =	vmin.f32 v10, $2.047500000e+03  }
0x63: {  	v14 =	vmin.f32 v11, $2.047500000e+03;
	v11 =	vmin.f32 v12, $2.047500000e+03;
	v7 =	vmax.f32 v7, $0.0e+00  }
0x64: {  	v8 =	vmax.f32 v8, $0.0e+00;
	v19 =	vtrunc.f32 v11;
	v11 =	vtrunc.f32 v9  }
0x65: {  	v13 =	vmin.f32 v13, $2.047500000e+03;
	v16 =	vtrunc.f32 v10;
	v12 =	vtrunc.f32 v14  }
0x66: {  	v9 =	vsel vm4, v4, v3;
	v15 =	vmin.f32 v7, $2.047500000e+03;
	v17 =	vmin.f32 v8, $2.047500000e+03  }
0x67: {  	v7 =	vsel vm3, v4, v3;
	v13 =	vtrunc.f32 v13;
	v14 =	vtrunc.f32 v15  }
0x68: {  	s0 =	simm.s32 $0x0;
	s2 =	simm.s32 $0x14140;
	v8 =	vsel vm5, v4, v3;
	[tilespmem:v18+s1+$0x0] =	vst.idx.add.f32.msk $0xffff, v5;
	v10 =	vtrunc.f32 v17;
	v15 =	vcvt.f32.s32 v19  }
.LBB2_12:
0x69: {  	v17 =	vld [tilespmem:s2+$0x30];
	s0 =	sadd.s32 $0x80, s0;
	v11 =	vcvt.f32.s32 v11;
	v16 =	vcvt.f32.s32 v16;
	v18 =	vsel vm0, v4, v3  }
0x6a: {  	v12 =	vcvt.f32.s32 v12;
	v14 =	vcvt.f32.s32 v14;
	v20 =	vsel vm1, v4, v3;
	s29 =	sadd.s32 $0x100, s29;
	v19 =	vld [tilespmem:s2+$0xFFFFFFC0];
	p0 =	slt.u32 s0, $0x1F80  }
0x6b: {  	v10 =	vcvt.f32.s32 v10;
	v13 =	vcvt.f32.s32 v13;
	v22 =	vsel vm2, v4, v3;
	v21 =	vld [tilespmem:s29+$0x30]  }
0x6c: {  	v15 =	vsub.s32 v6, v15;
	v7 =	vsub.s32 v7, v11;
	v8 =	vsub.s32 v8, v16;
	v23 =	vld [tilespmem:s2+$0xFFFFFFD0]  }
0x6d: {  	v9 =	vsub.s32 v9, v12;
	v12 =	vsub.s32 v18, v14;
	v10 =	vsub.s32 v20, v10;
	v11 =	vld [tilespmem:s2+$0xFFFFFFE0]  }
0x6e: {  	v13 =	vsub.s32 v22, v13;
	v14 =	vld [tilespmem:s2+$0xFFFFFFF0];
	vm6 =	vgt.s32 v17, $0x0  }
0x6f: {  	vm0 =	vgt.s32 v19, $0x0;
	v16 =	vld [tilespmem:s2+$0x0];
	v6 =	vsel vm6, $0xC32AAAAB, v1  }
0x70: {  	v17 =	vsel vm0, $0xC32AAAAB, v1;
	v18 =	vsel vm0, $0x448AAAAB, v2;
	v19 =	vld [tilespmem:s2+$0x10];
	v20 =	vmul.f32 v6, v21  }
0x71: {  	v22 =	vsel vm6, $0x448AAAAB, v2;
	v6 =	vsel vm0, v4, v3;
	vm3 =	vgt.s32 v23, $0x0;
	v21 =	vld [tilespmem:s2+$0x20]  }
0x72: {  	v23 =	vld [tilespmem:s29+$0xFFFFFFD0];
	v24 =	vsel vm3, $0xC32AAAAB, v1;
	vm4 =	vgt.s32 v11, $0x0;
	v11 =	vadd.f32 v20, v22  }
0x73: {  	v20 =	vsel vm3, $0x448AAAAB, v2;
	v22 =	vld [tilespmem:s29+$0xFFFFFFE0];
	v25 =	vsel vm4, $0xC32AAAAB, v1;
	vm5 =	vgt.s32 v14, $0x0  }
0x74: {  	v14 =	vld [tilespmem:s29+$0xFFFFFFF0];
	v26 =	vsel vm5, $0xC32AAAAB, v1;
	vm0 =	vgt.s32 v16, $0x0;
	v11 =	vmax.f32 v11, $0.0e+00  }
0x75: {  	v16 =	vld [tilespmem:s29+$0x0];
	v27 =	vsel vm0, $0xC32AAAAB, v1;
	vm1 =	vgt.s32 v19, $0x0;
	v11 =	vmin.f32 v11, $2.047500000e+03  }
0x76: {  	v19 =	vld [tilespmem:s29+$0x10];
	v28 =	vsel vm1, $0xC32AAAAB, v1;
	vm2 =	vgt.s32 v21, $0x0;
	v11 =	vtrunc.f32 v11  }
0x77: {  	v21 =	vmul.f32 v24, v23;
	v23 =	vld [tilespmem:s29+$0x20];
	v24 =	vsel vm2, $0xC32AAAAB, v1;
	v11 =	vcvt.f32.s32 v11  }
0x78: {  	v30 =	vsel vm4, $0x448AAAAB, v2;
	v29 =	vld [tilespmem:s29+$0xFFFFFFC0];
	v22 =	vmul.f32 v25, v22;
	v25 =	vsel vm6, v4, v3  }
0x79: {  	v31 =	vsel vm5, $0x448AAAAB, v2;
	v14 =	vmul.f32 v26, v14;
	v11 =	vsub.s32 v25, v11;
	[tilespmem:v15+s1+$0x0] =	vst.idx.add.f32.msk $0xffff, v5  }
0x7a: {  	v15 =	vsel vm0, $0x448AAAAB, v2;
	v25 =	vsel vm1, $0x448AAAAB, v2;
	v16 =	vmul.f32 v27, v16;
	[tilespmem:v7+s1+$0x0] =	vst.idx.add.f32.msk $0xffff, v5  }
0x7b: {  	v7 =	vadd.f32 v21, v20;
	v20 =	vsel vm2, $0x448AAAAB, v2;
	v19 =	vmul.f32 v28, v19;
	[tilespmem:v8+s1+$0x0] =	vst.idx.add.f32.msk $0xffff, v5  }
0x7c: {  	v8 =	vadd.f32 v22, v30;
	v14 =	vadd.f32 v14, v31;
	v21 =	vmul.f32 v24, v23  }
0x7d: {  	v15 =	vadd.f32 v16, v15;
	v17 =	vmul.f32 v17, v29;
	v16 =	vadd.f32 v19, v25  }
0x7e: {  	v7 =	vmax.f32 v7, $0.0e+00;
	v8 =	vmax.f32 v8, $0.0e+00;
	v19 =	vadd.f32 v21, v20;
	[tilespmem:v11+s1+$0x0] =	vst.idx.add.f32.msk $0xffff, v5  }
0x7f: {  	v14 =	vmax.f32 v14, $0.0e+00;
	v15 =	vmax.f32 v15, $0.0e+00;
	v11 =	vadd.f32 v17, v18;
	[tilespmem:v9+s1+$0x0] =	vst.idx.add.f32.msk $0xffff, v5  }
0x80: {  	v7 =	vmin.f32 v7, $2.047500000e+03;
	v9 =	vmax.f32 v16, $0.0e+00;
	v16 =	vmax.f32 v19, $0.0e+00;
	[tilespmem:v12+s1+$0x0] =	vst.idx.add.f32.msk $0xffff, v5  }
0x81: {  	v8 =	vmin.f32 v8, $2.047500000e+03;
	v12 =	vmin.f32 v14, $2.047500000e+03;
	v11 =	vmax.f32 v11, $0.0e+00;
	[tilespmem:v10+s1+$0x0] =	vst.idx.add.f32.msk $0xffff, v5  }
.Ltmp5:
0x82: {  	v14 =	vmin.f32 v15, $2.047500000e+03;
	v9 =	vmin.f32 v9, $2.047500000e+03;
	v10 =	vmin.f32 v11, $2.047500000e+03;
	[tilespmem:v13+s1+$0x0] =	vst.idx.add.f32.msk $0xffff, v5;
	(pc) =	sbr.rel @p0 .LBB2_12-.Ltmp5, $4  }
0x83: {  	v17 =	vmin.f32 v16, $2.047500000e+03;
	v11 =	vtrunc.f32 v7;
	v13 =	vtrunc.f32 v10  }
0x84: {  	v16 =	vtrunc.f32 v8;
	v12 =	vtrunc.f32 v12;
	v7 =	vsel vm3, v4, v3  }
0x85: {  	v8 =	vsel vm4, v4, v3;
	v14 =	vtrunc.f32 v14;
	v10 =	vtrunc.f32 v9  }
0x86: {  	s2 =	sadd.s32 $0x100, s2;
	v9 =	vsel vm5, v4, v3;
	v15 =	vcvt.f32.s32 v13;
	v13 =	vtrunc.f32 v17  }
0x87: {  	v11 =	vcvt.f32.s32 v11  }
0x88: {  	v16 =	vcvt.f32.s32 v16;
	v6 =	vsub.s32 v6, v15  }
0x89: {  	v12 =	vcvt.f32.s32 v12;
	v7 =	vsub.s32 v7, v11  }
0x8a: {  	v60 =	vcvt.f32.s32 v14;
	v8 =	vsub.s32 v8, v16  }
0x8b: {  	v61 =	vsel vm0, v4, v3;
	v10 =	vcvt.f32.s32 v10;
	v9 =	vsub.s32 v9, v12  }
0x8c: {  	v62 =	vsel vm1, v4, v3;
	v13 =	vcvt.f32.s32 v13;
	v11 =	vsub.s32 v61, v60  }
0x8d: {  	v63 =	vsel vm2, v4, v3;
	v10 =	vsub.s32 v62, v10;
	[tilespmem:v6+s1+$0x0] =	vst.idx.add.f32.msk $0xffff, v5  }
0x8e: {  	v6 =	vsub.s32 v63, v13;
	[tilespmem:v7+s1+$0x0] =	vst.idx.add.f32.msk $0xffff, v5  }
0x8f: {  	[tilespmem:v8+s1+$0x0] =	vst.idx.add.f32.msk $0xffff, v5  }
0x90: {  	[tilespmem:v9+s1+$0x0] =	vst.idx.add.f32.msk $0xffff, v5  }
0x91: {  	[tilespmem:v11+s1+$0x0] =	vst.idx.add.f32.msk $0xffff, v5  }
0x92: {  	s0 =	simm.s32 $0x10000;
	[tilespmem:v10+s1+$0x0] =	vst.idx.add.f32.msk $0xffff, v5  }
0x93: {  	s2 =	simm.s32 $0x10;
	s30 =	sadd.s32 $0x0, s7;
	s29 =	simm.s32 $0x10100;
	[tilespmem:v6+s1+$0x0] =	vst.idx.add.f32.msk $0xffff, v5  }
.LBB2_14:
0x94: {  	[tilespmem:s0], [sflag:$0x1] =	stream.linear.gather [hbm4b:s30+s1], $0x80, $0x38;
	[tilespmem:$0x19000] =	vst v63  }
0x95: {  	s30 =	smov.u32 s2;
	s0 =	smov.u32 s29;
	p0 =	sne.s32 s2, $0x3F0  }
.Ltmp6:
0x96: {  	s2 =	sadd.s32 $0x10, s2;
	(pc) =	sbr.rel @p0 .LBB2_14-.Ltmp6, $2  }
0x97: {  	_ =	sdelay $0x2  }
0x98: {  	s29 =	sadd.s32 $0x100, s29;
	s30 =	sadd.s32 s30, s7  }
0x99: {  	[tilespmem:s0], [sflag:$0x1] =	stream.linear.gather [hbm4b:s30+s1], $0x80, $0x38;
	[tilespmem:$0x19000] =	vst v63  }
0x9a: {  	s0 =	simm.s32 $0x14000  }
0x9b: {  	s2 =	simm.s32 $0x10;
	s30 =	sadd.s32 $0x0, s8;
	s29 =	simm.s32 $0x14100  }
.LBB2_16:
0x9c: {  	[tilespmem:s0], [sflag:$0x1] =	stream.linear.gather [hbm4b:s30+s1], $0x80, $0x38;
	[tilespmem:$0x19000] =	vst v63  }
0x9d: {  	s30 =	smov.u32 s2;
	s0 =	smov.u32 s29;
	p0 =	sne.s32 s2, $0x3F0  }
.Ltmp7:
0x9e: {  	s2 =	sadd.s32 $0x10, s2;
	(pc) =	sbr.rel @p0 .LBB2_16-.Ltmp7, $2  }
0x9f: {  	_ =	sdelay $0x2  }
0xa0: {  	s29 =	sadd.s32 $0x100, s29;
	s30 =	sadd.s32 s30, s8  }
0xa1: {  	[tilespmem:s0], [sflag:$0x1] =	stream.linear.gather [hbm4b:s30+s1], $0x80, $0x38;
	[tilespmem:$0x19000] =	vst v63  }
0xa2: {  	_ =	swait.ge [sflag:s22], $0x2000  }
0xa3: {  	[sflag:s22] =	ssyncset.done $0x0  }
0xa4: {  	[sflag:s22] =	ssyncadd.s32 $0xFFFFE000  }
0xa5: {  	_ =	swait.ge [sflag:s22], $0x2000  }
0xa6: {  	[sflag:s22] =	ssyncset.done $0x0  }
0xa7: {  	s31 =	simm.s32 $0x140F0;
	[sflag:s22] =	ssyncadd.s32 $0xFFFFE000  }
0xa8: {  	v6 =	vld [tilespmem:s31+$0x0]  }
0xa9: {  	v7 =	vld [tilespmem:s31+$0xFFFFFF90]  }
0xaa: {  	v9 =	vld [tilespmem:s31+$0xFFFFFFA0]  }
0xab: {  	v10 =	vld [tilespmem:s31+$0xFFFFFFB0]  }
0xac: {  	v11 =	vld [tilespmem:s31+$0xFFFFFFC0]  }
0xad: {  	v14 =	vld [tilespmem:s31+$0xFFFFFFE0]  }
0xae: {  	s29 =	simm.s32 $0x100F0  }
0xaf: {  	v8 =	vld [tilespmem:s29+$0x0]  }
0xb0: {  	v16 =	vld [tilespmem:s29+$0xFFFFFFA0]  }
0xb1: {  	v22 =	vld [tilespmem:s29+$0xFFFFFF90];
	vm6 =	vgt.s32 v6, $0x0;
	vm0 =	vgt.s32 v7, $0x0;
	vm3 =	vgt.s32 v9, $0x0  }
0xb2: {  	v7 =	vld [tilespmem:s31+$0xFFFFFFD0];
	vm5 =	vgt.s32 v10, $0x0;
	vm4 =	vgt.s32 v11, $0x0;
	vm1 =	vgt.s32 v14, $0x0  }
0xb3: {  	v9 =	vld [tilespmem:s31+$0xFFFFFFF0];
	v6 =	vsel vm6, $0xC32AAAAB, v1;
	v12 =	vsel vm0, $0xC32AAAAB, v1;
	v13 =	vsel vm0, $0x448AAAAB, v2  }
0xb4: {  	v11 =	vld [tilespmem:s29+$0xFFFFFFC0];
	v15 =	vsel vm6, $0x448AAAAB, v2;
	v17 =	vsel vm3, $0xC32AAAAB, v1;
	v10 =	vsel vm3, $0x448AAAAB, v2  }
0xb5: {  	v18 =	vsel vm5, $0xC32AAAAB, v1;
	v19 =	vsel vm4, $0xC32AAAAB, v1;
	v8 =	vmul.f32 v6, v8  }
0xb6: {  	v21 =	vsel vm1, $0xC32AAAAB, v1;
	v23 =	vsel vm5, $0x448AAAAB, v2;
	v12 =	vmul.f32 v12, v22  }
0xb7: {  	v14 =	vld [tilespmem:s29+$0xFFFFFFE0];
	v24 =	vsel vm4, $0x448AAAAB, v2;
	v6 =	vsel vm0, v4, v3;
	v8 =	vadd.f32 v8, v15  }
0xb8: {  	v15 =	vld [tilespmem:s29+$0xFFFFFFB0];
	v12 =	vadd.f32 v12, v13;
	vm0 =	vgt.s32 v7, $0x0;
	vm2 =	vgt.s32 v9, $0x0  }
0xb9: {  	v9 =	vmul.f32 v17, v16;
	v16 =	vld [tilespmem:s29+$0xFFFFFFF0];
	v11 =	vmul.f32 v19, v11;
	v19 =	vsel vm1, $0x448AAAAB, v2  }
0xba: {  	v7 =	vmax.f32 v8, $0.0e+00;
	v8 =	vld [tilespmem:s29+$0xFFFFFFD0];
	v20 =	vsel vm0, $0xC32AAAAB, v1;
	v17 =	vsel vm2, $0xC32AAAAB, v1  }
0xbb: {  	v12 =	vmax.f32 v12, $0.0e+00;
	v7 =	vmin.f32 v7, $2.047500000e+03;
	v9 =	vadd.f32 v9, v10  }
0xbc: {  	v10 =	vmul.f32 v21, v14;
	v14 =	vsel vm2, $0x448AAAAB, v2;
	v7 =	vtrunc.f32 v7  }
0xbd: {  	v11 =	vadd.f32 v11, v24;
	v7 =	vcvt.f32.s32 v7;
	v15 =	vmul.f32 v18, v15  }
0xbe: {  	v18 =	vsel vm6, v4, v3;
	v9 =	vmax.f32 v9, $0.0e+00;
	v16 =	vmul.f32 v17, v16  }
0xbf: {  	v11 =	vmax.f32 v11, $0.0e+00;
	v8 =	vmul.f32 v20, v8;
	v15 =	vadd.f32 v15, v23  }
0xc0: {  	v18 =	vsub.s32 v18, v7;
	v7 =	vsel vm0, $0x448AAAAB, v2;
	v14 =	vadd.f32 v16, v14  }
0xc1: {  	v7 =	vadd.f32 v8, v7;
	v8 =	vadd.f32 v10, v19;
	v10 =	vmax.f32 v15, $0.0e+00  }
0xc2: {  	v9 =	vmin.f32 v9, $2.047500000e+03;
	v13 =	vmax.f32 v14, $0.0e+00;
	v10 =	vmin.f32 v10, $2.047500000e+03  }
0xc3: {  	v14 =	vmin.f32 v11, $2.047500000e+03;
	v11 =	vmin.f32 v12, $2.047500000e+03;
	v7 =	vmax.f32 v7, $0.0e+00  }
0xc4: {  	v8 =	vmax.f32 v8, $0.0e+00;
	v19 =	vtrunc.f32 v11;
	v11 =	vtrunc.f32 v9  }
0xc5: {  	v13 =	vmin.f32 v13, $2.047500000e+03;
	v16 =	vtrunc.f32 v10;
	v12 =	vtrunc.f32 v14  }
0xc6: {  	v9 =	vsel vm4, v4, v3;
	v15 =	vmin.f32 v7, $2.047500000e+03;
	v17 =	vmin.f32 v8, $2.047500000e+03  }
0xc7: {  	v7 =	vsel vm3, v4, v3;
	v13 =	vtrunc.f32 v13;
	v14 =	vtrunc.f32 v15  }
0xc8: {  	s0 =	simm.s32 $0x0;
	s2 =	simm.s32 $0x141F0;
	v8 =	vsel vm5, v4, v3;
	[tilespmem:v18+s1+$0x0] =	vst.idx.add.f32.msk $0xffff, v5;
	v10 =	vtrunc.f32 v17;
	v15 =	vcvt.f32.s32 v19  }
.LBB2_18:
0xc9: {  	v17 =	vld [tilespmem:s2+$0x0];
	s0 =	sadd.s32 $0x80, s0;
	v11 =	vcvt.f32.s32 v11;
	v16 =	vcvt.f32.s32 v16;
	v18 =	vsel vm0, v4, v3  }
0xca: {  	v12 =	vcvt.f32.s32 v12;
	v14 =	vcvt.f32.s32 v14;
	v20 =	vsel vm1, v4, v3;
	s29 =	sadd.s32 $0x100, s29;
	v19 =	vld [tilespmem:s2+$0xFFFFFF90];
	p0 =	slt.u32 s0, $0x1F80  }
0xcb: {  	v10 =	vcvt.f32.s32 v10;
	v13 =	vcvt.f32.s32 v13;
	v22 =	vsel vm2, v4, v3;
	v21 =	vld [tilespmem:s29+$0x0]  }
0xcc: {  	v15 =	vsub.s32 v6, v15;
	v7 =	vsub.s32 v7, v11;
	v8 =	vsub.s32 v8, v16;
	v23 =	vld [tilespmem:s2+$0xFFFFFFA0]  }
0xcd: {  	v9 =	vsub.s32 v9, v12;
	v12 =	vsub.s32 v18, v14;
	v10 =	vsub.s32 v20, v10;
	v11 =	vld [tilespmem:s2+$0xFFFFFFB0]  }
0xce: {  	v13 =	vsub.s32 v22, v13;
	v14 =	vld [tilespmem:s2+$0xFFFFFFC0];
	vm6 =	vgt.s32 v17, $0x0  }
0xcf: {  	vm0 =	vgt.s32 v19, $0x0;
	v16 =	vld [tilespmem:s2+$0xFFFFFFD0];
	v6 =	vsel vm6, $0xC32AAAAB, v1  }
0xd0: {  	v17 =	vsel vm0, $0xC32AAAAB, v1;
	v18 =	vsel vm0, $0x448AAAAB, v2;
	v19 =	vld [tilespmem:s2+$0xFFFFFFE0];
	v20 =	vmul.f32 v6, v21  }
0xd1: {  	v22 =	vsel vm6, $0x448AAAAB, v2;
	v6 =	vsel vm0, v4, v3;
	vm3 =	vgt.s32 v23, $0x0;
	v21 =	vld [tilespmem:s2+$0xFFFFFFF0]  }
0xd2: {  	v23 =	vld [tilespmem:s29+$0xFFFFFFA0];
	v24 =	vsel vm3, $0xC32AAAAB, v1;
	vm4 =	vgt.s32 v11, $0x0;
	v11 =	vadd.f32 v20, v22  }
0xd3: {  	v20 =	vsel vm3, $0x448AAAAB, v2;
	v22 =	vld [tilespmem:s29+$0xFFFFFFB0];
	v25 =	vsel vm4, $0xC32AAAAB, v1;
	vm5 =	vgt.s32 v14, $0x0  }
0xd4: {  	v14 =	vld [tilespmem:s29+$0xFFFFFFC0];
	v26 =	vsel vm5, $0xC32AAAAB, v1;
	vm0 =	vgt.s32 v16, $0x0;
	v11 =	vmax.f32 v11, $0.0e+00  }
0xd5: {  	v16 =	vld [tilespmem:s29+$0xFFFFFFD0];
	v27 =	vsel vm0, $0xC32AAAAB, v1;
	vm1 =	vgt.s32 v19, $0x0;
	v11 =	vmin.f32 v11, $2.047500000e+03  }
0xd6: {  	v19 =	vld [tilespmem:s29+$0xFFFFFFE0];
	v28 =	vsel vm1, $0xC32AAAAB, v1;
	vm2 =	vgt.s32 v21, $0x0;
	v11 =	vtrunc.f32 v11  }
0xd7: {  	v21 =	vmul.f32 v24, v23;
	v23 =	vld [tilespmem:s29+$0xFFFFFFF0];
	v24 =	vsel vm2, $0xC32AAAAB, v1;
	v11 =	vcvt.f32.s32 v11  }
0xd8: {  	v30 =	vsel vm4, $0x448AAAAB, v2;
	v29 =	vld [tilespmem:s29+$0xFFFFFF90];
	v22 =	vmul.f32 v25, v22;
	v25 =	vsel vm6, v4, v3  }
0xd9: {  	v31 =	vsel vm5, $0x448AAAAB, v2;
	v14 =	vmul.f32 v26, v14;
	v11 =	vsub.s32 v25, v11;
	[tilespmem:v15+s1+$0x0] =	vst.idx.add.f32.msk $0xffff, v5  }
0xda: {  	v15 =	vsel vm0, $0x448AAAAB, v2;
	v25 =	vsel vm1, $0x448AAAAB, v2;
	v16 =	vmul.f32 v27, v16;
	[tilespmem:v7+s1+$0x0] =	vst.idx.add.f32.msk $0xffff, v5  }
0xdb: {  	v7 =	vadd.f32 v21, v20;
	v20 =	vsel vm2, $0x448AAAAB, v2;
	v19 =	vmul.f32 v28, v19;
	[tilespmem:v8+s1+$0x0] =	vst.idx.add.f32.msk $0xffff, v5  }
0xdc: {  	v8 =	vadd.f32 v22, v30;
	v14 =	vadd.f32 v14, v31;
	v21 =	vmul.f32 v24, v23  }
0xdd: {  	v15 =	vadd.f32 v16, v15;
	v17 =	vmul.f32 v17, v29;
	v16 =	vadd.f32 v19, v25  }
0xde: {  	v7 =	vmax.f32 v7, $0.0e+00;
	v8 =	vmax.f32 v8, $0.0e+00;
	v19 =	vadd.f32 v21, v20;
	[tilespmem:v11+s1+$0x0] =	vst.idx.add.f32.msk $0xffff, v5  }
0xdf: {  	v14 =	vmax.f32 v14, $0.0e+00;
	v15 =	vmax.f32 v15, $0.0e+00;
	v11 =	vadd.f32 v17, v18;
	[tilespmem:v9+s1+$0x0] =	vst.idx.add.f32.msk $0xffff, v5  }
0xe0: {  	v7 =	vmin.f32 v7, $2.047500000e+03;
	v9 =	vmax.f32 v16, $0.0e+00;
	v16 =	vmax.f32 v19, $0.0e+00;
	[tilespmem:v12+s1+$0x0] =	vst.idx.add.f32.msk $0xffff, v5  }
0xe1: {  	v8 =	vmin.f32 v8, $2.047500000e+03;
	v12 =	vmin.f32 v14, $2.047500000e+03;
	v11 =	vmax.f32 v11, $0.0e+00;
	[tilespmem:v10+s1+$0x0] =	vst.idx.add.f32.msk $0xffff, v5  }
.Ltmp8:
0xe2: {  	v14 =	vmin.f32 v15, $2.047500000e+03;
	v9 =	vmin.f32 v9, $2.047500000e+03;
	v10 =	vmin.f32 v11, $2.047500000e+03;
	[tilespmem:v13+s1+$0x0] =	vst.idx.add.f32.msk $0xffff, v5;
	(pc) =	sbr.rel @p0 .LBB2_18-.Ltmp8, $4  }
0xe3: {  	v17 =	vmin.f32 v16, $2.047500000e+03;
	v11 =	vtrunc.f32 v7;
	v13 =	vtrunc.f32 v10  }
0xe4: {  	v16 =	vtrunc.f32 v8;
	v12 =	vtrunc.f32 v12;
	v7 =	vsel vm3, v4, v3  }
0xe5: {  	v8 =	vsel vm4, v4, v3;
	v14 =	vtrunc.f32 v14;
	v10 =	vtrunc.f32 v9  }
0xe6: {  	s2 =	sadd.s32 $0x100, s2;
	v9 =	vsel vm5, v4, v3;
	v15 =	vcvt.f32.s32 v13;
	v13 =	vtrunc.f32 v17  }
0xe7: {  	v11 =	vcvt.f32.s32 v11  }
0xe8: {  	v16 =	vcvt.f32.s32 v16;
	v6 =	vsub.s32 v6, v15  }
0xe9: {  	v12 =	vcvt.f32.s32 v12;
	v7 =	vsub.s32 v7, v11  }
0xea: {  	v60 =	vcvt.f32.s32 v14;
	v8 =	vsub.s32 v8, v16  }
0xeb: {  	v61 =	vsel vm0, v4, v3;
	v10 =	vcvt.f32.s32 v10;
	v9 =	vsub.s32 v9, v12  }
0xec: {  	v62 =	vsel vm1, v4, v3;
	v13 =	vcvt.f32.s32 v13;
	v11 =	vsub.s32 v61, v60  }
0xed: {  	v63 =	vsel vm2, v4, v3;
	v10 =	vsub.s32 v62, v10;
	[tilespmem:v6+s1+$0x0] =	vst.idx.add.f32.msk $0xffff, v5  }
0xee: {  	v6 =	vsub.s32 v63, v13;
	[tilespmem:v7+s1+$0x0] =	vst.idx.add.f32.msk $0xffff, v5  }
0xef: {  	[tilespmem:v8+s1+$0x0] =	vst.idx.add.f32.msk $0xffff, v5  }
0xf0: {  	[tilespmem:v9+s1+$0x0] =	vst.idx.add.f32.msk $0xffff, v5  }
0xf1: {  	[tilespmem:v11+s1+$0x0] =	vst.idx.add.f32.msk $0xffff, v5  }
0xf2: {  	s0 =	simm.s32 $0x10080;
	[tilespmem:v10+s1+$0x0] =	vst.idx.add.f32.msk $0xffff, v5  }
0xf3: {  	s2 =	simm.s32 $0x10;
	s30 =	sadd.s32 $0x0, s9;
	s29 =	simm.s32 $0x10180;
	[tilespmem:v6+s1+$0x0] =	vst.idx.add.f32.msk $0xffff, v5  }
.LBB2_20:
0xf4: {  	[tilespmem:s0], [sflag:$0x2] =	stream.linear.gather [hbm4b:s30+s1], $0x80, $0x38;
	[tilespmem:$0x19000] =	vst v63  }
0xf5: {  	s30 =	smov.u32 s2;
	s0 =	smov.u32 s29;
	p0 =	sne.s32 s2, $0x3F0  }
.Ltmp9:
0xf6: {  	s2 =	sadd.s32 $0x10, s2;
	(pc) =	sbr.rel @p0 .LBB2_20-.Ltmp9, $2  }
0xf7: {  	_ =	sdelay $0x2  }
0xf8: {  	s29 =	sadd.s32 $0x100, s29;
	s30 =	sadd.s32 s30, s9  }
0xf9: {  	[tilespmem:s0], [sflag:$0x2] =	stream.linear.gather [hbm4b:s30+s1], $0x80, $0x38;
	[tilespmem:$0x19000] =	vst v63  }
0xfa: {  	s0 =	simm.s32 $0x14080  }
0xfb: {  	s2 =	simm.s32 $0x10;
	s30 =	sadd.s32 $0x0, s10;
	s29 =	simm.s32 $0x14180  }
.LBB2_22:
0xfc: {  	[tilespmem:s0], [sflag:$0x2] =	stream.linear.gather [hbm4b:s30+s1], $0x80, $0x38;
	[tilespmem:$0x19000] =	vst v63  }
0xfd: {  	s30 =	smov.u32 s2;
	s0 =	smov.u32 s29;
	p0 =	sne.s32 s2, $0x3F0  }
.Ltmp10:
0xfe: {  	s2 =	sadd.s32 $0x10, s2;
	(pc) =	sbr.rel @p0 .LBB2_22-.Ltmp10, $2  }
0xff: {  	_ =	sdelay $0x2  }
0x100: {  	s29 =	sadd.s32 $0x100, s29;
	s30 =	sadd.s32 s30, s10  }
0x101: {  	[tilespmem:s0], [sflag:$0x2] =	stream.linear.gather [hbm4b:s30+s1], $0x80, $0x38;
	[tilespmem:$0x19000] =	vst v63  }
0x102: {  	_ =	swait.ge [sflag:s21], $0x2000  }
0x103: {  	[sflag:s21] =	ssyncset.done $0x0  }
0x104: {  	[sflag:s21] =	ssyncadd.s32 $0xFFFFE000  }
0x105: {  	_ =	swait.ge [sflag:s21], $0x2000  }
0x106: {  	[sflag:s21] =	ssyncset.done $0x0  }
0x107: {  	s31 =	simm.s32 $0x14040;
	[sflag:s21] =	ssyncadd.s32 $0xFFFFE000  }
0x108: {  	v6 =	vld [tilespmem:s31+$0x30]  }
0x109: {  	v7 =	vld [tilespmem:s31+$0xFFFFFFC0]  }
0x10a: {  	v9 =	vld [tilespmem:s31+$0xFFFFFFD0]  }
0x10b: {  	v10 =	vld [tilespmem:s31+$0xFFFFFFE0]  }
0x10c: {  	v11 =	vld [tilespmem:s31+$0xFFFFFFF0]  }
0x10d: {  	v14 =	vld [tilespmem:s31+$0x10]  }
0x10e: {  	s29 =	simm.s32 $0x10040  }
0x10f: {  	v8 =	vld [tilespmem:s29+$0x30]  }
0x110: {  	v16 =	vld [tilespmem:s29+$0xFFFFFFD0]  }
0x111: {  	v22 =	vld [tilespmem:s29+$0xFFFFFFC0];
	vm6 =	vgt.s32 v6, $0x0;
	vm0 =	vgt.s32 v7, $0x0;
	vm3 =	vgt.s32 v9, $0x0  }
0x112: {  	v7 =	vld [tilespmem:s31+$0x0];
	vm5 =	vgt.s32 v10, $0x0;
	vm4 =	vgt.s32 v11, $0x0;
	vm1 =	vgt.s32 v14, $0x0  }
0x113: {  	v9 =	vld [tilespmem:s31+$0x20];
	v6 =	vsel vm6, $0xC32AAAAB, v1;
	v12 =	vsel vm0, $0xC32AAAAB, v1;
	v13 =	vsel vm0, $0x448AAAAB, v2  }
0x114: {  	v11 =	vld [tilespmem:s29+$0xFFFFFFF0];
	v15 =	vsel vm6, $0x448AAAAB, v2;
	v17 =	vsel vm3, $0xC32AAAAB, v1;
	v10 =	vsel vm3, $0x448AAAAB, v2  }
0x115: {  	v18 =	vsel vm5, $0xC32AAAAB, v1;
	v19 =	vsel vm4, $0xC32AAAAB, v1;
	v8 =	vmul.f32 v6, v8  }
0x116: {  	v21 =	vsel vm1, $0xC32AAAAB, v1;
	v23 =	vsel vm5, $0x448AAAAB, v2;
	v12 =	vmul.f32 v12, v22  }
0x117: {  	v14 =	vld [tilespmem:s29+$0x10];
	v24 =	vsel vm4, $0x448AAAAB, v2;
	v6 =	vsel vm0, v4, v3;
	v8 =	vadd.f32 v8, v15  }
0x118: {  	v15 =	vld [tilespmem:s29+$0xFFFFFFE0];
	v12 =	vadd.f32 v12, v13;
	vm0 =	vgt.s32 v7, $0x0;
	vm2 =	vgt.s32 v9, $0x0  }
0x119: {  	v9 =	vmul.f32 v17, v16;
	v16 =	vld [tilespmem:s29+$0x20];
	v11 =	vmul.f32 v19, v11;
	v19 =	vsel vm1, $0x448AAAAB, v2  }
0x11a: {  	v7 =	vmax.f32 v8, $0.0e+00;
	v8 =	vld [tilespmem:s29+$0x0];
	v20 =	vsel vm0, $0xC32AAAAB, v1;
	v17 =	vsel vm2, $0xC32AAAAB, v1  }
0x11b: {  	v12 =	vmax.f32 v12, $0.0e+00;
	v7 =	vmin.f32 v7, $2.047500000e+03;
	v9 =	vadd.f32 v9, v10  }
0x11c: {  	v10 =	vmul.f32 v21, v14;
	v14 =	vsel vm2, $0x448AAAAB, v2;
	v7 =	vtrunc.f32 v7  }
0x11d: {  	v11 =	vadd.f32 v11, v24;
	v7 =	vcvt.f32.s32 v7;
	v15 =	vmul.f32 v18, v15  }
0x11e: {  	v18 =	vsel vm6, v4, v3;
	v9 =	vmax.f32 v9, $0.0e+00;
	v16 =	vmul.f32 v17, v16  }
0x11f: {  	v11 =	vmax.f32 v11, $0.0e+00;
	v8 =	vmul.f32 v20, v8;
	v15 =	vadd.f32 v15, v23  }
0x120: {  	v18 =	vsub.s32 v18, v7;
	v7 =	vsel vm0, $0x448AAAAB, v2;
	v14 =	vadd.f32 v16, v14  }
0x121: {  	v7 =	vadd.f32 v8, v7;
	v8 =	vadd.f32 v10, v19;
	v10 =	vmax.f32 v15, $0.0e+00  }
0x122: {  	v9 =	vmin.f32 v9, $2.047500000e+03;
	v13 =	vmax.f32 v14, $0.0e+00;
	v10 =	vmin.f32 v10, $2.047500000e+03  }
0x123: {  	v14 =	vmin.f32 v11, $2.047500000e+03;
	v11 =	vmin.f32 v12, $2.047500000e+03;
	v7 =	vmax.f32 v7, $0.0e+00  }
0x124: {  	v8 =	vmax.f32 v8, $0.0e+00;
	v19 =	vtrunc.f32 v11;
	v11 =	vtrunc.f32 v9  }
0x125: {  	v13 =	vmin.f32 v13, $2.047500000e+03;
	v16 =	vtrunc.f32 v10;
	v12 =	vtrunc.f32 v14  }
0x126: {  	v9 =	vsel vm4, v4, v3;
	v15 =	vmin.f32 v7, $2.047500000e+03;
	v17 =	vmin.f32 v8, $2.047500000e+03  }
0x127: {  	v7 =	vsel vm3, v4, v3;
	v13 =	vtrunc.f32 v13;
	v14 =	vtrunc.f32 v15  }
0x128: {  	s0 =	simm.s32 $0x0;
	s2 =	simm.s32 $0x14140;
	v8 =	vsel vm5, v4, v3;
	[tilespmem:v18+s1+$0x0] =	vst.idx.add.f32.msk $0xffff, v5;
	v10 =	vtrunc.f32 v17;
	v15 =	vcvt.f32.s32 v19  }
.LBB2_24:
0x129: {  	v17 =	vld [tilespmem:s2+$0x30];
	s0 =	sadd.s32 $0x80, s0;
	v11 =	vcvt.f32.s32 v11;
	v16 =	vcvt.f32.s32 v16;
	v18 =	vsel vm0, v4, v3  }
0x12a: {  	v12 =	vcvt.f32.s32 v12;
	v14 =	vcvt.f32.s32 v14;
	v20 =	vsel vm1, v4, v3;
	s29 =	sadd.s32 $0x100, s29;
	v19 =	vld [tilespmem:s2+$0xFFFFFFC0];
	p0 =	slt.u32 s0, $0x1F80  }
0x12b: {  	v10 =	vcvt.f32.s32 v10;
	v13 =	vcvt.f32.s32 v13;
	v22 =	vsel vm2, v4, v3;
	v21 =	vld [tilespmem:s29+$0x30]  }
0x12c: {  	v15 =	vsub.s32 v6, v15;
	v7 =	vsub.s32 v7, v11;
	v8 =	vsub.s32 v8, v16;
	v23 =	vld [tilespmem:s2+$0xFFFFFFD0]  }
0x12d: {  	v9 =	vsub.s32 v9, v12;
	v12 =	vsub.s32 v18, v14;
	v10 =	vsub.s32 v20, v10;
	v11 =	vld [tilespmem:s2+$0xFFFFFFE0]  }
0x12e: {  	v13 =	vsub.s32 v22, v13;
	v14 =	vld [tilespmem:s2+$0xFFFFFFF0];
	vm6 =	vgt.s32 v17, $0x0  }
0x12f: {  	vm0 =	vgt.s32 v19, $0x0;
	v16 =	vld [tilespmem:s2+$0x0];
	v6 =	vsel vm6, $0xC32AAAAB, v1  }
0x130: {  	v17 =	vsel vm0, $0xC32AAAAB, v1;
	v18 =	vsel vm0, $0x448AAAAB, v2;
	v19 =	vld [tilespmem:s2+$0x10];
	v20 =	vmul.f32 v6, v21  }
0x131: {  	v22 =	vsel vm6, $0x448AAAAB, v2;
	v6 =	vsel vm0, v4, v3;
	vm3 =	vgt.s32 v23, $0x0;
	v21 =	vld [tilespmem:s2+$0x20]  }
0x132: {  	v23 =	vld [tilespmem:s29+$0xFFFFFFD0];
	v24 =	vsel vm3, $0xC32AAAAB, v1;
	vm4 =	vgt.s32 v11, $0x0;
	v11 =	vadd.f32 v20, v22  }
0x133: {  	v20 =	vsel vm3, $0x448AAAAB, v2;
	v22 =	vld [tilespmem:s29+$0xFFFFFFE0];
	v25 =	vsel vm4, $0xC32AAAAB, v1;
	vm5 =	vgt.s32 v14, $0x0  }
0x134: {  	v14 =	vld [tilespmem:s29+$0xFFFFFFF0];
	v26 =	vsel vm5, $0xC32AAAAB, v1;
	vm0 =	vgt.s32 v16, $0x0;
	v11 =	vmax.f32 v11, $0.0e+00  }
0x135: {  	v16 =	vld [tilespmem:s29+$0x0];
	v27 =	vsel vm0, $0xC32AAAAB, v1;
	vm1 =	vgt.s32 v19, $0x0;
	v11 =	vmin.f32 v11, $2.047500000e+03  }
0x136: {  	v19 =	vld [tilespmem:s29+$0x10];
	v28 =	vsel vm1, $0xC32AAAAB, v1;
	vm2 =	vgt.s32 v21, $0x0;
	v11 =	vtrunc.f32 v11  }
0x137: {  	v21 =	vmul.f32 v24, v23;
	v23 =	vld [tilespmem:s29+$0x20];
	v24 =	vsel vm2, $0xC32AAAAB, v1;
	v11 =	vcvt.f32.s32 v11  }
0x138: {  	v30 =	vsel vm4, $0x448AAAAB, v2;
	v29 =	vld [tilespmem:s29+$0xFFFFFFC0];
	v22 =	vmul.f32 v25, v22;
	v25 =	vsel vm6, v4, v3  }
0x139: {  	v31 =	vsel vm5, $0x448AAAAB, v2;
	v14 =	vmul.f32 v26, v14;
	v11 =	vsub.s32 v25, v11;
	[tilespmem:v15+s1+$0x0] =	vst.idx.add.f32.msk $0xffff, v5  }
0x13a: {  	v15 =	vsel vm0, $0x448AAAAB, v2;
	v25 =	vsel vm1, $0x448AAAAB, v2;
	v16 =	vmul.f32 v27, v16;
	[tilespmem:v7+s1+$0x0] =	vst.idx.add.f32.msk $0xffff, v5  }
0x13b: {  	v7 =	vadd.f32 v21, v20;
	v20 =	vsel vm2, $0x448AAAAB, v2;
	v19 =	vmul.f32 v28, v19;
	[tilespmem:v8+s1+$0x0] =	vst.idx.add.f32.msk $0xffff, v5  }
0x13c: {  	v8 =	vadd.f32 v22, v30;
	v14 =	vadd.f32 v14, v31;
	v21 =	vmul.f32 v24, v23  }
0x13d: {  	v15 =	vadd.f32 v16, v15;
	v17 =	vmul.f32 v17, v29;
	v16 =	vadd.f32 v19, v25  }
0x13e: {  	v7 =	vmax.f32 v7, $0.0e+00;
	v8 =	vmax.f32 v8, $0.0e+00;
	v19 =	vadd.f32 v21, v20;
	[tilespmem:v11+s1+$0x0] =	vst.idx.add.f32.msk $0xffff, v5  }
0x13f: {  	v14 =	vmax.f32 v14, $0.0e+00;
	v15 =	vmax.f32 v15, $0.0e+00;
	v11 =	vadd.f32 v17, v18;
	[tilespmem:v9+s1+$0x0] =	vst.idx.add.f32.msk $0xffff, v5  }
0x140: {  	v7 =	vmin.f32 v7, $2.047500000e+03;
	v9 =	vmax.f32 v16, $0.0e+00;
	v16 =	vmax.f32 v19, $0.0e+00;
	[tilespmem:v12+s1+$0x0] =	vst.idx.add.f32.msk $0xffff, v5  }
0x141: {  	v8 =	vmin.f32 v8, $2.047500000e+03;
	v12 =	vmin.f32 v14, $2.047500000e+03;
	v11 =	vmax.f32 v11, $0.0e+00;
	[tilespmem:v10+s1+$0x0] =	vst.idx.add.f32.msk $0xffff, v5  }
.Ltmp11:
0x142: {  	v14 =	vmin.f32 v15, $2.047500000e+03;
	v9 =	vmin.f32 v9, $2.047500000e+03;
	v10 =	vmin.f32 v11, $2.047500000e+03;
	[tilespmem:v13+s1+$0x0] =	vst.idx.add.f32.msk $0xffff, v5;
	(pc) =	sbr.rel @p0 .LBB2_24-.Ltmp11, $4  }
0x143: {  	v17 =	vmin.f32 v16, $2.047500000e+03;
	v11 =	vtrunc.f32 v7;
	v13 =	vtrunc.f32 v10  }
0x144: {  	v16 =	vtrunc.f32 v8;
	v12 =	vtrunc.f32 v12;
	v7 =	vsel vm3, v4, v3  }
0x145: {  	v8 =	vsel vm4, v4, v3;
	v14 =	vtrunc.f32 v14;
	v10 =	vtrunc.f32 v9  }
0x146: {  	s2 =	sadd.s32 $0x100, s2;
	v9 =	vsel vm5, v4, v3;
	v15 =	vcvt.f32.s32 v13;
	v13 =	vtrunc.f32 v17  }
0x147: {  	v11 =	vcvt.f32.s32 v11  }
0x148: {  	v16 =	vcvt.f32.s32 v16;
	v6 =	vsub.s32 v6, v15  }
0x149: {  	v12 =	vcvt.f32.s32 v12;
	v7 =	vsub.s32 v7, v11  }
0x14a: {  	v60 =	vcvt.f32.s32 v14;
	v8 =	vsub.s32 v8, v16  }
0x14b: {  	v61 =	vsel vm0, v4, v3;
	v10 =	vcvt.f32.s32 v10;
	v9 =	vsub.s32 v9, v12  }
0x14c: {  	v62 =	vsel vm1, v4, v3;
	v13 =	vcvt.f32.s32 v13;
	v11 =	vsub.s32 v61, v60  }
0x14d: {  	v63 =	vsel vm2, v4, v3;
	v10 =	vsub.s32 v62, v10;
	[tilespmem:v6+s1+$0x0] =	vst.idx.add.f32.msk $0xffff, v5  }
0x14e: {  	v6 =	vsub.s32 v63, v13;
	[tilespmem:v7+s1+$0x0] =	vst.idx.add.f32.msk $0xffff, v5  }
0x14f: {  	[tilespmem:v8+s1+$0x0] =	vst.idx.add.f32.msk $0xffff, v5  }
0x150: {  	[tilespmem:v9+s1+$0x0] =	vst.idx.add.f32.msk $0xffff, v5  }
0x151: {  	[tilespmem:v11+s1+$0x0] =	vst.idx.add.f32.msk $0xffff, v5  }
0x152: {  	s0 =	simm.s32 $0x10000;
	[tilespmem:v10+s1+$0x0] =	vst.idx.add.f32.msk $0xffff, v5  }
0x153: {  	s2 =	simm.s32 $0x10;
	s30 =	sadd.s32 $0x0, s11;
	s29 =	simm.s32 $0x10100;
	[tilespmem:v6+s1+$0x0] =	vst.idx.add.f32.msk $0xffff, v5  }
.LBB2_26:
0x154: {  	[tilespmem:s0], [sflag:$0x1] =	stream.linear.gather [hbm4b:s30+s1], $0x80, $0x38;
	[tilespmem:$0x19000] =	vst v63  }
0x155: {  	s30 =	smov.u32 s2;
	s0 =	smov.u32 s29;
	p0 =	sne.s32 s2, $0x3F0  }
.Ltmp12:
0x156: {  	s2 =	sadd.s32 $0x10, s2;
	(pc) =	sbr.rel @p0 .LBB2_26-.Ltmp12, $2  }
0x157: {  	_ =	sdelay $0x2  }
0x158: {  	s29 =	sadd.s32 $0x100, s29;
	s30 =	sadd.s32 s30, s11  }
0x159: {  	[tilespmem:s0], [sflag:$0x1] =	stream.linear.gather [hbm4b:s30+s1], $0x80, $0x38;
	[tilespmem:$0x19000] =	vst v63  }
0x15a: {  	s0 =	simm.s32 $0x14000  }
0x15b: {  	s2 =	simm.s32 $0x10;
	s30 =	sadd.s32 $0x0, s12;
	s29 =	simm.s32 $0x14100  }
.LBB2_28:
0x15c: {  	[tilespmem:s0], [sflag:$0x1] =	stream.linear.gather [hbm4b:s30+s1], $0x80, $0x38;
	[tilespmem:$0x19000] =	vst v63  }
0x15d: {  	s30 =	smov.u32 s2;
	s0 =	smov.u32 s29;
	p0 =	sne.s32 s2, $0x3F0  }
.Ltmp13:
0x15e: {  	s2 =	sadd.s32 $0x10, s2;
	(pc) =	sbr.rel @p0 .LBB2_28-.Ltmp13, $2  }
0x15f: {  	_ =	sdelay $0x2  }
0x160: {  	s29 =	sadd.s32 $0x100, s29;
	s30 =	sadd.s32 s30, s12  }
0x161: {  	[tilespmem:s0], [sflag:$0x1] =	stream.linear.gather [hbm4b:s30+s1], $0x80, $0x38;
	[tilespmem:$0x19000] =	vst v63  }
0x162: {  	_ =	swait.ge [sflag:s22], $0x2000  }
0x163: {  	[sflag:s22] =	ssyncset.done $0x0  }
0x164: {  	[sflag:s22] =	ssyncadd.s32 $0xFFFFE000  }
0x165: {  	_ =	swait.ge [sflag:s22], $0x2000  }
0x166: {  	[sflag:s22] =	ssyncset.done $0x0  }
0x167: {  	s31 =	simm.s32 $0x140F0;
	[sflag:s22] =	ssyncadd.s32 $0xFFFFE000  }
0x168: {  	v6 =	vld [tilespmem:s31+$0x0]  }
0x169: {  	v7 =	vld [tilespmem:s31+$0xFFFFFF90]  }
0x16a: {  	v9 =	vld [tilespmem:s31+$0xFFFFFFA0]  }
0x16b: {  	v10 =	vld [tilespmem:s31+$0xFFFFFFB0]  }
0x16c: {  	v11 =	vld [tilespmem:s31+$0xFFFFFFC0]  }
0x16d: {  	v14 =	vld [tilespmem:s31+$0xFFFFFFE0]  }
0x16e: {  	s29 =	simm.s32 $0x100F0  }
0x16f: {  	v8 =	vld [tilespmem:s29+$0x0]  }
0x170: {  	v16 =	vld [tilespmem:s29+$0xFFFFFFA0]  }
0x171: {  	v22 =	vld [tilespmem:s29+$0xFFFFFF90];
	vm6 =	vgt.s32 v6, $0x0;
	vm0 =	vgt.s32 v7, $0x0;
	vm3 =	vgt.s32 v9, $0x0  }
0x172: {  	v7 =	vld [tilespmem:s31+$0xFFFFFFD0];
	vm5 =	vgt.s32 v10, $0x0;
	vm4 =	vgt.s32 v11, $0x0;
	vm1 =	vgt.s32 v14, $0x0  }
0x173: {  	v9 =	vld [tilespmem:s31+$0xFFFFFFF0];
	v6 =	vsel vm6, $0xC32AAAAB, v1;
	v12 =	vsel vm0, $0xC32AAAAB, v1;
	v13 =	vsel vm0, $0x448AAAAB, v2  }
0x174: {  	v11 =	vld [tilespmem:s29+$0xFFFFFFC0];
	v15 =	vsel vm6, $0x448AAAAB, v2;
	v17 =	vsel vm3, $0xC32AAAAB, v1;
	v10 =	vsel vm3, $0x448AAAAB, v2  }
0x175: {  	v18 =	vsel vm5, $0xC32AAAAB, v1;
	v19 =	vsel vm4, $0xC32AAAAB, v1;
	v8 =	vmul.f32 v6, v8  }
0x176: {  	v21 =	vsel vm1, $0xC32AAAAB, v1;
	v23 =	vsel vm5, $0x448AAAAB, v2;
	v12 =	vmul.f32 v12, v22  }
0x177: {  	v14 =	vld [tilespmem:s29+$0xFFFFFFE0];
	v24 =	vsel vm4, $0x448AAAAB, v2;
	v6 =	vsel vm0, v4, v3;
	v8 =	vadd.f32 v8, v15  }
0x178: {  	v15 =	vld [tilespmem:s29+$0xFFFFFFB0];
	v12 =	vadd.f32 v12, v13;
	vm0 =	vgt.s32 v7, $0x0;
	vm2 =	vgt.s32 v9, $0x0  }
0x179: {  	v9 =	vmul.f32 v17, v16;
	v16 =	vld [tilespmem:s29+$0xFFFFFFF0];
	v11 =	vmul.f32 v19, v11;
	v19 =	vsel vm1, $0x448AAAAB, v2  }
0x17a: {  	v7 =	vmax.f32 v8, $0.0e+00;
	v8 =	vld [tilespmem:s29+$0xFFFFFFD0];
	v20 =	vsel vm0, $0xC32AAAAB, v1;
	v17 =	vsel vm2, $0xC32AAAAB, v1  }
0x17b: {  	v12 =	vmax.f32 v12, $0.0e+00;
	v7 =	vmin.f32 v7, $2.047500000e+03;
	v9 =	vadd.f32 v9, v10  }
0x17c: {  	v10 =	vmul.f32 v21, v14;
	v14 =	vsel vm2, $0x448AAAAB, v2;
	v7 =	vtrunc.f32 v7  }
0x17d: {  	v11 =	vadd.f32 v11, v24;
	v7 =	vcvt.f32.s32 v7;
	v15 =	vmul.f32 v18, v15  }
0x17e: {  	v18 =	vsel vm6, v4, v3;
	v9 =	vmax.f32 v9, $0.0e+00;
	v16 =	vmul.f32 v17, v16  }
0x17f: {  	v11 =	vmax.f32 v11, $0.0e+00;
	v8 =	vmul.f32 v20, v8;
	v15 =	vadd.f32 v15, v23  }
0x180: {  	v18 =	vsub.s32 v18, v7;
	v7 =	vsel vm0, $0x448AAAAB, v2;
	v14 =	vadd.f32 v16, v14  }
0x181: {  	v7 =	vadd.f32 v8, v7;
	v8 =	vadd.f32 v10, v19;
	v10 =	vmax.f32 v15, $0.0e+00  }
0x182: {  	v9 =	vmin.f32 v9, $2.047500000e+03;
	v13 =	vmax.f32 v14, $0.0e+00;
	v10 =	vmin.f32 v10, $2.047500000e+03  }
0x183: {  	v14 =	vmin.f32 v11, $2.047500000e+03;
	v11 =	vmin.f32 v12, $2.047500000e+03;
	v7 =	vmax.f32 v7, $0.0e+00  }
0x184: {  	v8 =	vmax.f32 v8, $0.0e+00;
	v19 =	vtrunc.f32 v11;
	v11 =	vtrunc.f32 v9  }
0x185: {  	v13 =	vmin.f32 v13, $2.047500000e+03;
	v16 =	vtrunc.f32 v10;
	v12 =	vtrunc.f32 v14  }
0x186: {  	v9 =	vsel vm4, v4, v3;
	v15 =	vmin.f32 v7, $2.047500000e+03;
	v17 =	vmin.f32 v8, $2.047500000e+03  }
0x187: {  	v7 =	vsel vm3, v4, v3;
	v13 =	vtrunc.f32 v13;
	v14 =	vtrunc.f32 v15  }
0x188: {  	s0 =	simm.s32 $0x0;
	s2 =	simm.s32 $0x141F0;
	v8 =	vsel vm5, v4, v3;
	[tilespmem:v18+s1+$0x0] =	vst.idx.add.f32.msk $0xffff, v5;
	v10 =	vtrunc.f32 v17;
	v15 =	vcvt.f32.s32 v19  }
.LBB2_30:
0x189: {  	v17 =	vld [tilespmem:s2+$0x0];
	s0 =	sadd.s32 $0x80, s0;
	v11 =	vcvt.f32.s32 v11;
	v16 =	vcvt.f32.s32 v16;
	v18 =	vsel vm0, v4, v3  }
0x18a: {  	v12 =	vcvt.f32.s32 v12;
	v14 =	vcvt.f32.s32 v14;
	v20 =	vsel vm1, v4, v3;
	s29 =	sadd.s32 $0x100, s29;
	v19 =	vld [tilespmem:s2+$0xFFFFFF90];
	p0 =	slt.u32 s0, $0x1F80  }
0x18b: {  	v10 =	vcvt.f32.s32 v10;
	v13 =	vcvt.f32.s32 v13;
	v22 =	vsel vm2, v4, v3;
	v21 =	vld [tilespmem:s29+$0x0]  }
0x18c: {  	v15 =	vsub.s32 v6, v15;
	v7 =	vsub.s32 v7, v11;
	v8 =	vsub.s32 v8, v16;
	v23 =	vld [tilespmem:s2+$0xFFFFFFA0]  }
0x18d: {  	v9 =	vsub.s32 v9, v12;
	v12 =	vsub.s32 v18, v14;
	v10 =	vsub.s32 v20, v10;
	v11 =	vld [tilespmem:s2+$0xFFFFFFB0]  }
0x18e: {  	v13 =	vsub.s32 v22, v13;
	v14 =	vld [tilespmem:s2+$0xFFFFFFC0];
	vm6 =	vgt.s32 v17, $0x0  }
0x18f: {  	vm0 =	vgt.s32 v19, $0x0;
	v16 =	vld [tilespmem:s2+$0xFFFFFFD0];
	v6 =	vsel vm6, $0xC32AAAAB, v1  }
0x190: {  	v17 =	vsel vm0, $0xC32AAAAB, v1;
	v18 =	vsel vm0, $0x448AAAAB, v2;
	v19 =	vld [tilespmem:s2+$0xFFFFFFE0];
	v20 =	vmul.f32 v6, v21  }
0x191: {  	v22 =	vsel vm6, $0x448AAAAB, v2;
	v6 =	vsel vm0, v4, v3;
	vm3 =	vgt.s32 v23, $0x0;
	v21 =	vld [tilespmem:s2+$0xFFFFFFF0]  }
0x192: {  	v23 =	vld [tilespmem:s29+$0xFFFFFFA0];
	v24 =	vsel vm3, $0xC32AAAAB, v1;
	vm4 =	vgt.s32 v11, $0x0;
	v11 =	vadd.f32 v20, v22  }
0x193: {  	v20 =	vsel vm3, $0x448AAAAB, v2;
	v22 =	vld [tilespmem:s29+$0xFFFFFFB0];
	v25 =	vsel vm4, $0xC32AAAAB, v1;
	vm5 =	vgt.s32 v14, $0x0  }
0x194: {  	v14 =	vld [tilespmem:s29+$0xFFFFFFC0];
	v26 =	vsel vm5, $0xC32AAAAB, v1;
	vm0 =	vgt.s32 v16, $0x0;
	v11 =	vmax.f32 v11, $0.0e+00  }
0x195: {  	v16 =	vld [tilespmem:s29+$0xFFFFFFD0];
	v27 =	vsel vm0, $0xC32AAAAB, v1;
	vm1 =	vgt.s32 v19, $0x0;
	v11 =	vmin.f32 v11, $2.047500000e+03  }
0x196: {  	v19 =	vld [tilespmem:s29+$0xFFFFFFE0];
	v28 =	vsel vm1, $0xC32AAAAB, v1;
	vm2 =	vgt.s32 v21, $0x0;
	v11 =	vtrunc.f32 v11  }
0x197: {  	v21 =	vmul.f32 v24, v23;
	v23 =	vld [tilespmem:s29+$0xFFFFFFF0];
	v24 =	vsel vm2, $0xC32AAAAB, v1;
	v11 =	vcvt.f32.s32 v11  }
0x198: {  	v30 =	vsel vm4, $0x448AAAAB, v2;
	v29 =	vld [tilespmem:s29+$0xFFFFFF90];
	v22 =	vmul.f32 v25, v22;
	v25 =	vsel vm6, v4, v3  }
0x199: {  	v31 =	vsel vm5, $0x448AAAAB, v2;
	v14 =	vmul.f32 v26, v14;
	v11 =	vsub.s32 v25, v11;
	[tilespmem:v15+s1+$0x0] =	vst.idx.add.f32.msk $0xffff, v5  }
0x19a: {  	v15 =	vsel vm0, $0x448AAAAB, v2;
	v25 =	vsel vm1, $0x448AAAAB, v2;
	v16 =	vmul.f32 v27, v16;
	[tilespmem:v7+s1+$0x0] =	vst.idx.add.f32.msk $0xffff, v5  }
0x19b: {  	v7 =	vadd.f32 v21, v20;
	v20 =	vsel vm2, $0x448AAAAB, v2;
	v19 =	vmul.f32 v28, v19;
	[tilespmem:v8+s1+$0x0] =	vst.idx.add.f32.msk $0xffff, v5  }
0x19c: {  	v8 =	vadd.f32 v22, v30;
	v14 =	vadd.f32 v14, v31;
	v21 =	vmul.f32 v24, v23  }
0x19d: {  	v15 =	vadd.f32 v16, v15;
	v17 =	vmul.f32 v17, v29;
	v16 =	vadd.f32 v19, v25  }
0x19e: {  	v7 =	vmax.f32 v7, $0.0e+00;
	v8 =	vmax.f32 v8, $0.0e+00;
	v19 =	vadd.f32 v21, v20;
	[tilespmem:v11+s1+$0x0] =	vst.idx.add.f32.msk $0xffff, v5  }
0x19f: {  	v14 =	vmax.f32 v14, $0.0e+00;
	v15 =	vmax.f32 v15, $0.0e+00;
	v11 =	vadd.f32 v17, v18;
	[tilespmem:v9+s1+$0x0] =	vst.idx.add.f32.msk $0xffff, v5  }
0x1a0: {  	v7 =	vmin.f32 v7, $2.047500000e+03;
	v9 =	vmax.f32 v16, $0.0e+00;
	v16 =	vmax.f32 v19, $0.0e+00;
	[tilespmem:v12+s1+$0x0] =	vst.idx.add.f32.msk $0xffff, v5  }
0x1a1: {  	v8 =	vmin.f32 v8, $2.047500000e+03;
	v12 =	vmin.f32 v14, $2.047500000e+03;
	v11 =	vmax.f32 v11, $0.0e+00;
	[tilespmem:v10+s1+$0x0] =	vst.idx.add.f32.msk $0xffff, v5  }
.Ltmp14:
0x1a2: {  	v14 =	vmin.f32 v15, $2.047500000e+03;
	v9 =	vmin.f32 v9, $2.047500000e+03;
	v10 =	vmin.f32 v11, $2.047500000e+03;
	[tilespmem:v13+s1+$0x0] =	vst.idx.add.f32.msk $0xffff, v5;
	(pc) =	sbr.rel @p0 .LBB2_30-.Ltmp14, $4  }
0x1a3: {  	v17 =	vmin.f32 v16, $2.047500000e+03;
	v11 =	vtrunc.f32 v7;
	v13 =	vtrunc.f32 v10  }
0x1a4: {  	v16 =	vtrunc.f32 v8;
	v12 =	vtrunc.f32 v12;
	v7 =	vsel vm3, v4, v3  }
0x1a5: {  	v8 =	vsel vm4, v4, v3;
	v14 =	vtrunc.f32 v14;
	v10 =	vtrunc.f32 v9  }
0x1a6: {  	s2 =	sadd.s32 $0x100, s2;
	v9 =	vsel vm5, v4, v3;
	v15 =	vcvt.f32.s32 v13;
	v13 =	vtrunc.f32 v17  }
0x1a7: {  	v11 =	vcvt.f32.s32 v11  }
0x1a8: {  	v16 =	vcvt.f32.s32 v16;
	v6 =	vsub.s32 v6, v15  }
0x1a9: {  	v12 =	vcvt.f32.s32 v12;
	v7 =	vsub.s32 v7, v11  }
0x1aa: {  	v60 =	vcvt.f32.s32 v14;
	v8 =	vsub.s32 v8, v16  }
0x1ab: {  	v61 =	vsel vm0, v4, v3;
	v10 =	vcvt.f32.s32 v10;
	v9 =	vsub.s32 v9, v12  }
0x1ac: {  	v62 =	vsel vm1, v4, v3;
	v13 =	vcvt.f32.s32 v13;
	v11 =	vsub.s32 v61, v60  }
0x1ad: {  	v63 =	vsel vm2, v4, v3;
	v10 =	vsub.s32 v62, v10;
	[tilespmem:v6+s1+$0x0] =	vst.idx.add.f32.msk $0xffff, v5  }
0x1ae: {  	v6 =	vsub.s32 v63, v13;
	[tilespmem:v7+s1+$0x0] =	vst.idx.add.f32.msk $0xffff, v5  }
0x1af: {  	[tilespmem:v8+s1+$0x0] =	vst.idx.add.f32.msk $0xffff, v5  }
0x1b0: {  	[tilespmem:v9+s1+$0x0] =	vst.idx.add.f32.msk $0xffff, v5  }
0x1b1: {  	[tilespmem:v11+s1+$0x0] =	vst.idx.add.f32.msk $0xffff, v5  }
0x1b2: {  	s0 =	simm.s32 $0x10080;
	[tilespmem:v10+s1+$0x0] =	vst.idx.add.f32.msk $0xffff, v5  }
0x1b3: {  	s2 =	simm.s32 $0x10;
	s30 =	sadd.s32 $0x0, s13;
	s29 =	simm.s32 $0x10180;
	[tilespmem:v6+s1+$0x0] =	vst.idx.add.f32.msk $0xffff, v5  }
.LBB2_32:
0x1b4: {  	[tilespmem:s0], [sflag:$0x2] =	stream.linear.gather [hbm4b:s30+s1], $0x80, $0x38;
	[tilespmem:$0x19000] =	vst v63  }
0x1b5: {  	s30 =	smov.u32 s2;
	s0 =	smov.u32 s29;
	p0 =	sne.s32 s2, $0x3F0  }
.Ltmp15:
0x1b6: {  	s2 =	sadd.s32 $0x10, s2;
	(pc) =	sbr.rel @p0 .LBB2_32-.Ltmp15, $2  }
0x1b7: {  	_ =	sdelay $0x2  }
0x1b8: {  	s29 =	sadd.s32 $0x100, s29;
	s30 =	sadd.s32 s30, s13  }
0x1b9: {  	[tilespmem:s0], [sflag:$0x2] =	stream.linear.gather [hbm4b:s30+s1], $0x80, $0x38;
	[tilespmem:$0x19000] =	vst v63  }
0x1ba: {  	s0 =	simm.s32 $0x14080  }
0x1bb: {  	s2 =	simm.s32 $0x10;
	s30 =	sadd.s32 $0x0, s14;
	s29 =	simm.s32 $0x14180  }
.LBB2_34:
0x1bc: {  	[tilespmem:s0], [sflag:$0x2] =	stream.linear.gather [hbm4b:s30+s1], $0x80, $0x38;
	[tilespmem:$0x19000] =	vst v63  }
0x1bd: {  	s30 =	smov.u32 s2;
	s0 =	smov.u32 s29;
	p0 =	sne.s32 s2, $0x3F0  }
.Ltmp16:
0x1be: {  	s2 =	sadd.s32 $0x10, s2;
	(pc) =	sbr.rel @p0 .LBB2_34-.Ltmp16, $2  }
0x1bf: {  	_ =	sdelay $0x2  }
0x1c0: {  	s29 =	sadd.s32 $0x100, s29;
	s30 =	sadd.s32 s30, s14  }
0x1c1: {  	[tilespmem:s0], [sflag:$0x2] =	stream.linear.gather [hbm4b:s30+s1], $0x80, $0x38;
	[tilespmem:$0x19000] =	vst v63  }
0x1c2: {  	_ =	swait.ge [sflag:s21], $0x2000  }
0x1c3: {  	[sflag:s21] =	ssyncset.done $0x0  }
0x1c4: {  	[sflag:s21] =	ssyncadd.s32 $0xFFFFE000  }
0x1c5: {  	_ =	swait.ge [sflag:s21], $0x2000  }
0x1c6: {  	[sflag:s21] =	ssyncset.done $0x0  }
0x1c7: {  	s31 =	simm.s32 $0x14040;
	[sflag:s21] =	ssyncadd.s32 $0xFFFFE000  }
0x1c8: {  	v6 =	vld [tilespmem:s31+$0x30]  }
0x1c9: {  	v7 =	vld [tilespmem:s31+$0xFFFFFFC0]  }
0x1ca: {  	v9 =	vld [tilespmem:s31+$0xFFFFFFD0]  }
0x1cb: {  	v10 =	vld [tilespmem:s31+$0xFFFFFFE0]  }
0x1cc: {  	v11 =	vld [tilespmem:s31+$0xFFFFFFF0]  }
0x1cd: {  	v14 =	vld [tilespmem:s31+$0x10]  }
0x1ce: {  	s29 =	simm.s32 $0x10040  }
0x1cf: {  	v8 =	vld [tilespmem:s29+$0x30]  }
0x1d0: {  	v16 =	vld [tilespmem:s29+$0xFFFFFFD0]  }
0x1d1: {  	v22 =	vld [tilespmem:s29+$0xFFFFFFC0];
	vm6 =	vgt.s32 v6, $0x0;
	vm0 =	vgt.s32 v7, $0x0;
	vm3 =	vgt.s32 v9, $0x0  }
0x1d2: {  	v7 =	vld [tilespmem:s31+$0x0];
	vm5 =	vgt.s32 v10, $0x0;
	vm4 =	vgt.s32 v11, $0x0;
	vm1 =	vgt.s32 v14, $0x0  }
0x1d3: {  	v9 =	vld [tilespmem:s31+$0x20];
	v6 =	vsel vm6, $0xC32AAAAB, v1;
	v12 =	vsel vm0, $0xC32AAAAB, v1;
	v13 =	vsel vm0, $0x448AAAAB, v2  }
0x1d4: {  	v11 =	vld [tilespmem:s29+$0xFFFFFFF0];
	v15 =	vsel vm6, $0x448AAAAB, v2;
	v17 =	vsel vm3, $0xC32AAAAB, v1;
	v10 =	vsel vm3, $0x448AAAAB, v2  }
0x1d5: {  	v18 =	vsel vm5, $0xC32AAAAB, v1;
	v19 =	vsel vm4, $0xC32AAAAB, v1;
	v8 =	vmul.f32 v6, v8  }
0x1d6: {  	v21 =	vsel vm1, $0xC32AAAAB, v1;
	v23 =	vsel vm5, $0x448AAAAB, v2;
	v12 =	vmul.f32 v12, v22  }
0x1d7: {  	v14 =	vld [tilespmem:s29+$0x10];
	v24 =	vsel vm4, $0x448AAAAB, v2;
	v6 =	vsel vm0, v4, v3;
	v8 =	vadd.f32 v8, v15  }
0x1d8: {  	v15 =	vld [tilespmem:s29+$0xFFFFFFE0];
	v12 =	vadd.f32 v12, v13;
	vm0 =	vgt.s32 v7, $0x0;
	vm2 =	vgt.s32 v9, $0x0  }
0x1d9: {  	v9 =	vmul.f32 v17, v16;
	v16 =	vld [tilespmem:s29+$0x20];
	v11 =	vmul.f32 v19, v11;
	v19 =	vsel vm1, $0x448AAAAB, v2  }
0x1da: {  	v7 =	vmax.f32 v8, $0.0e+00;
	v8 =	vld [tilespmem:s29+$0x0];
	v20 =	vsel vm0, $0xC32AAAAB, v1;
	v17 =	vsel vm2, $0xC32AAAAB, v1  }
0x1db: {  	v12 =	vmax.f32 v12, $0.0e+00;
	v7 =	vmin.f32 v7, $2.047500000e+03;
	v9 =	vadd.f32 v9, v10  }
0x1dc: {  	v10 =	vmul.f32 v21, v14;
	v14 =	vsel vm2, $0x448AAAAB, v2;
	v7 =	vtrunc.f32 v7  }
0x1dd: {  	v11 =	vadd.f32 v11, v24;
	v7 =	vcvt.f32.s32 v7;
	v15 =	vmul.f32 v18, v15  }
0x1de: {  	v18 =	vsel vm6, v4, v3;
	v9 =	vmax.f32 v9, $0.0e+00;
	v16 =	vmul.f32 v17, v16  }
0x1df: {  	v11 =	vmax.f32 v11, $0.0e+00;
	v8 =	vmul.f32 v20, v8;
	v15 =	vadd.f32 v15, v23  }
0x1e0: {  	v18 =	vsub.s32 v18, v7;
	v7 =	vsel vm0, $0x448AAAAB, v2;
	v14 =	vadd.f32 v16, v14  }
0x1e1: {  	v7 =	vadd.f32 v8, v7;
	v8 =	vadd.f32 v10, v19;
	v10 =	vmax.f32 v15, $0.0e+00  }
0x1e2: {  	v9 =	vmin.f32 v9, $2.047500000e+03;
	v13 =	vmax.f32 v14, $0.0e+00;
	v10 =	vmin.f32 v10, $2.047500000e+03  }
0x1e3: {  	v14 =	vmin.f32 v11, $2.047500000e+03;
	v11 =	vmin.f32 v12, $2.047500000e+03;
	v7 =	vmax.f32 v7, $0.0e+00  }
0x1e4: {  	v8 =	vmax.f32 v8, $0.0e+00;
	v19 =	vtrunc.f32 v11;
	v11 =	vtrunc.f32 v9  }
0x1e5: {  	v13 =	vmin.f32 v13, $2.047500000e+03;
	v16 =	vtrunc.f32 v10;
	v12 =	vtrunc.f32 v14  }
0x1e6: {  	v9 =	vsel vm4, v4, v3;
	v15 =	vmin.f32 v7, $2.047500000e+03;
	v17 =	vmin.f32 v8, $2.047500000e+03  }
0x1e7: {  	v7 =	vsel vm3, v4, v3;
	v13 =	vtrunc.f32 v13;
	v14 =	vtrunc.f32 v15  }
0x1e8: {  	s0 =	simm.s32 $0x0;
	s2 =	simm.s32 $0x14140;
	v8 =	vsel vm5, v4, v3;
	[tilespmem:v18+s1+$0x0] =	vst.idx.add.f32.msk $0xffff, v5;
	v10 =	vtrunc.f32 v17;
	v15 =	vcvt.f32.s32 v19  }
.LBB2_36:
0x1e9: {  	v17 =	vld [tilespmem:s2+$0x30];
	s0 =	sadd.s32 $0x80, s0;
	v11 =	vcvt.f32.s32 v11;
	v16 =	vcvt.f32.s32 v16;
	v18 =	vsel vm0, v4, v3  }
0x1ea: {  	v12 =	vcvt.f32.s32 v12;
	v14 =	vcvt.f32.s32 v14;
	v20 =	vsel vm1, v4, v3;
	s29 =	sadd.s32 $0x100, s29;
	v19 =	vld [tilespmem:s2+$0xFFFFFFC0];
	p0 =	slt.u32 s0, $0x1F80  }
0x1eb: {  	v10 =	vcvt.f32.s32 v10;
	v13 =	vcvt.f32.s32 v13;
	v22 =	vsel vm2, v4, v3;
	v21 =	vld [tilespmem:s29+$0x30]  }
0x1ec: {  	v15 =	vsub.s32 v6, v15;
	v7 =	vsub.s32 v7, v11;
	v8 =	vsub.s32 v8, v16;
	v23 =	vld [tilespmem:s2+$0xFFFFFFD0]  }
0x1ed: {  	v9 =	vsub.s32 v9, v12;
	v12 =	vsub.s32 v18, v14;
	v10 =	vsub.s32 v20, v10;
	v11 =	vld [tilespmem:s2+$0xFFFFFFE0]  }
0x1ee: {  	v13 =	vsub.s32 v22, v13;
	v14 =	vld [tilespmem:s2+$0xFFFFFFF0];
	vm6 =	vgt.s32 v17, $0x0  }
0x1ef: {  	vm0 =	vgt.s32 v19, $0x0;
	v16 =	vld [tilespmem:s2+$0x0];
	v6 =	vsel vm6, $0xC32AAAAB, v1  }
0x1f0: {  	v17 =	vsel vm0, $0xC32AAAAB, v1;
	v18 =	vsel vm0, $0x448AAAAB, v2;
	v19 =	vld [tilespmem:s2+$0x10];
	v20 =	vmul.f32 v6, v21  }
0x1f1: {  	v22 =	vsel vm6, $0x448AAAAB, v2;
	v6 =	vsel vm0, v4, v3;
	vm3 =	vgt.s32 v23, $0x0;
	v21 =	vld [tilespmem:s2+$0x20]  }
0x1f2: {  	v23 =	vld [tilespmem:s29+$0xFFFFFFD0];
	v24 =	vsel vm3, $0xC32AAAAB, v1;
	vm4 =	vgt.s32 v11, $0x0;
	v11 =	vadd.f32 v20, v22  }
0x1f3: {  	v20 =	vsel vm3, $0x448AAAAB, v2;
	v22 =	vld [tilespmem:s29+$0xFFFFFFE0];
	v25 =	vsel vm4, $0xC32AAAAB, v1;
	vm5 =	vgt.s32 v14, $0x0  }
0x1f4: {  	v14 =	vld [tilespmem:s29+$0xFFFFFFF0];
	v26 =	vsel vm5, $0xC32AAAAB, v1;
	vm0 =	vgt.s32 v16, $0x0;
	v11 =	vmax.f32 v11, $0.0e+00  }
0x1f5: {  	v16 =	vld [tilespmem:s29+$0x0];
	v27 =	vsel vm0, $0xC32AAAAB, v1;
	vm1 =	vgt.s32 v19, $0x0;
	v11 =	vmin.f32 v11, $2.047500000e+03  }
0x1f6: {  	v19 =	vld [tilespmem:s29+$0x10];
	v28 =	vsel vm1, $0xC32AAAAB, v1;
	vm2 =	vgt.s32 v21, $0x0;
	v11 =	vtrunc.f32 v11  }
0x1f7: {  	v21 =	vmul.f32 v24, v23;
	v23 =	vld [tilespmem:s29+$0x20];
	v24 =	vsel vm2, $0xC32AAAAB, v1;
	v11 =	vcvt.f32.s32 v11  }
0x1f8: {  	v30 =	vsel vm4, $0x448AAAAB, v2;
	v29 =	vld [tilespmem:s29+$0xFFFFFFC0];
	v22 =	vmul.f32 v25, v22;
	v25 =	vsel vm6, v4, v3  }
0x1f9: {  	v31 =	vsel vm5, $0x448AAAAB, v2;
	v14 =	vmul.f32 v26, v14;
	v11 =	vsub.s32 v25, v11;
	[tilespmem:v15+s1+$0x0] =	vst.idx.add.f32.msk $0xffff, v5  }
0x1fa: {  	v15 =	vsel vm0, $0x448AAAAB, v2;
	v25 =	vsel vm1, $0x448AAAAB, v2;
	v16 =	vmul.f32 v27, v16;
	[tilespmem:v7+s1+$0x0] =	vst.idx.add.f32.msk $0xffff, v5  }
0x1fb: {  	v7 =	vadd.f32 v21, v20;
	v20 =	vsel vm2, $0x448AAAAB, v2;
	v19 =	vmul.f32 v28, v19;
	[tilespmem:v8+s1+$0x0] =	vst.idx.add.f32.msk $0xffff, v5  }
0x1fc: {  	v8 =	vadd.f32 v22, v30;
	v14 =	vadd.f32 v14, v31;
	v21 =	vmul.f32 v24, v23  }
0x1fd: {  	v15 =	vadd.f32 v16, v15;
	v17 =	vmul.f32 v17, v29;
	v16 =	vadd.f32 v19, v25  }
0x1fe: {  	v7 =	vmax.f32 v7, $0.0e+00;
	v8 =	vmax.f32 v8, $0.0e+00;
	v19 =	vadd.f32 v21, v20;
	[tilespmem:v11+s1+$0x0] =	vst.idx.add.f32.msk $0xffff, v5  }
0x1ff: {  	v14 =	vmax.f32 v14, $0.0e+00;
	v15 =	vmax.f32 v15, $0.0e+00;
	v11 =	vadd.f32 v17, v18;
	[tilespmem:v9+s1+$0x0] =	vst.idx.add.f32.msk $0xffff, v5  }
0x200: {  	v7 =	vmin.f32 v7, $2.047500000e+03;
	v9 =	vmax.f32 v16, $0.0e+00;
	v16 =	vmax.f32 v19, $0.0e+00;
	[tilespmem:v12+s1+$0x0] =	vst.idx.add.f32.msk $0xffff, v5  }
0x201: {  	v8 =	vmin.f32 v8, $2.047500000e+03;
	v12 =	vmin.f32 v14, $2.047500000e+03;
	v11 =	vmax.f32 v11, $0.0e+00;
	[tilespmem:v10+s1+$0x0] =	vst.idx.add.f32.msk $0xffff, v5  }
.Ltmp17:
0x202: {  	v14 =	vmin.f32 v15, $2.047500000e+03;
	v9 =	vmin.f32 v9, $2.047500000e+03;
	v10 =	vmin.f32 v11, $2.047500000e+03;
	[tilespmem:v13+s1+$0x0] =	vst.idx.add.f32.msk $0xffff, v5;
	(pc) =	sbr.rel @p0 .LBB2_36-.Ltmp17, $4  }
0x203: {  	v17 =	vmin.f32 v16, $2.047500000e+03;
	v11 =	vtrunc.f32 v7;
	v13 =	vtrunc.f32 v10  }
0x204: {  	v16 =	vtrunc.f32 v8;
	v12 =	vtrunc.f32 v12;
	v7 =	vsel vm3, v4, v3  }
0x205: {  	v8 =	vsel vm4, v4, v3;
	v14 =	vtrunc.f32 v14;
	v10 =	vtrunc.f32 v9  }
0x206: {  	s2 =	sadd.s32 $0x100, s2;
	v9 =	vsel vm5, v4, v3;
	v15 =	vcvt.f32.s32 v13;
	v13 =	vtrunc.f32 v17  }
0x207: {  	v11 =	vcvt.f32.s32 v11  }
0x208: {  	v16 =	vcvt.f32.s32 v16;
	v6 =	vsub.s32 v6, v15  }
0x209: {  	v12 =	vcvt.f32.s32 v12;
	v7 =	vsub.s32 v7, v11  }
0x20a: {  	v60 =	vcvt.f32.s32 v14;
	v8 =	vsub.s32 v8, v16  }
0x20b: {  	v61 =	vsel vm0, v4, v3;
	v10 =	vcvt.f32.s32 v10;
	v9 =	vsub.s32 v9, v12  }
0x20c: {  	v62 =	vsel vm1, v4, v3;
	v13 =	vcvt.f32.s32 v13;
	v11 =	vsub.s32 v61, v60  }
0x20d: {  	v63 =	vsel vm2, v4, v3;
	v10 =	vsub.s32 v62, v10;
	[tilespmem:v6+s1+$0x0] =	vst.idx.add.f32.msk $0xffff, v5  }
0x20e: {  	v6 =	vsub.s32 v63, v13;
	[tilespmem:v7+s1+$0x0] =	vst.idx.add.f32.msk $0xffff, v5  }
0x20f: {  	[tilespmem:v8+s1+$0x0] =	vst.idx.add.f32.msk $0xffff, v5  }
0x210: {  	[tilespmem:v9+s1+$0x0] =	vst.idx.add.f32.msk $0xffff, v5  }
0x211: {  	[tilespmem:v11+s1+$0x0] =	vst.idx.add.f32.msk $0xffff, v5  }
0x212: {  	s0 =	simm.s32 $0x10000;
	[tilespmem:v10+s1+$0x0] =	vst.idx.add.f32.msk $0xffff, v5  }
0x213: {  	s2 =	simm.s32 $0x10;
	s30 =	sadd.s32 $0x0, s15;
	s29 =	simm.s32 $0x10100;
	[tilespmem:v6+s1+$0x0] =	vst.idx.add.f32.msk $0xffff, v5  }
.LBB2_38:
0x214: {  	[tilespmem:s0], [sflag:$0x1] =	stream.linear.gather [hbm4b:s30+s1], $0x80, $0x38;
	[tilespmem:$0x19000] =	vst v63  }
0x215: {  	s30 =	smov.u32 s2;
	s0 =	smov.u32 s29;
	p0 =	sne.s32 s2, $0x3F0  }
.Ltmp18:
0x216: {  	s2 =	sadd.s32 $0x10, s2;
	(pc) =	sbr.rel @p0 .LBB2_38-.Ltmp18, $2  }
0x217: {  	_ =	sdelay $0x2  }
0x218: {  	s29 =	sadd.s32 $0x100, s29;
	s30 =	sadd.s32 s30, s15  }
0x219: {  	[tilespmem:s0], [sflag:$0x1] =	stream.linear.gather [hbm4b:s30+s1], $0x80, $0x38;
	[tilespmem:$0x19000] =	vst v63  }
0x21a: {  	s0 =	simm.s32 $0x14000  }
0x21b: {  	s2 =	simm.s32 $0x10;
	s30 =	sadd.s32 $0x0, s16;
	s29 =	simm.s32 $0x14100  }
.LBB2_40:
0x21c: {  	[tilespmem:s0], [sflag:$0x1] =	stream.linear.gather [hbm4b:s30+s1], $0x80, $0x38;
	[tilespmem:$0x19000] =	vst v63  }
0x21d: {  	s30 =	smov.u32 s2;
	s0 =	smov.u32 s29;
	p0 =	sne.s32 s2, $0x3F0  }
.Ltmp19:
0x21e: {  	s2 =	sadd.s32 $0x10, s2;
	(pc) =	sbr.rel @p0 .LBB2_40-.Ltmp19, $2  }
0x21f: {  	_ =	sdelay $0x2  }
0x220: {  	s29 =	sadd.s32 $0x100, s29;
	s30 =	sadd.s32 s30, s16  }
0x221: {  	[tilespmem:s0], [sflag:$0x1] =	stream.linear.gather [hbm4b:s30+s1], $0x80, $0x38;
	[tilespmem:$0x19000] =	vst v63  }
0x222: {  	_ =	swait.ge [sflag:s22], $0x2000  }
0x223: {  	[sflag:s22] =	ssyncset.done $0x0  }
0x224: {  	[sflag:s22] =	ssyncadd.s32 $0xFFFFE000  }
0x225: {  	_ =	swait.ge [sflag:s22], $0x2000  }
0x226: {  	[sflag:s22] =	ssyncset.done $0x0  }
0x227: {  	s31 =	simm.s32 $0x140F0;
	[sflag:s22] =	ssyncadd.s32 $0xFFFFE000  }
0x228: {  	v6 =	vld [tilespmem:s31+$0x0]  }
0x229: {  	v7 =	vld [tilespmem:s31+$0xFFFFFF90]  }
0x22a: {  	v9 =	vld [tilespmem:s31+$0xFFFFFFA0]  }
0x22b: {  	v10 =	vld [tilespmem:s31+$0xFFFFFFB0]  }
0x22c: {  	v11 =	vld [tilespmem:s31+$0xFFFFFFC0]  }
0x22d: {  	v14 =	vld [tilespmem:s31+$0xFFFFFFE0]  }
0x22e: {  	s29 =	simm.s32 $0x100F0  }
0x22f: {  	v8 =	vld [tilespmem:s29+$0x0]  }
0x230: {  	v16 =	vld [tilespmem:s29+$0xFFFFFFA0]  }
0x231: {  	v22 =	vld [tilespmem:s29+$0xFFFFFF90];
	vm6 =	vgt.s32 v6, $0x0;
	vm0 =	vgt.s32 v7, $0x0;
	vm3 =	vgt.s32 v9, $0x0  }
0x232: {  	v7 =	vld [tilespmem:s31+$0xFFFFFFD0];
	vm5 =	vgt.s32 v10, $0x0;
	vm4 =	vgt.s32 v11, $0x0;
	vm1 =	vgt.s32 v14, $0x0  }
0x233: {  	v9 =	vld [tilespmem:s31+$0xFFFFFFF0];
	v6 =	vsel vm6, $0xC32AAAAB, v1;
	v12 =	vsel vm0, $0xC32AAAAB, v1;
	v13 =	vsel vm0, $0x448AAAAB, v2  }
0x234: {  	v11 =	vld [tilespmem:s29+$0xFFFFFFC0];
	v15 =	vsel vm6, $0x448AAAAB, v2;
	v17 =	vsel vm3, $0xC32AAAAB, v1;
	v10 =	vsel vm3, $0x448AAAAB, v2  }
0x235: {  	v18 =	vsel vm5, $0xC32AAAAB, v1;
	v19 =	vsel vm4, $0xC32AAAAB, v1;
	v8 =	vmul.f32 v6, v8  }
0x236: {  	v21 =	vsel vm1, $0xC32AAAAB, v1;
	v23 =	vsel vm5, $0x448AAAAB, v2;
	v12 =	vmul.f32 v12, v22  }
0x237: {  	v14 =	vld [tilespmem:s29+$0xFFFFFFE0];
	v24 =	vsel vm4, $0x448AAAAB, v2;
	v6 =	vsel vm0, v4, v3;
	v8 =	vadd.f32 v8, v15  }
0x238: {  	v15 =	vld [tilespmem:s29+$0xFFFFFFB0];
	v12 =	vadd.f32 v12, v13;
	vm0 =	vgt.s32 v7, $0x0;
	vm2 =	vgt.s32 v9, $0x0  }
0x239: {  	v9 =	vmul.f32 v17, v16;
	v16 =	vld [tilespmem:s29+$0xFFFFFFF0];
	v11 =	vmul.f32 v19, v11;
	v19 =	vsel vm1, $0x448AAAAB, v2  }
0x23a: {  	v7 =	vmax.f32 v8, $0.0e+00;
	v8 =	vld [tilespmem:s29+$0xFFFFFFD0];
	v20 =	vsel vm0, $0xC32AAAAB, v1;
	v17 =	vsel vm2, $0xC32AAAAB, v1  }
0x23b: {  	v12 =	vmax.f32 v12, $0.0e+00;
	v7 =	vmin.f32 v7, $2.047500000e+03;
	v9 =	vadd.f32 v9, v10  }
0x23c: {  	v10 =	vmul.f32 v21, v14;
	v14 =	vsel vm2, $0x448AAAAB, v2;
	v7 =	vtrunc.f32 v7  }
0x23d: {  	v11 =	vadd.f32 v11, v24;
	v7 =	vcvt.f32.s32 v7;
	v15 =	vmul.f32 v18, v15  }
0x23e: {  	v18 =	vsel vm6, v4, v3;
	v9 =	vmax.f32 v9, $0.0e+00;
	v16 =	vmul.f32 v17, v16  }
0x23f: {  	v11 =	vmax.f32 v11, $0.0e+00;
	v8 =	vmul.f32 v20, v8;
	v15 =	vadd.f32 v15, v23  }
0x240: {  	v18 =	vsub.s32 v18, v7;
	v7 =	vsel vm0, $0x448AAAAB, v2;
	v14 =	vadd.f32 v16, v14  }
0x241: {  	v7 =	vadd.f32 v8, v7;
	v8 =	vadd.f32 v10, v19;
	v10 =	vmax.f32 v15, $0.0e+00  }
0x242: {  	v9 =	vmin.f32 v9, $2.047500000e+03;
	v13 =	vmax.f32 v14, $0.0e+00;
	v10 =	vmin.f32 v10, $2.047500000e+03  }
0x243: {  	v14 =	vmin.f32 v11, $2.047500000e+03;
	v11 =	vmin.f32 v12, $2.047500000e+03;
	v7 =	vmax.f32 v7, $0.0e+00  }
0x244: {  	v8 =	vmax.f32 v8, $0.0e+00;
	v19 =	vtrunc.f32 v11;
	v11 =	vtrunc.f32 v9  }
0x245: {  	v13 =	vmin.f32 v13, $2.047500000e+03;
	v16 =	vtrunc.f32 v10;
	v12 =	vtrunc.f32 v14  }
0x246: {  	v9 =	vsel vm4, v4, v3;
	v15 =	vmin.f32 v7, $2.047500000e+03;
	v17 =	vmin.f32 v8, $2.047500000e+03  }
0x247: {  	v7 =	vsel vm3, v4, v3;
	v13 =	vtrunc.f32 v13;
	v14 =	vtrunc.f32 v15  }
0x248: {  	s0 =	simm.s32 $0x0;
	s2 =	simm.s32 $0x141F0;
	v8 =	vsel vm5, v4, v3;
	[tilespmem:v18+s1+$0x0] =	vst.idx.add.f32.msk $0xffff, v5;
	v10 =	vtrunc.f32 v17;
	v15 =	vcvt.f32.s32 v19  }
.LBB2_42:
0x249: {  	v17 =	vld [tilespmem:s2+$0x0];
	s0 =	sadd.s32 $0x80, s0;
	v11 =	vcvt.f32.s32 v11;
	v16 =	vcvt.f32.s32 v16;
	v18 =	vsel vm0, v4, v3  }
0x24a: {  	v12 =	vcvt.f32.s32 v12;
	v14 =	vcvt.f32.s32 v14;
	v20 =	vsel vm1, v4, v3;
	s29 =	sadd.s32 $0x100, s29;
	v19 =	vld [tilespmem:s2+$0xFFFFFF90];
	p0 =	slt.u32 s0, $0x1F80  }
0x24b: {  	v10 =	vcvt.f32.s32 v10;
	v13 =	vcvt.f32.s32 v13;
	v22 =	vsel vm2, v4, v3;
	v21 =	vld [tilespmem:s29+$0x0]  }
0x24c: {  	v15 =	vsub.s32 v6, v15;
	v7 =	vsub.s32 v7, v11;
	v8 =	vsub.s32 v8, v16;
	v23 =	vld [tilespmem:s2+$0xFFFFFFA0]  }
0x24d: {  	v9 =	vsub.s32 v9, v12;
	v12 =	vsub.s32 v18, v14;
	v10 =	vsub.s32 v20, v10;
	v11 =	vld [tilespmem:s2+$0xFFFFFFB0]  }
0x24e: {  	v13 =	vsub.s32 v22, v13;
	v14 =	vld [tilespmem:s2+$0xFFFFFFC0];
	vm6 =	vgt.s32 v17, $0x0  }
0x24f: {  	vm0 =	vgt.s32 v19, $0x0;
	v16 =	vld [tilespmem:s2+$0xFFFFFFD0];
	v6 =	vsel vm6, $0xC32AAAAB, v1  }
0x250: {  	v17 =	vsel vm0, $0xC32AAAAB, v1;
	v18 =	vsel vm0, $0x448AAAAB, v2;
	v19 =	vld [tilespmem:s2+$0xFFFFFFE0];
	v20 =	vmul.f32 v6, v21  }
0x251: {  	v22 =	vsel vm6, $0x448AAAAB, v2;
	v6 =	vsel vm0, v4, v3;
	vm3 =	vgt.s32 v23, $0x0;
	v21 =	vld [tilespmem:s2+$0xFFFFFFF0]  }
0x252: {  	v23 =	vld [tilespmem:s29+$0xFFFFFFA0];
	v24 =	vsel vm3, $0xC32AAAAB, v1;
	vm4 =	vgt.s32 v11, $0x0;
	v11 =	vadd.f32 v20, v22  }
0x253: {  	v20 =	vsel vm3, $0x448AAAAB, v2;
	v22 =	vld [tilespmem:s29+$0xFFFFFFB0];
	v25 =	vsel vm4, $0xC32AAAAB, v1;
	vm5 =	vgt.s32 v14, $0x0  }
0x254: {  	v14 =	vld [tilespmem:s29+$0xFFFFFFC0];
	v26 =	vsel vm5, $0xC32AAAAB, v1;
	vm0 =	vgt.s32 v16, $0x0;
	v11 =	vmax.f32 v11, $0.0e+00  }
0x255: {  	v16 =	vld [tilespmem:s29+$0xFFFFFFD0];
	v27 =	vsel vm0, $0xC32AAAAB, v1;
	vm1 =	vgt.s32 v19, $0x0;
	v11 =	vmin.f32 v11, $2.047500000e+03  }
0x256: {  	v19 =	vld [tilespmem:s29+$0xFFFFFFE0];
	v28 =	vsel vm1, $0xC32AAAAB, v1;
	vm2 =	vgt.s32 v21, $0x0;
	v11 =	vtrunc.f32 v11  }
0x257: {  	v21 =	vmul.f32 v24, v23;
	v23 =	vld [tilespmem:s29+$0xFFFFFFF0];
	v24 =	vsel vm2, $0xC32AAAAB, v1;
	v11 =	vcvt.f32.s32 v11  }
0x258: {  	v30 =	vsel vm4, $0x448AAAAB, v2;
	v29 =	vld [tilespmem:s29+$0xFFFFFF90];
	v22 =	vmul.f32 v25, v22;
	v25 =	vsel vm6, v4, v3  }
0x259: {  	v31 =	vsel vm5, $0x448AAAAB, v2;
	v14 =	vmul.f32 v26, v14;
	v11 =	vsub.s32 v25, v11;
	[tilespmem:v15+s1+$0x0] =	vst.idx.add.f32.msk $0xffff, v5  }
0x25a: {  	v15 =	vsel vm0, $0x448AAAAB, v2;
	v25 =	vsel vm1, $0x448AAAAB, v2;
	v16 =	vmul.f32 v27, v16;
	[tilespmem:v7+s1+$0x0] =	vst.idx.add.f32.msk $0xffff, v5  }
0x25b: {  	v7 =	vadd.f32 v21, v20;
	v20 =	vsel vm2, $0x448AAAAB, v2;
	v19 =	vmul.f32 v28, v19;
	[tilespmem:v8+s1+$0x0] =	vst.idx.add.f32.msk $0xffff, v5  }
0x25c: {  	v8 =	vadd.f32 v22, v30;
	v14 =	vadd.f32 v14, v31;
	v21 =	vmul.f32 v24, v23  }
0x25d: {  	v15 =	vadd.f32 v16, v15;
	v17 =	vmul.f32 v17, v29;
	v16 =	vadd.f32 v19, v25  }
0x25e: {  	v7 =	vmax.f32 v7, $0.0e+00;
	v8 =	vmax.f32 v8, $0.0e+00;
	v19 =	vadd.f32 v21, v20;
	[tilespmem:v11+s1+$0x0] =	vst.idx.add.f32.msk $0xffff, v5  }
0x25f: {  	v14 =	vmax.f32 v14, $0.0e+00;
	v15 =	vmax.f32 v15, $0.0e+00;
	v11 =	vadd.f32 v17, v18;
	[tilespmem:v9+s1+$0x0] =	vst.idx.add.f32.msk $0xffff, v5  }
0x260: {  	v7 =	vmin.f32 v7, $2.047500000e+03;
	v9 =	vmax.f32 v16, $0.0e+00;
	v16 =	vmax.f32 v19, $0.0e+00;
	[tilespmem:v12+s1+$0x0] =	vst.idx.add.f32.msk $0xffff, v5  }
0x261: {  	v8 =	vmin.f32 v8, $2.047500000e+03;
	v12 =	vmin.f32 v14, $2.047500000e+03;
	v11 =	vmax.f32 v11, $0.0e+00;
	[tilespmem:v10+s1+$0x0] =	vst.idx.add.f32.msk $0xffff, v5  }
.Ltmp20:
0x262: {  	v14 =	vmin.f32 v15, $2.047500000e+03;
	v9 =	vmin.f32 v9, $2.047500000e+03;
	v10 =	vmin.f32 v11, $2.047500000e+03;
	[tilespmem:v13+s1+$0x0] =	vst.idx.add.f32.msk $0xffff, v5;
	(pc) =	sbr.rel @p0 .LBB2_42-.Ltmp20, $4  }
0x263: {  	v17 =	vmin.f32 v16, $2.047500000e+03;
	v11 =	vtrunc.f32 v7;
	v13 =	vtrunc.f32 v10  }
0x264: {  	v16 =	vtrunc.f32 v8;
	v12 =	vtrunc.f32 v12;
	v7 =	vsel vm3, v4, v3  }
0x265: {  	v8 =	vsel vm4, v4, v3;
	v14 =	vtrunc.f32 v14;
	v10 =	vtrunc.f32 v9  }
0x266: {  	s2 =	sadd.s32 $0x100, s2;
	v9 =	vsel vm5, v4, v3;
	v15 =	vcvt.f32.s32 v13;
	v13 =	vtrunc.f32 v17  }
0x267: {  	v11 =	vcvt.f32.s32 v11  }
0x268: {  	v16 =	vcvt.f32.s32 v16;
	v6 =	vsub.s32 v6, v15  }
0x269: {  	v12 =	vcvt.f32.s32 v12;
	v7 =	vsub.s32 v7, v11  }
0x26a: {  	v60 =	vcvt.f32.s32 v14;
	v8 =	vsub.s32 v8, v16  }
0x26b: {  	v61 =	vsel vm0, v4, v3;
	v10 =	vcvt.f32.s32 v10;
	v9 =	vsub.s32 v9, v12  }
0x26c: {  	v62 =	vsel vm1, v4, v3;
	v13 =	vcvt.f32.s32 v13;
	v11 =	vsub.s32 v61, v60  }
0x26d: {  	v63 =	vsel vm2, v4, v3;
	v10 =	vsub.s32 v62, v10;
	[tilespmem:v6+s1+$0x0] =	vst.idx.add.f32.msk $0xffff, v5  }
0x26e: {  	v6 =	vsub.s32 v63, v13;
	[tilespmem:v7+s1+$0x0] =	vst.idx.add.f32.msk $0xffff, v5  }
0x26f: {  	[tilespmem:v8+s1+$0x0] =	vst.idx.add.f32.msk $0xffff, v5  }
0x270: {  	[tilespmem:v9+s1+$0x0] =	vst.idx.add.f32.msk $0xffff, v5  }
0x271: {  	[tilespmem:v11+s1+$0x0] =	vst.idx.add.f32.msk $0xffff, v5  }
0x272: {  	s0 =	simm.s32 $0x10080;
	[tilespmem:v10+s1+$0x0] =	vst.idx.add.f32.msk $0xffff, v5  }
0x273: {  	s2 =	simm.s32 $0x10;
	s30 =	sadd.s32 $0x0, s17;
	s29 =	simm.s32 $0x10180;
	[tilespmem:v6+s1+$0x0] =	vst.idx.add.f32.msk $0xffff, v5  }
.LBB2_44:
0x274: {  	[tilespmem:s0], [sflag:$0x2] =	stream.linear.gather [hbm4b:s30+s1], $0x80, $0x38;
	[tilespmem:$0x19000] =	vst v63  }
0x275: {  	s30 =	smov.u32 s2;
	s0 =	smov.u32 s29;
	p0 =	sne.s32 s2, $0x3F0  }
.Ltmp21:
0x276: {  	s2 =	sadd.s32 $0x10, s2;
	(pc) =	sbr.rel @p0 .LBB2_44-.Ltmp21, $2  }
0x277: {  	_ =	sdelay $0x2  }
0x278: {  	s29 =	sadd.s32 $0x100, s29;
	s30 =	sadd.s32 s30, s17  }
0x279: {  	[tilespmem:s0], [sflag:$0x2] =	stream.linear.gather [hbm4b:s30+s1], $0x80, $0x38;
	[tilespmem:$0x19000] =	vst v63  }
0x27a: {  	s0 =	simm.s32 $0x14080  }
0x27b: {  	s2 =	simm.s32 $0x10;
	s30 =	sadd.s32 $0x0, s18;
	s29 =	simm.s32 $0x14180  }
.LBB2_46:
0x27c: {  	[tilespmem:s0], [sflag:$0x2] =	stream.linear.gather [hbm4b:s30+s1], $0x80, $0x38;
	[tilespmem:$0x19000] =	vst v63  }
0x27d: {  	s30 =	smov.u32 s2;
	s0 =	smov.u32 s29;
	p0 =	sne.s32 s2, $0x3F0  }
.Ltmp22:
0x27e: {  	s2 =	sadd.s32 $0x10, s2;
	(pc) =	sbr.rel @p0 .LBB2_46-.Ltmp22, $2  }
0x27f: {  	_ =	sdelay $0x2  }
0x280: {  	s29 =	sadd.s32 $0x100, s29;
	s30 =	sadd.s32 s30, s18  }
0x281: {  	[tilespmem:s0], [sflag:$0x2] =	stream.linear.gather [hbm4b:s30+s1], $0x80, $0x38;
	[tilespmem:$0x19000] =	vst v63  }
0x282: {  	_ =	swait.ge [sflag:s21], $0x2000  }
0x283: {  	[sflag:s21] =	ssyncset.done $0x0  }
0x284: {  	[sflag:s21] =	ssyncadd.s32 $0xFFFFE000  }
0x285: {  	_ =	swait.ge [sflag:s21], $0x2000  }
0x286: {  	[sflag:s21] =	ssyncset.done $0x0  }
0x287: {  	s31 =	simm.s32 $0x14040;
	[sflag:s21] =	ssyncadd.s32 $0xFFFFE000  }
0x288: {  	v6 =	vld [tilespmem:s31+$0x30]  }
0x289: {  	v7 =	vld [tilespmem:s31+$0xFFFFFFC0]  }
0x28a: {  	v9 =	vld [tilespmem:s31+$0xFFFFFFD0]  }
0x28b: {  	v10 =	vld [tilespmem:s31+$0xFFFFFFE0]  }
0x28c: {  	v11 =	vld [tilespmem:s31+$0xFFFFFFF0]  }
0x28d: {  	v14 =	vld [tilespmem:s31+$0x10]  }
0x28e: {  	s29 =	simm.s32 $0x10040  }
0x28f: {  	v8 =	vld [tilespmem:s29+$0x30]  }
0x290: {  	v16 =	vld [tilespmem:s29+$0xFFFFFFD0]  }
0x291: {  	v22 =	vld [tilespmem:s29+$0xFFFFFFC0];
	vm6 =	vgt.s32 v6, $0x0;
	vm0 =	vgt.s32 v7, $0x0;
	vm3 =	vgt.s32 v9, $0x0  }
0x292: {  	v7 =	vld [tilespmem:s31+$0x0];
	vm5 =	vgt.s32 v10, $0x0;
	vm4 =	vgt.s32 v11, $0x0;
	vm1 =	vgt.s32 v14, $0x0  }
0x293: {  	v9 =	vld [tilespmem:s31+$0x20];
	v6 =	vsel vm6, $0xC32AAAAB, v1;
	v12 =	vsel vm0, $0xC32AAAAB, v1;
	v13 =	vsel vm0, $0x448AAAAB, v2  }
0x294: {  	v11 =	vld [tilespmem:s29+$0xFFFFFFF0];
	v15 =	vsel vm6, $0x448AAAAB, v2;
	v17 =	vsel vm3, $0xC32AAAAB, v1;
	v10 =	vsel vm3, $0x448AAAAB, v2  }
0x295: {  	v18 =	vsel vm5, $0xC32AAAAB, v1;
	v19 =	vsel vm4, $0xC32AAAAB, v1;
	v8 =	vmul.f32 v6, v8  }
0x296: {  	v21 =	vsel vm1, $0xC32AAAAB, v1;
	v23 =	vsel vm5, $0x448AAAAB, v2;
	v12 =	vmul.f32 v12, v22  }
0x297: {  	v14 =	vld [tilespmem:s29+$0x10];
	v24 =	vsel vm4, $0x448AAAAB, v2;
	v6 =	vsel vm0, v4, v3;
	v8 =	vadd.f32 v8, v15  }
0x298: {  	v15 =	vld [tilespmem:s29+$0xFFFFFFE0];
	v12 =	vadd.f32 v12, v13;
	vm0 =	vgt.s32 v7, $0x0;
	vm2 =	vgt.s32 v9, $0x0  }
0x299: {  	v9 =	vmul.f32 v17, v16;
	v16 =	vld [tilespmem:s29+$0x20];
	v11 =	vmul.f32 v19, v11;
	v19 =	vsel vm1, $0x448AAAAB, v2  }
0x29a: {  	v7 =	vmax.f32 v8, $0.0e+00;
	v8 =	vld [tilespmem:s29+$0x0];
	v20 =	vsel vm0, $0xC32AAAAB, v1;
	v17 =	vsel vm2, $0xC32AAAAB, v1  }
0x29b: {  	v12 =	vmax.f32 v12, $0.0e+00;
	v7 =	vmin.f32 v7, $2.047500000e+03;
	v9 =	vadd.f32 v9, v10  }
0x29c: {  	v10 =	vmul.f32 v21, v14;
	v14 =	vsel vm2, $0x448AAAAB, v2;
	v7 =	vtrunc.f32 v7  }
0x29d: {  	v11 =	vadd.f32 v11, v24;
	v7 =	vcvt.f32.s32 v7;
	v15 =	vmul.f32 v18, v15  }
0x29e: {  	v18 =	vsel vm6, v4, v3;
	v9 =	vmax.f32 v9, $0.0e+00;
	v16 =	vmul.f32 v17, v16  }
0x29f: {  	v11 =	vmax.f32 v11, $0.0e+00;
	v8 =	vmul.f32 v20, v8;
	v15 =	vadd.f32 v15, v23  }
0x2a0: {  	v18 =	vsub.s32 v18, v7;
	v7 =	vsel vm0, $0x448AAAAB, v2;
	v14 =	vadd.f32 v16, v14  }
0x2a1: {  	v7 =	vadd.f32 v8, v7;
	v8 =	vadd.f32 v10, v19;
	v10 =	vmax.f32 v15, $0.0e+00  }
0x2a2: {  	v9 =	vmin.f32 v9, $2.047500000e+03;
	v13 =	vmax.f32 v14, $0.0e+00;
	v10 =	vmin.f32 v10, $2.047500000e+03  }
0x2a3: {  	v14 =	vmin.f32 v11, $2.047500000e+03;
	v11 =	vmin.f32 v12, $2.047500000e+03;
	v7 =	vmax.f32 v7, $0.0e+00  }
0x2a4: {  	v8 =	vmax.f32 v8, $0.0e+00;
	v19 =	vtrunc.f32 v11;
	v11 =	vtrunc.f32 v9  }
0x2a5: {  	v13 =	vmin.f32 v13, $2.047500000e+03;
	v16 =	vtrunc.f32 v10;
	v12 =	vtrunc.f32 v14  }
0x2a6: {  	v9 =	vsel vm4, v4, v3;
	v15 =	vmin.f32 v7, $2.047500000e+03;
	v17 =	vmin.f32 v8, $2.047500000e+03  }
0x2a7: {  	v7 =	vsel vm3, v4, v3;
	v13 =	vtrunc.f32 v13;
	v14 =	vtrunc.f32 v15  }
0x2a8: {  	s0 =	simm.s32 $0x0;
	s2 =	simm.s32 $0x14140;
	v8 =	vsel vm5, v4, v3;
	[tilespmem:v18+s1+$0x0] =	vst.idx.add.f32.msk $0xffff, v5;
	v10 =	vtrunc.f32 v17;
	v15 =	vcvt.f32.s32 v19  }
.LBB2_48:
0x2a9: {  	v17 =	vld [tilespmem:s2+$0x30];
	s0 =	sadd.s32 $0x80, s0;
	v11 =	vcvt.f32.s32 v11;
	v16 =	vcvt.f32.s32 v16;
	v18 =	vsel vm0, v4, v3  }
0x2aa: {  	v12 =	vcvt.f32.s32 v12;
	v14 =	vcvt.f32.s32 v14;
	v20 =	vsel vm1, v4, v3;
	s29 =	sadd.s32 $0x100, s29;
	v19 =	vld [tilespmem:s2+$0xFFFFFFC0];
	p0 =	slt.u32 s0, $0x1F80  }
0x2ab: {  	v10 =	vcvt.f32.s32 v10;
	v13 =	vcvt.f32.s32 v13;
	v22 =	vsel vm2, v4, v3;
	v21 =	vld [tilespmem:s29+$0x30]  }
0x2ac: {  	v15 =	vsub.s32 v6, v15;
	v7 =	vsub.s32 v7, v11;
	v8 =	vsub.s32 v8, v16;
	v23 =	vld [tilespmem:s2+$0xFFFFFFD0]  }
0x2ad: {  	v9 =	vsub.s32 v9, v12;
	v12 =	vsub.s32 v18, v14;
	v10 =	vsub.s32 v20, v10;
	v11 =	vld [tilespmem:s2+$0xFFFFFFE0]  }
0x2ae: {  	v13 =	vsub.s32 v22, v13;
	v14 =	vld [tilespmem:s2+$0xFFFFFFF0];
	vm6 =	vgt.s32 v17, $0x0  }
0x2af: {  	vm0 =	vgt.s32 v19, $0x0;
	v16 =	vld [tilespmem:s2+$0x0];
	v6 =	vsel vm6, $0xC32AAAAB, v1  }
0x2b0: {  	v17 =	vsel vm0, $0xC32AAAAB, v1;
	v18 =	vsel vm0, $0x448AAAAB, v2;
	v19 =	vld [tilespmem:s2+$0x10];
	v20 =	vmul.f32 v6, v21  }
0x2b1: {  	v22 =	vsel vm6, $0x448AAAAB, v2;
	v6 =	vsel vm0, v4, v3;
	vm3 =	vgt.s32 v23, $0x0;
	v21 =	vld [tilespmem:s2+$0x20]  }
0x2b2: {  	v23 =	vld [tilespmem:s29+$0xFFFFFFD0];
	v24 =	vsel vm3, $0xC32AAAAB, v1;
	vm4 =	vgt.s32 v11, $0x0;
	v11 =	vadd.f32 v20, v22  }
0x2b3: {  	v20 =	vsel vm3, $0x448AAAAB, v2;
	v22 =	vld [tilespmem:s29+$0xFFFFFFE0];
	v25 =	vsel vm4, $0xC32AAAAB, v1;
	vm5 =	vgt.s32 v14, $0x0  }
0x2b4: {  	v14 =	vld [tilespmem:s29+$0xFFFFFFF0];
	v26 =	vsel vm5, $0xC32AAAAB, v1;
	vm0 =	vgt.s32 v16, $0x0;
	v11 =	vmax.f32 v11, $0.0e+00  }
0x2b5: {  	v16 =	vld [tilespmem:s29+$0x0];
	v27 =	vsel vm0, $0xC32AAAAB, v1;
	vm1 =	vgt.s32 v19, $0x0;
	v11 =	vmin.f32 v11, $2.047500000e+03  }
0x2b6: {  	v19 =	vld [tilespmem:s29+$0x10];
	v28 =	vsel vm1, $0xC32AAAAB, v1;
	vm2 =	vgt.s32 v21, $0x0;
	v11 =	vtrunc.f32 v11  }
0x2b7: {  	v21 =	vmul.f32 v24, v23;
	v23 =	vld [tilespmem:s29+$0x20];
	v24 =	vsel vm2, $0xC32AAAAB, v1;
	v11 =	vcvt.f32.s32 v11  }
0x2b8: {  	v30 =	vsel vm4, $0x448AAAAB, v2;
	v29 =	vld [tilespmem:s29+$0xFFFFFFC0];
	v22 =	vmul.f32 v25, v22;
	v25 =	vsel vm6, v4, v3  }
0x2b9: {  	v31 =	vsel vm5, $0x448AAAAB, v2;
	v14 =	vmul.f32 v26, v14;
	v11 =	vsub.s32 v25, v11;
	[tilespmem:v15+s1+$0x0] =	vst.idx.add.f32.msk $0xffff, v5  }
0x2ba: {  	v15 =	vsel vm0, $0x448AAAAB, v2;
	v25 =	vsel vm1, $0x448AAAAB, v2;
	v16 =	vmul.f32 v27, v16;
	[tilespmem:v7+s1+$0x0] =	vst.idx.add.f32.msk $0xffff, v5  }
0x2bb: {  	v7 =	vadd.f32 v21, v20;
	v20 =	vsel vm2, $0x448AAAAB, v2;
	v19 =	vmul.f32 v28, v19;
	[tilespmem:v8+s1+$0x0] =	vst.idx.add.f32.msk $0xffff, v5  }
0x2bc: {  	v8 =	vadd.f32 v22, v30;
	v14 =	vadd.f32 v14, v31;
	v21 =	vmul.f32 v24, v23  }
0x2bd: {  	v15 =	vadd.f32 v16, v15;
	v17 =	vmul.f32 v17, v29;
	v16 =	vadd.f32 v19, v25  }
0x2be: {  	v7 =	vmax.f32 v7, $0.0e+00;
	v8 =	vmax.f32 v8, $0.0e+00;
	v19 =	vadd.f32 v21, v20;
	[tilespmem:v11+s1+$0x0] =	vst.idx.add.f32.msk $0xffff, v5  }
0x2bf: {  	v14 =	vmax.f32 v14, $0.0e+00;
	v15 =	vmax.f32 v15, $0.0e+00;
	v11 =	vadd.f32 v17, v18;
	[tilespmem:v9+s1+$0x0] =	vst.idx.add.f32.msk $0xffff, v5  }
0x2c0: {  	v7 =	vmin.f32 v7, $2.047500000e+03;
	v9 =	vmax.f32 v16, $0.0e+00;
	v16 =	vmax.f32 v19, $0.0e+00;
	[tilespmem:v12+s1+$0x0] =	vst.idx.add.f32.msk $0xffff, v5  }
0x2c1: {  	v8 =	vmin.f32 v8, $2.047500000e+03;
	v12 =	vmin.f32 v14, $2.047500000e+03;
	v11 =	vmax.f32 v11, $0.0e+00;
	[tilespmem:v10+s1+$0x0] =	vst.idx.add.f32.msk $0xffff, v5  }
.Ltmp23:
0x2c2: {  	v14 =	vmin.f32 v15, $2.047500000e+03;
	v9 =	vmin.f32 v9, $2.047500000e+03;
	v10 =	vmin.f32 v11, $2.047500000e+03;
	[tilespmem:v13+s1+$0x0] =	vst.idx.add.f32.msk $0xffff, v5;
	(pc) =	sbr.rel @p0 .LBB2_48-.Ltmp23, $4  }
0x2c3: {  	v17 =	vmin.f32 v16, $2.047500000e+03;
	v11 =	vtrunc.f32 v7;
	v13 =	vtrunc.f32 v10  }
0x2c4: {  	v16 =	vtrunc.f32 v8;
	v12 =	vtrunc.f32 v12;
	v7 =	vsel vm3, v4, v3  }
0x2c5: {  	v8 =	vsel vm4, v4, v3;
	v14 =	vtrunc.f32 v14;
	v10 =	vtrunc.f32 v9  }
0x2c6: {  	s2 =	sadd.s32 $0x100, s2;
	v9 =	vsel vm5, v4, v3;
	v15 =	vcvt.f32.s32 v13;
	v13 =	vtrunc.f32 v17  }
0x2c7: {  	v11 =	vcvt.f32.s32 v11  }
0x2c8: {  	v16 =	vcvt.f32.s32 v16;
	v6 =	vsub.s32 v6, v15  }
0x2c9: {  	v12 =	vcvt.f32.s32 v12;
	v7 =	vsub.s32 v7, v11  }
0x2ca: {  	v10 =	vcvt.f32.s32 v10;
	v8 =	vsub.s32 v8, v16  }
0x2cb: {  	v11 =	vcvt.f32.s32 v14;
	v9 =	vsub.s32 v9, v12;
	v12 =	vsel vm1, v4, v3  }
0x2cc: {  	v13 =	vcvt.f32.s32 v13;
	v14 =	vsel vm0, v4, v3;
	v10 =	vsub.s32 v12, v10  }
0x2cd: {  	v11 =	vsub.s32 v14, v11;
	v14 =	vsel vm2, v4, v3;
	[tilespmem:v6+s1+$0x0] =	vst.idx.add.f32.msk $0xffff, v5  }
0x2ce: {  	v6 =	vsub.s32 v14, v13;
	[tilespmem:v7+s1+$0x0] =	vst.idx.add.f32.msk $0xffff, v5  }
0x2cf: {  	[tilespmem:v8+s1+$0x0] =	vst.idx.add.f32.msk $0xffff, v5  }
0x2d0: {  	[tilespmem:v9+s1+$0x0] =	vst.idx.add.f32.msk $0xffff, v5  }
0x2d1: {  	[tilespmem:v10+s1+$0x0] =	vst.idx.add.f32.msk $0xffff, v5  }
0x2d2: {  	[tilespmem:v11+s1+$0x0] =	vst.idx.add.f32.msk $0xffff, v5  }
0x2d3: {  	[tilespmem:v6+s1+$0x0] =	vst.idx.add.f32.msk $0xffff, v5  }
0x2d4: {  	_ =	swait.ge [sflag:s22], $0x2000  }
0x2d5: {  	[sflag:s22] =	ssyncset.done $0x0  }
0x2d6: {  	[sflag:s22] =	ssyncadd.s32 $0xFFFFE000  }
0x2d7: {  	_ =	swait.ge [sflag:s22], $0x2000  }
0x2d8: {  	[sflag:s22] =	ssyncset.done $0x0  }
0x2d9: {  	s0 =	simm.s32 $0x140F0;
	[sflag:s22] =	ssyncadd.s32 $0xFFFFE000  }
0x2da: {  	v6 =	vld [tilespmem:s0+$0x0]  }
0x2db: {  	v7 =	vld [tilespmem:s0+$0xFFFFFF90]  }
0x2dc: {  	v9 =	vld [tilespmem:s0+$0xFFFFFFA0]  }
0x2dd: {  	v10 =	vld [tilespmem:s0+$0xFFFFFFB0]  }
0x2de: {  	v11 =	vld [tilespmem:s0+$0xFFFFFFC0]  }
0x2df: {  	v14 =	vld [tilespmem:s0+$0xFFFFFFE0]  }
0x2e0: {  	s29 =	simm.s32 $0x100F0  }
0x2e1: {  	v8 =	vld [tilespmem:s29+$0x0]  }
0x2e2: {  	v16 =	vld [tilespmem:s29+$0xFFFFFFA0]  }
0x2e3: {  	v22 =	vld [tilespmem:s29+$0xFFFFFF90];
	vm6 =	vgt.s32 v6, $0x0;
	vm0 =	vgt.s32 v7, $0x0;
	vm3 =	vgt.s32 v9, $0x0  }
0x2e4: {  	v7 =	vld [tilespmem:s0+$0xFFFFFFD0];
	vm5 =	vgt.s32 v10, $0x0;
	vm4 =	vgt.s32 v11, $0x0;
	vm1 =	vgt.s32 v14, $0x0  }
0x2e5: {  	v9 =	vld [tilespmem:s0+$0xFFFFFFF0];
	v6 =	vsel vm6, $0xC32AAAAB, v1;
	v12 =	vsel vm0, $0xC32AAAAB, v1;
	v13 =	vsel vm0, $0x448AAAAB, v2  }
0x2e6: {  	v11 =	vld [tilespmem:s29+$0xFFFFFFC0];
	v15 =	vsel vm6, $0x448AAAAB, v2;
	v17 =	vsel vm3, $0xC32AAAAB, v1;
	v10 =	vsel vm3, $0x448AAAAB, v2  }
0x2e7: {  	v18 =	vsel vm5, $0xC32AAAAB, v1;
	v19 =	vsel vm4, $0xC32AAAAB, v1;
	v8 =	vmul.f32 v6, v8  }
0x2e8: {  	v21 =	vsel vm1, $0xC32AAAAB, v1;
	v23 =	vsel vm5, $0x448AAAAB, v2;
	v12 =	vmul.f32 v12, v22  }
0x2e9: {  	v14 =	vld [tilespmem:s29+$0xFFFFFFE0];
	v24 =	vsel vm4, $0x448AAAAB, v2;
	v6 =	vsel vm0, v4, v3;
	v8 =	vadd.f32 v8, v15  }
0x2ea: {  	v15 =	vld [tilespmem:s29+$0xFFFFFFB0];
	v12 =	vadd.f32 v12, v13;
	vm0 =	vgt.s32 v7, $0x0;
	vm2 =	vgt.s32 v9, $0x0  }
0x2eb: {  	v9 =	vmul.f32 v17, v16;
	v16 =	vld [tilespmem:s29+$0xFFFFFFF0];
	v11 =	vmul.f32 v19, v11;
	v19 =	vsel vm1, $0x448AAAAB, v2  }
0x2ec: {  	v7 =	vmax.f32 v8, $0.0e+00;
	v8 =	vld [tilespmem:s29+$0xFFFFFFD0];
	v20 =	vsel vm0, $0xC32AAAAB, v1;
	v17 =	vsel vm2, $0xC32AAAAB, v1  }
0x2ed: {  	v12 =	vmax.f32 v12, $0.0e+00;
	v7 =	vmin.f32 v7, $2.047500000e+03;
	v9 =	vadd.f32 v9, v10  }
0x2ee: {  	v10 =	vmul.f32 v21, v14;
	v14 =	vsel vm2, $0x448AAAAB, v2;
	v7 =	vtrunc.f32 v7  }
0x2ef: {  	v11 =	vadd.f32 v11, v24;
	v7 =	vcvt.f32.s32 v7;
	v15 =	vmul.f32 v18, v15  }
0x2f0: {  	v18 =	vsel vm6, v4, v3;
	v9 =	vmax.f32 v9, $0.0e+00;
	v16 =	vmul.f32 v17, v16  }
0x2f1: {  	v11 =	vmax.f32 v11, $0.0e+00;
	v8 =	vmul.f32 v20, v8;
	v15 =	vadd.f32 v15, v23  }
0x2f2: {  	v18 =	vsub.s32 v18, v7;
	v7 =	vsel vm0, $0x448AAAAB, v2;
	v14 =	vadd.f32 v16, v14  }
0x2f3: {  	v7 =	vadd.f32 v8, v7;
	v8 =	vadd.f32 v10, v19;
	v10 =	vmax.f32 v15, $0.0e+00  }
0x2f4: {  	v9 =	vmin.f32 v9, $2.047500000e+03;
	v13 =	vmax.f32 v14, $0.0e+00;
	v10 =	vmin.f32 v10, $2.047500000e+03  }
0x2f5: {  	v14 =	vmin.f32 v11, $2.047500000e+03;
	v11 =	vmin.f32 v12, $2.047500000e+03;
	v7 =	vmax.f32 v7, $0.0e+00  }
0x2f6: {  	v8 =	vmax.f32 v8, $0.0e+00;
	v19 =	vtrunc.f32 v11;
	v11 =	vtrunc.f32 v9  }
0x2f7: {  	v13 =	vmin.f32 v13, $2.047500000e+03;
	v16 =	vtrunc.f32 v10;
	v12 =	vtrunc.f32 v14  }
0x2f8: {  	v9 =	vsel vm4, v4, v3;
	v15 =	vmin.f32 v7, $2.047500000e+03;
	v17 =	vmin.f32 v8, $2.047500000e+03  }
0x2f9: {  	s31 =	simm.s32 $0x0;
	v7 =	vsel vm3, v4, v3;
	v13 =	vtrunc.f32 v13;
	v14 =	vtrunc.f32 v15  }
0x2fa: {  	s2 =	simm.s32 $0x141F0;
	s30 =	simm.s32 $0x0;
	s0 =	simm.s32 $0x0;
	v8 =	vsel vm5, v4, v3;
	[tilespmem:v18+s31+$0x0] =	vst.idx.add.f32.msk $0xffff, v5;
	v10 =	vtrunc.f32 v17;
	v15 =	vcvt.f32.s32 v19  }
.LBB2_50:
0x2fb: {  	v17 =	vld [tilespmem:s2+$0x0];
	s0 =	sadd.s32 $0x80, s0;
	v11 =	vcvt.f32.s32 v11;
	v16 =	vcvt.f32.s32 v16;
	v18 =	vsel vm0, v4, v3  }
0x2fc: {  	v12 =	vcvt.f32.s32 v12;
	v14 =	vcvt.f32.s32 v14;
	v20 =	vsel vm1, v4, v3;
	s29 =	sadd.s32 $0x100, s29;
	v19 =	vld [tilespmem:s2+$0xFFFFFF90];
	p0 =	slt.u32 s0, $0x1F80  }
0x2fd: {  	v10 =	vcvt.f32.s32 v10;
	v13 =	vcvt.f32.s32 v13;
	v22 =	vsel vm2, v4, v3;
	v21 =	vld [tilespmem:s29+$0x0]  }
0x2fe: {  	v15 =	vsub.s32 v6, v15;
	v7 =	vsub.s32 v7, v11;
	v8 =	vsub.s32 v8, v16;
	v23 =	vld [tilespmem:s2+$0xFFFFFFA0]  }
0x2ff: {  	v9 =	vsub.s32 v9, v12;
	v12 =	vsub.s32 v18, v14;
	v10 =	vsub.s32 v20, v10;
	v11 =	vld [tilespmem:s2+$0xFFFFFFB0]  }
0x300: {  	v13 =	vsub.s32 v22, v13;
	v14 =	vld [tilespmem:s2+$0xFFFFFFC0];
	vm6 =	vgt.s32 v17, $0x0  }
0x301: {  	vm0 =	vgt.s32 v19, $0x0;
	v16 =	vld [tilespmem:s2+$0xFFFFFFD0];
	v6 =	vsel vm6, $0xC32AAAAB, v1  }
0x302: {  	v17 =	vsel vm0, $0xC32AAAAB, v1;
	v18 =	vsel vm0, $0x448AAAAB, v2;
	v19 =	vld [tilespmem:s2+$0xFFFFFFE0];
	v20 =	vmul.f32 v6, v21  }
0x303: {  	v22 =	vsel vm6, $0x448AAAAB, v2;
	v6 =	vsel vm0, v4, v3;
	vm3 =	vgt.s32 v23, $0x0;
	v21 =	vld [tilespmem:s2+$0xFFFFFFF0]  }
0x304: {  	v23 =	vld [tilespmem:s29+$0xFFFFFFA0];
	v24 =	vsel vm3, $0xC32AAAAB, v1;
	vm4 =	vgt.s32 v11, $0x0;
	v11 =	vadd.f32 v20, v22  }
0x305: {  	v20 =	vsel vm3, $0x448AAAAB, v2;
	v22 =	vld [tilespmem:s29+$0xFFFFFFB0];
	v25 =	vsel vm4, $0xC32AAAAB, v1;
	vm5 =	vgt.s32 v14, $0x0  }
0x306: {  	v14 =	vld [tilespmem:s29+$0xFFFFFFC0];
	v26 =	vsel vm5, $0xC32AAAAB, v1;
	vm0 =	vgt.s32 v16, $0x0;
	v11 =	vmax.f32 v11, $0.0e+00  }
0x307: {  	v16 =	vld [tilespmem:s29+$0xFFFFFFD0];
	v27 =	vsel vm0, $0xC32AAAAB, v1;
	vm1 =	vgt.s32 v19, $0x0;
	v11 =	vmin.f32 v11, $2.047500000e+03  }
0x308: {  	v19 =	vld [tilespmem:s29+$0xFFFFFFE0];
	v28 =	vsel vm1, $0xC32AAAAB, v1;
	vm2 =	vgt.s32 v21, $0x0;
	v11 =	vtrunc.f32 v11  }
0x309: {  	v21 =	vmul.f32 v24, v23;
	v23 =	vld [tilespmem:s29+$0xFFFFFFF0];
	v24 =	vsel vm2, $0xC32AAAAB, v1;
	v11 =	vcvt.f32.s32 v11  }
0x30a: {  	v30 =	vsel vm4, $0x448AAAAB, v2;
	v29 =	vld [tilespmem:s29+$0xFFFFFF90];
	v22 =	vmul.f32 v25, v22;
	v25 =	vsel vm6, v4, v3  }
0x30b: {  	v31 =	vsel vm5, $0x448AAAAB, v2;
	v14 =	vmul.f32 v26, v14;
	v11 =	vsub.s32 v25, v11;
	[tilespmem:v15+s30+$0x0] =	vst.idx.add.f32.msk $0xffff, v5  }
0x30c: {  	v15 =	vsel vm0, $0x448AAAAB, v2;
	v25 =	vsel vm1, $0x448AAAAB, v2;
	v16 =	vmul.f32 v27, v16;
	[tilespmem:v7+s30+$0x0] =	vst.idx.add.f32.msk $0xffff, v5  }
0x30d: {  	v7 =	vadd.f32 v21, v20;
	v20 =	vsel vm2, $0x448AAAAB, v2;
	v19 =	vmul.f32 v28, v19;
	[tilespmem:v8+s30+$0x0] =	vst.idx.add.f32.msk $0xffff, v5  }
0x30e: {  	v8 =	vadd.f32 v22, v30;
	v14 =	vadd.f32 v14, v31;
	v21 =	vmul.f32 v24, v23  }
0x30f: {  	v15 =	vadd.f32 v16, v15;
	v17 =	vmul.f32 v17, v29;
	v16 =	vadd.f32 v19, v25  }
0x310: {  	v7 =	vmax.f32 v7, $0.0e+00;
	v8 =	vmax.f32 v8, $0.0e+00;
	v19 =	vadd.f32 v21, v20;
	[tilespmem:v11+s31+$0x0] =	vst.idx.add.f32.msk $0xffff, v5  }
0x311: {  	v14 =	vmax.f32 v14, $0.0e+00;
	v15 =	vmax.f32 v15, $0.0e+00;
	v11 =	vadd.f32 v17, v18;
	[tilespmem:v9+s30+$0x0] =	vst.idx.add.f32.msk $0xffff, v5  }
0x312: {  	v7 =	vmin.f32 v7, $2.047500000e+03;
	v9 =	vmax.f32 v16, $0.0e+00;
	v16 =	vmax.f32 v19, $0.0e+00;
	[tilespmem:v12+s30+$0x0] =	vst.idx.add.f32.msk $0xffff, v5  }
0x313: {  	v8 =	vmin.f32 v8, $2.047500000e+03;
	v12 =	vmin.f32 v14, $2.047500000e+03;
	v11 =	vmax.f32 v11, $0.0e+00;
	[tilespmem:v10+s30+$0x0] =	vst.idx.add.f32.msk $0xffff, v5  }
.Ltmp24:
0x314: {  	v14 =	vmin.f32 v15, $2.047500000e+03;
	v9 =	vmin.f32 v9, $2.047500000e+03;
	v10 =	vmin.f32 v11, $2.047500000e+03;
	[tilespmem:v13+s30+$0x0] =	vst.idx.add.f32.msk $0xffff, v5;
	s30 =	smov.u32 s31;
	(pc) =	sbr.rel @p0 .LBB2_50-.Ltmp24, $4  }
0x315: {  	v17 =	vmin.f32 v16, $2.047500000e+03;
	v11 =	vtrunc.f32 v7;
	v13 =	vtrunc.f32 v10  }
0x316: {  	v16 =	vtrunc.f32 v8;
	v12 =	vtrunc.f32 v12;
	v7 =	vsel vm3, v4, v3  }
0x317: {  	v8 =	vsel vm4, v4, v3;
	v14 =	vtrunc.f32 v14;
	v10 =	vtrunc.f32 v9  }
0x318: {  	s2 =	sadd.s32 $0x100, s2;
	v9 =	vsel vm5, v4, v3;
	v15 =	vcvt.f32.s32 v13;
	v13 =	vtrunc.f32 v17  }
0x319: {  	v11 =	vcvt.f32.s32 v11  }
0x31a: {  	v16 =	vcvt.f32.s32 v16;
	v6 =	vsub.s32 v6, v15  }
0x31b: {  	v12 =	vcvt.f32.s32 v12;
	v7 =	vsub.s32 v7, v11  }
0x31c: {  	v10 =	vcvt.f32.s32 v10;
	v8 =	vsub.s32 v8, v16  }
0x31d: {  	v11 =	vcvt.f32.s32 v14;
	v9 =	vsub.s32 v9, v12;
	v12 =	vsel vm1, v4, v3  }
0x31e: {  	v13 =	vcvt.f32.s32 v13;
	v14 =	vsel vm0, v4, v3;
	v10 =	vsub.s32 v12, v10  }
0x31f: {  	v11 =	vsub.s32 v14, v11;
	v14 =	vsel vm2, v4, v3;
	[tilespmem:v6+s30+$0x0] =	vst.idx.add.f32.msk $0xffff, v5  }
0x320: {  	v6 =	vsub.s32 v14, v13;
	[tilespmem:v7+s30+$0x0] =	vst.idx.add.f32.msk $0xffff, v5  }
0x321: {  	[tilespmem:v8+s30+$0x0] =	vst.idx.add.f32.msk $0xffff, v5  }
0x322: {  	[tilespmem:v9+s30+$0x0] =	vst.idx.add.f32.msk $0xffff, v5  }
0x323: {  	[tilespmem:v10+s30+$0x0] =	vst.idx.add.f32.msk $0xffff, v5  }
0x324: {  	[tilespmem:v11+s30+$0x0] =	vst.idx.add.f32.msk $0xffff, v5  }
0x325: {  	s29 =	simm.s32 $0x0;
	[tilespmem:v6+s30+$0x0] =	vst.idx.add.f32.msk $0xffff, v5;
	s30 =	simm.s32 $0x0  }
0x326: {  	v6 =	vld [tilespmem:s29+$0x0];
	s0 =	sand.u32 $0xFE0, s30  }
0x327: {  	v7 =	vld [tilespmem:s0+$0x1000]  }
0x328: {  	v8 =	vld [tilespmem:s29+$0x10]  }
0x329: {  	v9 =	vld [tilespmem:s0+$0x2000]  }
0x32a: {  	v10 =	vld [tilespmem:s29+$0x1010]  }
0x32b: {  	v11 =	vld [tilespmem:s0+$0x3000]  }
0x32c: {  	v6 =	vadd.f32 v7, v6;
	v7 =	vld [tilespmem:s29+$0x2010]  }
0x32d: {  	v12 =	vld [tilespmem:s0+$0x4000]  }
0x32e: {  	v6 =	vadd.f32 v9, v6;
	v9 =	vld [tilespmem:s29+$0x3010]  }
0x32f: {  	v13 =	vld [tilespmem:s0+$0x5000];
	v8 =	vadd.f32 v10, v8  }
0x330: {  	v10 =	vld [tilespmem:s29+$0x4010];
	v6 =	vadd.f32 v11, v6  }
0x331: {  	v11 =	vld [tilespmem:s0+$0x6000];
	v7 =	vadd.f32 v7, v8  }
0x332: {  	v8 =	vld [tilespmem:s29+$0x5010];
	v6 =	vadd.f32 v12, v6  }
0x333: {  	v12 =	vld [tilespmem:s0+$0x7000];
	v7 =	vadd.f32 v9, v7  }
0x334: {  	v9 =	vld [tilespmem:s29+$0x6010];
	v6 =	vadd.f32 v13, v6  }
0x335: {  	v13 =	vld [tilespmem:s0+$0x8000];
	v7 =	vadd.f32 v10, v7  }
0x336: {  	v10 =	vld [tilespmem:s29+$0x7010];
	v6 =	vadd.f32 v11, v6  }
0x337: {  	v11 =	vld [tilespmem:s0+$0x9000];
	v7 =	vadd.f32 v8, v7  }
0x338: {  	v8 =	vld [tilespmem:s29+$0x8010];
	v6 =	vadd.f32 v12, v6  }
0x339: {  	v12 =	vld [tilespmem:s0+$0xA000];
	v7 =	vadd.f32 v9, v7  }
0x33a: {  	v9 =	vld [tilespmem:s29+$0x9010];
	v6 =	vadd.f32 v13, v6  }
0x33b: {  	v13 =	vld [tilespmem:s0+$0xB000];
	v7 =	vadd.f32 v10, v7  }
0x33c: {  	v10 =	vld [tilespmem:s29+$0xA010];
	v6 =	vadd.f32 v11, v6  }
0x33d: {  	v11 =	vld [tilespmem:s0+$0xC000];
	v7 =	vadd.f32 v8, v7  }
0x33e: {  	v6 =	vadd.f32 v12, v6;
	v12 =	vld [tilespmem:s29+$0xB010]  }
0x33f: {  	v14 =	vld [tilespmem:s0+$0xD000];
	v7 =	vadd.f32 v9, v7  }
0x340: {  	v9 =	vld [tilespmem:s29+$0xC010];
	v8 =	vadd.f32 v13, v6  }
0x341: {  	v6 =	vld [tilespmem:s0+$0xE000];
	v10 =	vadd.f32 v10, v7  }
0x342: {  	v11 =	vadd.f32 v11, v8;
	v8 =	vld [tilespmem:s29+$0xD010]  }
0x343: {  	v7 =	vld [tilespmem:s0+$0xF000];
	v12 =	vadd.f32 v12, v10  }
0x344: {  	s0 =	simm.s32 $0x80;
	v10 =	vld [tilespmem:s29+$0xE010];
	v11 =	vadd.f32 v14, v11  }
.LBB2_52:
0x345: {  	s30 =	sadd.s32 $0x20, s30;
	s31 =	sshra.s32 s0, $0x2;
	v9 =	vadd.f32 v9, v12;
	v12 =	vld [tilespmem:s29+$0xF010]  }
0x346: {  	v13 =	vld [tilespmem:s31+$0x0];
	s2 =	sand.u32 $0xFE0, s30;
	p0 =	slt.u32 s30, $0xFE0;
	v6 =	vadd.f32 v6, v11  }
0x347: {  	v11 =	vld [tilespmem:s2+$0x1000];
	v8 =	vadd.f32 v8, v9  }
0x348: {  	v9 =	vld [tilespmem:s31+$0x10];
	v6 =	vadd.f32 v7, v6  }
0x349: {  	v7 =	vld [tilespmem:s2+$0x2000];
	v8 =	vadd.f32 v10, v8  }
0x34a: {  	v10 =	vld [tilespmem:s31+$0x1010];
	[tilespmem:s29+$0x18000] =	vst v6  }
0x34b: {  	v6 =	vld [tilespmem:s2+$0x3000];
	v8 =	vadd.f32 v12, v8  }
0x34c: {  	v11 =	vadd.f32 v11, v13;
	v12 =	vld [tilespmem:s31+$0x2010]  }
0x34d: {  	v13 =	vld [tilespmem:s2+$0x4000];
	[tilespmem:s29+$0x18010] =	vst v8;
	s29 =	smov.u32 s31  }
0x34e: {  	v7 =	vadd.f32 v7, v11;
	v8 =	vld [tilespmem:s29+$0x3010]  }
0x34f: {  	v11 =	vld [tilespmem:s2+$0x5000];
	v9 =	vadd.f32 v10, v9  }
0x350: {  	v6 =	vadd.f32 v6, v7;
	v7 =	vld [tilespmem:s29+$0x4010]  }
0x351: {  	v10 =	vld [tilespmem:s2+$0x6000];
	v9 =	vadd.f32 v12, v9  }
0x352: {  	v6 =	vadd.f32 v13, v6;
	v12 =	vld [tilespmem:s29+$0x5010]  }
0x353: {  	v13 =	vld [tilespmem:s2+$0x7000];
	v8 =	vadd.f32 v8, v9  }
0x354: {  	v6 =	vadd.f32 v11, v6;
	v9 =	vld [tilespmem:s29+$0x6010]  }
0x355: {  	v11 =	vld [tilespmem:s2+$0x8000];
	v7 =	vadd.f32 v7, v8  }
0x356: {  	v6 =	vadd.f32 v10, v6;
	v8 =	vld [tilespmem:s29+$0x7010]  }
0x357: {  	v10 =	vld [tilespmem:s2+$0x9000];
	v7 =	vadd.f32 v12, v7  }
0x358: {  	v6 =	vadd.f32 v13, v6;
	v12 =	vld [tilespmem:s29+$0x8010]  }
0x359: {  	v13 =	vld [tilespmem:s2+$0xA000];
	v7 =	vadd.f32 v9, v7  }
0x35a: {  	v6 =	vadd.f32 v11, v6;
	v9 =	vld [tilespmem:s29+$0x9010]  }
0x35b: {  	v11 =	vld [tilespmem:s2+$0xB000];
	v7 =	vadd.f32 v8, v7  }
0x35c: {  	v6 =	vadd.f32 v10, v6;
	v8 =	vld [tilespmem:s29+$0xA010]  }
0x35d: {  	v10 =	vld [tilespmem:s2+$0xC000];
	v7 =	vadd.f32 v12, v7  }
0x35e: {  	v6 =	vadd.f32 v13, v6;
	v12 =	vld [tilespmem:s29+$0xB010]  }
0x35f: {  	v13 =	vld [tilespmem:s2+$0xD000];
	v7 =	vadd.f32 v9, v7  }
.Ltmp25:
0x360: {  	v11 =	vadd.f32 v11, v6;
	v9 =	vld [tilespmem:s29+$0xC010];
	(pc) =	sbr.rel @p0 .LBB2_52-.Ltmp25, $4  }
0x361: {  	v6 =	vld [tilespmem:s2+$0xE000];
	v14 =	vadd.f32 v8, v7  }
0x362: {  	v10 =	vadd.f32 v10, v11;
	v8 =	vld [tilespmem:s29+$0xD010]  }
0x363: {  	v7 =	vld [tilespmem:s2+$0xF000];
	v12 =	vadd.f32 v12, v14  }
0x364: {  	s0 =	sadd.s32 $0x80, s0;
	v11 =	vadd.f32 v13, v10;
	v10 =	vld [tilespmem:s29+$0xE010]  }
0x365: {  	v9 =	vadd.f32 v9, v12  }
0x366: {  	v63 =	vld [tilespmem:s29+$0xF010]  }
0x367: {  	v8 =	vadd.f32 v8, v9  }
0x368: {  	v6 =	vadd.f32 v6, v11  }
0x369: {  	v8 =	vadd.f32 v10, v8  }
0x36a: {  	v6 =	vadd.f32 v7, v6  }
0x36b: {  	s28 =	sadd.s32 $0x1, s28;
	v7 =	vadd.f32 v63, v8  }
0x36c: {  	p0 =	sne.s32 s28, s20;
	[tilespmem:s29+$0x18000] =	vst v6  }
.Ltmp26:
0x36d: {  	[tilespmem:s29+$0x18010] =	vst v7;
	(pc) =	sbr.rel @p0 .LBB2_1-.Ltmp26, $4  }
0x36e: {  	[hbm4b:s19+s23] =	stream.strided.scatter [tilespmem:s25], [sflag:$0x3], $0x1000, s24, s23, $0x38;
	[tilespmem:$0x19000] =	vst v63  }
0x36f: {  	_ =	swait.ge [sflag:s26], $0x1000  }
0x370: {  	[sflag:s26] =	ssyncset.done $0x0  }
0x371: {  	[sflag:s26] =	ssyncadd.s32 $0xFFFFF000  }
0x372: {  	_ =	sfence.sel $0x180000  }
0x373: {  	[bflag:$0x0] =	sbarrier.arrive $0xFFFF  }
0x374: {  	_ =	strace $0x90000047  }
0x375: {  	s0 =	stileid.u32;
	[bflag:$0x2] =	sbarrier.arrive $0xFFFF  }
0x376: {  	p0 =	sne.s32 s0, $0x0;
	s0 =	rddreg [dreg:$0x1]  }
0x377: {  	s0 =	sadd.s32 @!p0 $0x100000, s0  }
0x378: {  	[sflag:s0] =	ssyncadd.tile.s32 @!p0 $0x1;
	_ =	shalt  }
.Lfunc_end2:
_tile_overlayer_lowered:
.L_overlay_start_2:
0x379: {  	(tag) =	ssettag $0x2  }
0x37a: {  	s0 =	rddreg [dreg:$0x0];
	s2 =	stileid.u32  }
0x37b: {  	s1 =	rddreg [dreg:$0x1];
	p0 =	sne.s32 s2, $0x0  }
0x37c: {  	s3 =	rddreg [dreg:$0x2];
	[bflag:$0x3] =	sbarrier.arrive $0xFFFF;
	s2 =	simm.s32 @!p0 $0x1C03  }
0x37d: {  	[timem:s3], [sflag:s2] =	dma.local @!p0 [hbm:s0], s1  }
0x37e: {  	s0 =	simm.s32 @!p0 $0x3  }
0x37f: {  	_ =	swait.ge @!p0 [sflag:s0], s1  }
0x380: {  	s1 =	ssub.s32 @!p0 $0x0, s1;
	[sflag:s0] =	ssyncset.done @!p0 $0x0  }
0x381: {  	[sflag:s0] =	ssyncadd.s32 @!p0 s1  }
0x382: {  	[bflag:$0x3] =	sbarrier.arrive $0xFFFF  }
0x383: {  	_ =	shalt  }

</sc_bundles>
